<compile_context>
chip_gen: v7x
topology: tpu7x:2x2x1
jax: 0.10.2.dev20260603
libtpu: 0.0.44.dev20260713+nightly
codegen_flags: <defaults>
</compile_context>

<pallas_src>
import functools

import jax
import jax.numpy as jnp
from jax import lax
from jax.experimental import pallas as pl
from jax.experimental.pallas import tpu as pltpu
from jax.experimental.pallas import tpu_sc as plsc

NC = 2
NS = 16
NW = NC * NS
L = 16
B = 128
ZR = 16
GS = 8


def _mesh():
    return plsc.VectorSubcoreMesh(
        core_axis_name="c", subcore_axis_name="s",
        num_cores=NC, num_subcores=NS)


def _fill2d(ref, rows, width, value):
    sub = width // L

    def body(k, carry):
        ref[k // sub, pl.ds(lax.rem(k, sub) * L, L)] = jnp.full(
            (L,), value, jnp.float32)
        return carry

    lax.fori_loop(0, rows * sub, body, 0)


def _deg_body(npad, nchunks, d_in, dst_hbm, deg_out, idx_v, ones_v, zb, sdeg):
    c = lax.axis_index("c")
    s = lax.axis_index("s")
    w = c * NS + s
    rows = npad // NS

    _fill2d(zb, ZR, d_in, 0.0)
    _fill2d(ones_v, B, d_in, 1.0)

    def zero_acc(k, carry):
        pltpu.sync_copy(zb, sdeg.at[pl.ds(s * rows + k * ZR, ZR)])
        return carry

    lax.fori_loop(0, rows // ZR, zero_acc, 0)
    plsc.subcore_barrier()

    def scat(j, carry):
        pltpu.sync_copy(dst_hbm.at[w, j], idx_v)
        pltpu.sync_copy(ones_v, sdeg.at[idx_v], add=True)
        return carry

    lax.fori_loop(0, nchunks, scat, 0)
    plsc.subcore_barrier()
    pltpu.sync_copy(sdeg.at[pl.ds(s * rows, rows)],
                    deg_out.at[c, pl.ds(s * rows, rows)])


def _agg_body(npad, nchunks, d_in, xs_hbm, src_hbm, dst_hbm, acc_out,
              srcg0, srcg1, dstg0, dstg1, buf0, buf1, zb, sacc,
              semg0, semg1, sems0, sems1, semh0, semh1):
    c = lax.axis_index("c")
    s = lax.axis_index("s")
    w = c * NS + s
    rows = npad // NS

    _fill2d(zb, ZR, d_in, 0.0)

    def zero_acc(k, carry):
        pltpu.sync_copy(zb, sacc.at[pl.ds(s * rows + k * ZR, ZR)])
        return carry

    lax.fori_loop(0, rows // ZR, zero_acc, 0)
    plsc.subcore_barrier()

    srcg = (srcg0, srcg1)
    dstg = (dstg0, dstg1)
    sems = (sems0, sems1)
    semg = (semg0, semg1)
    semh = (semh0, semh1)
    bufs = (buf0, buf1)
    H = B // 2

    def gpair(k, carry):
        for parity in (0, 1):
            g = 2 * k + parity
            sg = srcg[parity]
            dg = dstg[parity]
            pltpu.sync_copy(src_hbm.at[w, pl.ds(g * GS, GS)], sg)
            pltpu.sync_copy(dst_hbm.at[w, pl.ds(g * GS, GS)], dg)
            for i in range(GS // 2):
                gds = []
                for half in (0, 1):
                    j = 2 * i + half

                    def drain(_j=j, _half=half, _dg=dg):
                        pltpu.make_async_copy(
                            bufs[_half], sacc.at[_dg.at[_j]], sems[_half]
                        ).wait()

                    if parity == 0 and i == 0 and half == 0:
                        pl.when(k > 0)(drain)
                    elif parity == 0 and i == 0 and half == 1:
                        pl.when(k > 0)(drain)
                    else:
                        drain()
                    gds.append((
                        pltpu.async_copy(
                            xs_hbm.at[sg.at[j, pl.ds(0, H)]],
                            bufs[half].at[pl.ds(0, H)], semg[half]),
                        pltpu.async_copy(
                            xs_hbm.at[sg.at[j, pl.ds(H, H)]],
                            bufs[half].at[pl.ds(H, H)], semh[half]),
                    ))
                for half in (0, 1):
                    j = 2 * i + half
                    gds[half][0].wait()
                    gds[half][1].wait()
                    pltpu.async_copy(
                        bufs[half], sacc.at[dg.at[j]], sems[half], add=True)
        return carry

    lax.fori_loop(0, nchunks // (2 * GS), gpair, 0)
    for half in (0, 1):
        pltpu.make_async_copy(
            bufs[half], sacc.at[dstg1.at[GS - 2 + half]], sems[half]).wait()
    plsc.subcore_barrier()
    pltpu.sync_copy(sacc.at[pl.ds(s * rows, rows)],
                    acc_out.at[c, pl.ds(s * rows, rows)])


def _scale_body(deg0_ref, deg1_ref, x_ref, dinv_ref, xs_ref):
    d = deg0_ref[:, 0:1] + deg1_ref[:, 0:1] + 1.0
    dinv = lax.rsqrt(d)
    dinv_ref[...] = dinv
    xs_ref[...] = x_ref[...] * dinv


def _head_body(acc0_ref, acc1_ref, xs_ref, dinv_ref, wmu_ref, bmu_ref,
               wls_ref, bls_ref, mu_ref, ls_ref):
    s = (acc0_ref[...] + acc1_ref[...] + xs_ref[...]) * dinv_ref[...]
    mu_ref[...] = (
        jnp.dot(s, wmu_ref[...], preferred_element_type=jnp.float32)
        + bmu_ref[...])
    ls_ref[...] = (
        jnp.dot(s, wls_ref[...], preferred_element_type=jnp.float32)
        + bls_ref[...])


def kernel(x, edge_index, W_mu, b_mu, W_logstd, b_logstd):
    N, d_in = x.shape
    d_out = W_mu.shape[1]
    E = edge_index.shape[1]

    npad = ((N + 1 + NS * ZR - 1) // (NS * ZR)) * (NS * ZR)
    nchunks = -(-E // (NW * B))
    nchunks = ((nchunks + 2 * GS - 1) // (2 * GS)) * (2 * GS)
    epad = NW * B * nchunks

    src = edge_index[0].astype(jnp.int32)
    dst = edge_index[1].astype(jnp.int32)
    fill = jnp.full((epad - E,), N, jnp.int32)
    src_r = jnp.concatenate([src, fill]).reshape(NW, nchunks, B)
    dst_r = jnp.concatenate([dst, fill]).reshape(NW, nchunks, B)
    x_pad = jnp.pad(x, ((0, npad - N), (0, 0)))

    deg = pl.kernel(
        functools.partial(_deg_body, npad, nchunks, d_in),
        out_type=jax.ShapeDtypeStruct((NC, npad, d_in), jnp.float32),
        mesh=_mesh(),
        scratch_types=[
            pltpu.VMEM((B,), jnp.int32),
            pltpu.VMEM((B, d_in), jnp.float32),
            pltpu.VMEM((ZR, d_in), jnp.float32),
            pltpu.VMEM_SHARED((npad, d_in), jnp.float32),
        ],
        name="gcn_degree_sc",
    )(dst_r)

    RB = 1024
    dinv, xs = pl.pallas_call(
        _scale_body,
        grid=(npad // RB,),
        in_specs=[
            pl.BlockSpec((None, RB, d_in), lambda i: (0, i, 0)),
            pl.BlockSpec((None, RB, d_in), lambda i: (1, i, 0)),
            pl.BlockSpec((RB, d_in), lambda i: (i, 0)),
        ],
        out_specs=[
            pl.BlockSpec((RB, 1), lambda i: (i, 0)),
            pl.BlockSpec((RB, d_in), lambda i: (i, 0)),
        ],
        out_shape=[
            jax.ShapeDtypeStruct((npad, 1), jnp.float32),
            jax.ShapeDtypeStruct((npad, d_in), jnp.float32),
        ],
        name="gcn_scale_tc",
    )(deg, deg, x_pad)

    acc = pl.kernel(
        functools.partial(_agg_body, npad, nchunks, d_in),
        out_type=jax.ShapeDtypeStruct((NC, npad, d_in), jnp.float32),
        mesh=_mesh(),
        scratch_types=[
            pltpu.VMEM((GS, B), jnp.int32),
            pltpu.VMEM((GS, B), jnp.int32),
            pltpu.VMEM((GS, B), jnp.int32),
            pltpu.VMEM((GS, B), jnp.int32),
            pltpu.VMEM((B, d_in), jnp.float32),
            pltpu.VMEM((B, d_in), jnp.float32),
            pltpu.VMEM((ZR, d_in), jnp.float32),
            pltpu.VMEM_SHARED((npad, d_in), jnp.float32),
            pltpu.SemaphoreType.DMA,
            pltpu.SemaphoreType.DMA,
            pltpu.SemaphoreType.DMA,
            pltpu.SemaphoreType.DMA,
            pltpu.SemaphoreType.DMA,
            pltpu.SemaphoreType.DMA,
        ],
        name="gcn_aggregate_sc",
    )(xs, src_r, dst_r)

    RO = 2000 if N % 2000 == 0 else (1000 if N % 1000 == 0 else N)
    mu, ls = pl.pallas_call(
        _head_body,
        grid=(N // RO,),
        in_specs=[
            pl.BlockSpec((None, RO, d_in), lambda i: (0, i, 0)),
            pl.BlockSpec((None, RO, d_in), lambda i: (1, i, 0)),
            pl.BlockSpec((RO, d_in), lambda i: (i, 0)),
            pl.BlockSpec((RO, 1), lambda i: (i, 0)),
            pl.BlockSpec((d_in, d_out), lambda i: (0, 0)),
            pl.BlockSpec((1, d_out), lambda i: (0, 0)),
            pl.BlockSpec((d_in, d_out), lambda i: (0, 0)),
            pl.BlockSpec((1, d_out), lambda i: (0, 0)),
        ],
        out_specs=[
            pl.BlockSpec((RO, d_out), lambda i: (i, 0)),
            pl.BlockSpec((RO, d_out), lambda i: (i, 0)),
        ],
        out_shape=[
            jax.ShapeDtypeStruct((N, d_out), jnp.float32),
            jax.ShapeDtypeStruct((N, d_out), jnp.float32),
        ],
        name="gcn_heads_tc",
    )(acc, acc, xs, dinv, W_mu, b_mu.reshape(1, -1),
      W_logstd, b_logstd.reshape(1, -1))
    return (mu, ls)

# --- scband reference (transcript-rebuilt; emitter-appended) ---
"""Pipeline reference for scband-variational-linear-encoder-6760278524377 (READ-ONLY COPY).

The authoritative reference and input builder live on the scoring server;
editing this copy changes nothing except your own understanding.
"""

import jax, jax.numpy as jnp
import numpy as np


def gcn_conv(x, edge_index, W, b):
    # Faithful GCNConv: add self-loops, symmetric normalization D^-1/2 (A+I) D^-1/2,
    # linear transform, message = x_j * norm, scatter-add to dst, add bias.
    N = x.shape[0]
    src = edge_index[0]
    dst = edge_index[1]
    loop = jnp.arange(N, dtype=src.dtype)
    src = jnp.concatenate([src, loop])
    dst = jnp.concatenate([dst, loop])
    deg = jnp.zeros((N,), dtype=x.dtype).at[dst].add(jnp.ones_like(dst, dtype=x.dtype))
    dinv = jnp.where(deg > 0, jax.lax.rsqrt(jnp.maximum(deg, 1e-12)), 0.0)
    norm = dinv[src] * dinv[dst]
    h = x @ W
    msgs = h[src] * norm[:, None]
    out = jax.ops.segment_sum(msgs, dst, num_segments=N)
    return out + b


def setup_inputs(seed: int = 0) -> dict:
    key = jax.random.key(seed)
    k1, k2, k3, k4 = jax.random.split(key, 4)
    N = 10000
    E = 320000
    d_in = 128
    d_out = 128
    x = jax.random.normal(k1, (N, d_in), dtype=jnp.float32)
    edge_index = jax.random.randint(k2, (2, E), 0, N)
    scale = 1.0 / np.sqrt(d_in)
    W_mu = jax.random.normal(k3, (d_in, d_out), dtype=jnp.float32) * scale
    b_mu = jnp.zeros((d_out,), dtype=jnp.float32)
    W_logstd = jax.random.normal(k4, (d_in, d_out), dtype=jnp.float32) * scale
    b_logstd = jnp.zeros((d_out,), dtype=jnp.float32)
    return {
        "x": x,
        "edge_index": edge_index,
        "W_mu": W_mu,
        "b_mu": b_mu,
        "W_logstd": W_logstd,
        "b_logstd": b_logstd,
    }


def reference(x, edge_index, W_mu, b_mu, W_logstd, b_logstd):
    mu = gcn_conv(x, edge_index, W_mu, b_mu)
    logstd = gcn_conv(x, edge_index, W_logstd, b_logstd)
    return (mu, logstd)

if __name__ == "__main__":
    import jax
    _d = setup_inputs()
    print(jax.jit(kernel)(*tuple(_d.values())))

</pallas_src>

<mosaic_0001>
#map = affine_map<(d0, d1) -> (0, 0, 0)>
module attributes {stable_mosaic.version = 14 : i64} {
  func.func @gcn_degree_sc(%arg0: i32, %arg1: i32, %arg2: memref<32x80x128xi32, #tpu.memory_space<hbm>>, %arg3: memref<2x10240x128xf32, #tpu.memory_space<hbm>>, %arg4: memref<128xi32, #tpu.memory_space<vmem>>, %arg5: memref<128x128xf32, #tpu.memory_space<vmem>>, %arg6: memref<16x128xf32, #tpu.memory_space<vmem>>, %arg7: memref<10240x128xf32, #tpu.memory_space<vmem_shared>>) attributes {dimension_semantics = [#tpu.dimension_semantics<core_parallel>, #tpu.dimension_semantics<subcore_parallel>], iteration_bounds = array<i64: 2, 16>, scalar_prefetch = 0 : i64, scratch_operands = 4 : i64, tpu.core_type = #tpu.core_type<sc_vector_subcore>, window_params = [{transform_indices = #map}, {transform_indices = #map}]} {
    %mul3A = arith.constant 16 : i32
    %mul3A_0 = arith.muli %arg0, %mul3A : i32
    %add3A = arith.addi %mul3A_0, %arg1 : i32
    %scan3A = arith.constant 0 : i32
    %scan3A_1 = arith.constant 0 : i32
    %scan3A_2 = arith.constant 128 : i32
    %scan3A_3 = arith.addi %scan3A_1, %scan3A_2 : i32
    %scan3A_4 = arith.constant 1 : i32
    scf.for %scan3A_29 = %scan3A_1 to %scan3A_3 step %scan3A_4  : i32 {
      %broadcast_in_dim3A = arith.constant 0.000000e+00 : f32
      %broadcast_in_dim3A_30 = vector.broadcast %broadcast_in_dim3A : f32 to vector<16xf32>
      %jit3A = arith.constant 8 : i32
      %div3A = arith.divsi %scan3A_29, %jit3A : i32
      %sign3A = arith.constant 0 : i32
      %sign3A_31 = arith.cmpi sgt, %scan3A_29, %sign3A : i32
      %sign3A_32 = arith.extui %sign3A_31 : i1 to i32
      %sign3A_33 = arith.constant 0 : i32
      %sign3A_34 = arith.cmpi slt, %scan3A_29, %sign3A_33 : i32
      %sign3A_35 = arith.extui %sign3A_34 : i1 to i32
      %sign3A_36 = arith.subi %sign3A_32, %sign3A_35 : i32
      %sign3A_37 = arith.constant 0 : i32
      %sign3A_38 = arith.cmpi sgt, %jit3A, %sign3A_37 : i32
      %sign3A_39 = arith.extui %sign3A_38 : i1 to i32
      %sign3A_40 = arith.constant 0 : i32
      %sign3A_41 = arith.cmpi slt, %jit3A, %sign3A_40 : i32
      %sign3A_42 = arith.extui %sign3A_41 : i1 to i32
      %sign3A_43 = arith.subi %sign3A_39, %sign3A_42 : i32
      %ne3A = arith.cmpi ne, %sign3A_36, %sign3A_43 : i32
      %rem3A = arith.remsi %scan3A_29, %jit3A : i32
      %ne3A_44 = arith.constant 0 : i32
      %ne3A_45 = arith.cmpi ne, %rem3A, %ne3A_44 : i32
      %and3A = arith.andi %ne3A, %ne3A_45 : i1
      %sub3A = arith.constant 1 : i32
      %sub3A_46 = arith.subi %div3A, %sub3A : i32
      %select_n3A = arith.select %and3A, %sub3A_46, %div3A : i32
      %rem3A_47 = arith.constant 8 : i32
      %rem3A_48 = arith.remsi %scan3A_29, %rem3A_47 : i32
      %mul3A_49 = arith.constant 16 : i32
      %mul3A_50 = arith.muli %rem3A_48, %mul3A_49 : i32
      %swap3A = arith.index_cast %select_n3A : i32 to index
      %swap3A_51 = arith.index_cast %mul3A_50 : i32 to index
      %swap3A_52 = tpu.vector_load %arg6[%swap3A, %swap3A_51] {strides = array<i32>} : memref<16x128xf32, #tpu.memory_space<vmem>>, vector<1x16xf32>,
      %swap3A_53 = vector.shape_cast %swap3A_52 : vector<1x16xf32> to vector<16xf32>
      %swap3A_54 = vector.shape_cast %broadcast_in_dim3A_30 : vector<16xf32> to vector<1x16xf32>
      tpu.vector_store %arg6[%swap3A, %swap3A_51], %swap3A_54 {strides = array<i32>} : memref<16x128xf32, #tpu.memory_space<vmem>>, vector<1x16xf32>,
    }
    %scan3A_5 = arith.constant 128 : i32
    %scan3A_6 = arith.constant 0 : i32
    %scan3A_7 = arith.constant 0 : i32
    %scan3A_8 = arith.constant 1024 : i32
    %scan3A_9 = arith.addi %scan3A_7, %scan3A_8 : i32
    %scan3A_10 = arith.constant 1 : i32
    scf.for %scan3A_29 = %scan3A_7 to %scan3A_9 step %scan3A_10  : i32 {
      %broadcast_in_dim3A = arith.constant 1.000000e+00 : f32
      %broadcast_in_dim3A_30 = vector.broadcast %broadcast_in_dim3A : f32 to vector<16xf32>
      %jit3A = arith.constant 8 : i32
      %div3A = arith.divsi %scan3A_29, %jit3A : i32
      %sign3A = arith.constant 0 : i32
      %sign3A_31 = arith.cmpi sgt, %scan3A_29, %sign3A : i32
      %sign3A_32 = arith.extui %sign3A_31 : i1 to i32
      %sign3A_33 = arith.constant 0 : i32
      %sign3A_34 = arith.cmpi slt, %scan3A_29, %sign3A_33 : i32
      %sign3A_35 = arith.extui %sign3A_34 : i1 to i32
      %sign3A_36 = arith.subi %sign3A_32, %sign3A_35 : i32
      %sign3A_37 = arith.constant 0 : i32
      %sign3A_38 = arith.cmpi sgt, %jit3A, %sign3A_37 : i32
      %sign3A_39 = arith.extui %sign3A_38 : i1 to i32
      %sign3A_40 = arith.constant 0 : i32
      %sign3A_41 = arith.cmpi slt, %jit3A, %sign3A_40 : i32
      %sign3A_42 = arith.extui %sign3A_41 : i1 to i32
      %sign3A_43 = arith.subi %sign3A_39, %sign3A_42 : i32
      %ne3A = arith.cmpi ne, %sign3A_36, %sign3A_43 : i32
      %rem3A = arith.remsi %scan3A_29, %jit3A : i32
      %ne3A_44 = arith.constant 0 : i32
      %ne3A_45 = arith.cmpi ne, %rem3A, %ne3A_44 : i32
      %and3A = arith.andi %ne3A, %ne3A_45 : i1
      %sub3A = arith.constant 1 : i32
      %sub3A_46 = arith.subi %div3A, %sub3A : i32
      %select_n3A = arith.select %and3A, %sub3A_46, %div3A : i32
      %rem3A_47 = arith.constant 8 : i32
      %rem3A_48 = arith.remsi %scan3A_29, %rem3A_47 : i32
      %mul3A_49 = arith.constant 16 : i32
      %mul3A_50 = arith.muli %rem3A_48, %mul3A_49 : i32
      %swap3A = arith.index_cast %select_n3A : i32 to index
      %swap3A_51 = arith.index_cast %mul3A_50 : i32 to index
      %swap3A_52 = tpu.vector_load %arg5[%swap3A, %swap3A_51] {strides = array<i32>} : memref<128x128xf32, #tpu.memory_space<vmem>>, vector<1x16xf32>,
      %swap3A_53 = vector.shape_cast %swap3A_52 : vector<1x16xf32> to vector<16xf32>
      %swap3A_54 = vector.shape_cast %broadcast_in_dim3A_30 : vector<16xf32> to vector<1x16xf32>
      tpu.vector_store %arg5[%swap3A, %swap3A_51], %swap3A_54 {strides = array<i32>} : memref<128x128xf32, #tpu.memory_space<vmem>>, vector<1x16xf32>,
    }
    %scan3A_11 = arith.constant 1024 : i32
    %scan3A_12 = arith.constant 0 : i32
    %scan3A_13 = arith.constant 0 : i32
    %scan3A_14 = arith.constant 40 : i32
    %scan3A_15 = arith.addi %scan3A_13, %scan3A_14 : i32
    %scan3A_16 = arith.constant 1 : i32
    scf.for %scan3A_29 = %scan3A_13 to %scan3A_15 step %scan3A_16  : i32 {
      %mul3A_30 = arith.constant 640 : i32
      %mul3A_31 = arith.muli %arg1, %mul3A_30 : i32
      %mul3A_32 = arith.constant 16 : i32
      %mul3A_33 = arith.muli %scan3A_29, %mul3A_32 : i32
      %add3A_34 = arith.addi %mul3A_31, %mul3A_33 : i32
      "tpu.region"() ({
        %run_scoped3A = tpu.sem_alloc : memref<!tpu.dma_semaphore, #tpu.memory_space<semaphore_mem>>
        %dma_start3A = arith.constant 0 : i32
        %dma_start3A_35 = tpu.memref_slice %arg7[%add3A_34, %dma_start3A] : memref<10240x128xf32, #tpu.memory_space<vmem_shared>> -> memref<16x128xf32, #tpu.memory_space<vmem_shared>>
        %dma_start3A_36 = arith.constant 0 : i32
        %dma_start3A_37 = tpu.memref_slice %arg7[%add3A_34, %dma_start3A_36] : memref<10240x128xf32, #tpu.memory_space<vmem_shared>> -> memref<16x128xf32, #tpu.memory_space<vmem_shared>>
        tpu.enqueue_dma source(%arg6 : memref<16x128xf32, #tpu.memory_space<vmem>>) target(%dma_start3A_37 : memref<16x128xf32, #tpu.memory_space<vmem_shared>>) target_semaphore(%run_scoped3A : memref<!tpu.dma_semaphore, #tpu.memory_space<semaphore_mem>>)
        %dma_wait3A = arith.constant 0 : i32
        %dma_wait3A_38 = tpu.memref_slice %arg7[%add3A_34, %dma_wait3A] : memref<10240x128xf32, #tpu.memory_space<vmem_shared>> -> memref<16x128xf32, #tpu.memory_space<vmem_shared>>
        %dma_wait3A_39 = arith.constant 0 : i32
        %dma_wait3A_40 = tpu.memref_slice %arg7[%add3A_34, %dma_wait3A_39] : memref<10240x128xf32, #tpu.memory_space<vmem_shared>> -> memref<16x128xf32, #tpu.memory_space<vmem_shared>>
        tpu.wait_dma2 semaphore(%run_scoped3A : memref<!tpu.dma_semaphore, #tpu.memory_space<semaphore_mem>>) src(%arg6 : memref<16x128xf32, #tpu.memory_space<vmem>>) dst(%dma_wait3A_40 : memref<16x128xf32, #tpu.memory_space<vmem_shared>>)
        tpu.yield
      }) : () -> ()
    }
    %scan3A_17 = arith.constant 40 : i32
    %barrier3A = arith.constant 0 : index
    tpu.barrier barrier_id(%barrier3A)
    %scan3A_18 = arith.constant 0 : i32
    %scan3A_19 = arith.constant 0 : i32
    %scan3A_20 = arith.constant 80 : i32
    %scan3A_21 = arith.addi %scan3A_19, %scan3A_20 : i32
    %scan3A_22 = arith.constant 1 : i32
    scf.for %scan3A_29 = %scan3A_19 to %scan3A_21 step %scan3A_22  : i32 {
      "tpu.region"() ({
        %run_scoped3A = tpu.sem_alloc : memref<!tpu.dma_semaphore, #tpu.memory_space<semaphore_mem>>
        %dma_start3A = arith.constant 0 : i32
        %dma_start3A_30 = tpu.memref_slice %arg2[%add3A, %scan3A_29, %dma_start3A] : memref<32x80x128xi32, #tpu.memory_space<hbm>> -> memref<1x1x128xi32, #tpu.memory_space<hbm>>
        %dma_start3A_31 = tpu.memref_squeeze %dma_start3A_30 : memref<1x1x128xi32, #tpu.memory_space<hbm>> -> memref<128xi32, #tpu.memory_space<hbm>>
        %dma_start3A_32 = arith.constant 0 : i32
        %dma_start3A_33 = tpu.memref_slice %arg2[%add3A, %scan3A_29, %dma_start3A_32] : memref<32x80x128xi32, #tpu.memory_space<hbm>> -> memref<1x1x128xi32, #tpu.memory_space<hbm>>
        %dma_start3A_34 = tpu.memref_squeeze %dma_start3A_33 : memref<1x1x128xi32, #tpu.memory_space<hbm>> -> memref<128xi32, #tpu.memory_space<hbm>>
        tpu.enqueue_dma source(%dma_start3A_34 : memref<128xi32, #tpu.memory_space<hbm>>) target(%arg4 : memref<128xi32, #tpu.memory_space<vmem>>) target_semaphore(%run_scoped3A : memref<!tpu.dma_semaphore, #tpu.memory_space<semaphore_mem>>)
        %dma_wait3A = arith.constant 0 : i32
        %dma_wait3A_35 = tpu.memref_slice %arg2[%add3A, %scan3A_29, %dma_wait3A] : memref<32x80x128xi32, #tpu.memory_space<hbm>> -> memref<1x1x128xi32, #tpu.memory_space<hbm>>
        %dma_wait3A_36 = tpu.memref_squeeze %dma_wait3A_35 : memref<1x1x128xi32, #tpu.memory_space<hbm>> -> memref<128xi32, #tpu.memory_space<hbm>>
        %dma_wait3A_37 = arith.constant 0 : i32
        %dma_wait3A_38 = tpu.memref_slice %arg2[%add3A, %scan3A_29, %dma_wait3A_37] : memref<32x80x128xi32, #tpu.memory_space<hbm>> -> memref<1x1x128xi32, #tpu.memory_space<hbm>>
        %dma_wait3A_39 = tpu.memref_squeeze %dma_wait3A_38 : memref<1x1x128xi32, #tpu.memory_space<hbm>> -> memref<128xi32, #tpu.memory_space<hbm>>
        tpu.wait_dma2 semaphore(%run_scoped3A : memref<!tpu.dma_semaphore, #tpu.memory_space<semaphore_mem>>) src(%dma_wait3A_39 : memref<128xi32, #tpu.memory_space<hbm>>) dst(%arg4 : memref<128xi32, #tpu.memory_space<vmem>>)
        tpu.yield
      }) : () -> ()
      "tpu.region"() ({
        %run_scoped3A = tpu.sem_alloc : memref<!tpu.dma_semaphore, #tpu.memory_space<semaphore_mem>>
        %dma_start3A = arith.constant 0 : i32
        %dma_start3A_30 = arith.constant 0 : i32
        %dma_start3A_31 = tpu.memref_slice %arg7[%dma_start3A, %dma_start3A_30] : memref<10240x128xf32, #tpu.memory_space<vmem_shared>> -> memref<10240x128xf32, #tpu.memory_space<vmem_shared>>
        tpu.enqueue_indirect_dma source(%arg5 : memref<128x128xf32, #tpu.memory_space<vmem>>) target(%dma_start3A_31 : memref<10240x128xf32, #tpu.memory_space<vmem_shared>>) offsets(%arg4 : memref<128xi32, #tpu.memory_space<vmem>>) semaphore(%run_scoped3A : memref<!tpu.dma_semaphore, #tpu.memory_space<semaphore_mem>>) {add = true}
        %dma_wait3A = arith.constant 0 : i32
        %dma_wait3A_32 = arith.constant 0 : i32
        %dma_wait3A_33 = tpu.memref_slice %arg7[%dma_wait3A, %dma_wait3A_32] : memref<10240x128xf32, #tpu.memory_space<vmem_shared>> -> memref<10240x128xf32, #tpu.memory_space<vmem_shared>>
        tpu.wait_indirect_dma semaphore(%run_scoped3A : memref<!tpu.dma_semaphore, #tpu.memory_space<semaphore_mem>>) src(%arg5 : memref<128x128xf32, #tpu.memory_space<vmem>>) dst(%dma_wait3A_33 : memref<10240x128xf32, #tpu.memory_space<vmem_shared>>)
        tpu.yield
      }) : () -> ()
    }
    %scan3A_23 = arith.constant 80 : i32
    %barrier3A_24 = arith.constant 0 : index
    tpu.barrier barrier_id(%barrier3A_24)
    %mul3A_25 = arith.constant 640 : i32
    %mul3A_26 = arith.muli %arg1, %mul3A_25 : i32
    %mul3A_27 = arith.constant 640 : i32
    %mul3A_28 = arith.muli %arg1, %mul3A_27 : i32
    "tpu.region"() ({
      %run_scoped3A = tpu.sem_alloc : memref<!tpu.dma_semaphore, #tpu.memory_space<semaphore_mem>>
      %dma_start3A = arith.constant 0 : i32
      %dma_start3A_29 = tpu.memref_slice %arg3[%arg0, %mul3A_28, %dma_start3A] : memref<2x10240x128xf32, #tpu.memory_space<hbm>> -> memref<1x640x128xf32, #tpu.memory_space<hbm>>
      %dma_start3A_30 = tpu.memref_squeeze %dma_start3A_29 : memref<1x640x128xf32, #tpu.memory_space<hbm>> -> memref<640x128xf32, #tpu.memory_space<hbm>>
      %dma_start3A_31 = arith.constant 0 : i32
      %dma_start3A_32 = tpu.memref_slice %arg7[%mul3A_26, %dma_start3A_31] : memref<10240x128xf32, #tpu.memory_space<vmem_shared>> -> memref<640x128xf32, #tpu.memory_space<vmem_shared>>
      tpu.enqueue_dma source(%dma_start3A_32 : memref<640x128xf32, #tpu.memory_space<vmem_shared>>) target(%dma_start3A_30 : memref<640x128xf32, #tpu.memory_space<hbm>>) target_semaphore(%run_scoped3A : memref<!tpu.dma_semaphore, #tpu.memory_space<semaphore_mem>>)
      %dma_wait3A = arith.constant 0 : i32
      %dma_wait3A_33 = tpu.memref_slice %arg3[%arg0, %mul3A_28, %dma_wait3A] : memref<2x10240x128xf32, #tpu.memory_space<hbm>> -> memref<1x640x128xf32, #tpu.memory_space<hbm>>
      %dma_wait3A_34 = tpu.memref_squeeze %dma_wait3A_33 : memref<1x640x128xf32, #tpu.memory_space<hbm>> -> memref<640x128xf32, #tpu.memory_space<hbm>>
      %dma_wait3A_35 = arith.constant 0 : i32
      %dma_wait3A_36 = tpu.memref_slice %arg7[%mul3A_26, %dma_wait3A_35] : memref<10240x128xf32, #tpu.memory_space<vmem_shared>> -> memref<640x128xf32, #tpu.memory_space<vmem_shared>>
      tpu.wait_dma2 semaphore(%run_scoped3A : memref<!tpu.dma_semaphore, #tpu.memory_space<semaphore_mem>>) src(%dma_wait3A_36 : memref<640x128xf32, #tpu.memory_space<vmem_shared>>) dst(%dma_wait3A_34 : memref<640x128xf32, #tpu.memory_space<hbm>>)
      tpu.yield
    }) : () -> ()
    return
  }
}

#map = affine_map<(d0, d1) -> (0, 0)>
#map1 = affine_map<(d0, d1) -> (0, 0, 0)>
module attributes {stable_mosaic.version = 14 : i64} {
  func.func @gcn_aggregate_sc(%arg0: i32, %arg1: i32, %arg2: memref<10240x128xf32, #tpu.memory_space<hbm>>, %arg3: memref<32x80x128xi32, #tpu.memory_space<hbm>>, %arg4: memref<32x80x128xi32, #tpu.memory_space<hbm>>, %arg5: memref<2x10240x128xf32, #tpu.memory_space<hbm>>, %arg6: memref<8x128xi32, #tpu.memory_space<vmem>>, %arg7: memref<8x128xi32, #tpu.memory_space<vmem>>, %arg8: memref<8x128xi32, #tpu.memory_space<vmem>>, %arg9: memref<8x128xi32, #tpu.memory_space<vmem>>, %arg10: memref<128x128xf32, #tpu.memory_space<vmem>>, %arg11: memref<128x128xf32, #tpu.memory_space<vmem>>, %arg12: memref<16x128xf32, #tpu.memory_space<vmem>>, %arg13: memref<10240x128xf32, #tpu.memory_space<vmem_shared>>, %arg14: memref<!tpu.dma_semaphore, #tpu.memory_space<semaphore_mem>>, %arg15: memref<!tpu.dma_semaphore, #tpu.memory_space<semaphore_mem>>, %arg16: memref<!tpu.dma_semaphore, #tpu.memory_space<semaphore_mem>>, %arg17: memref<!tpu.dma_semaphore, #tpu.memory_space<semaphore_mem>>, %arg18: memref<!tpu.dma_semaphore, #tpu.memory_space<semaphore_mem>>, %arg19: memref<!tpu.dma_semaphore, #tpu.memory_space<semaphore_mem>>) attributes {dimension_semantics = [#tpu.dimension_semantics<core_parallel>, #tpu.dimension_semantics<subcore_parallel>], iteration_bounds = array<i64: 2, 16>, scalar_prefetch = 0 : i64, scratch_operands = 14 : i64, tpu.core_type = #tpu.core_type<sc_vector_subcore>, window_params = [{transform_indices = #map}, {transform_indices = #map1}, {transform_indices = #map1}, {transform_indices = #map1}]} {
    %mul3A = arith.constant 16 : i32
    %mul3A_0 = arith.muli %arg0, %mul3A : i32
    %add3A = arith.addi %mul3A_0, %arg1 : i32
    %scan3A = arith.constant 0 : i32
    %scan3A_1 = arith.constant 0 : i32
    %scan3A_2 = arith.constant 128 : i32
    %scan3A_3 = arith.addi %scan3A_1, %scan3A_2 : i32
    %scan3A_4 = arith.constant 1 : i32
    scf.for %scan3A_36 = %scan3A_1 to %scan3A_3 step %scan3A_4  : i32 {
      %broadcast_in_dim3A = arith.constant 0.000000e+00 : f32
      %broadcast_in_dim3A_37 = vector.broadcast %broadcast_in_dim3A : f32 to vector<16xf32>
      %jit3A = arith.constant 8 : i32
      %div3A = arith.divsi %scan3A_36, %jit3A : i32
      %sign3A = arith.constant 0 : i32
      %sign3A_38 = arith.cmpi sgt, %scan3A_36, %sign3A : i32
      %sign3A_39 = arith.extui %sign3A_38 : i1 to i32
      %sign3A_40 = arith.constant 0 : i32
      %sign3A_41 = arith.cmpi slt, %scan3A_36, %sign3A_40 : i32
      %sign3A_42 = arith.extui %sign3A_41 : i1 to i32
      %sign3A_43 = arith.subi %sign3A_39, %sign3A_42 : i32
      %sign3A_44 = arith.constant 0 : i32
      %sign3A_45 = arith.cmpi sgt, %jit3A, %sign3A_44 : i32
      %sign3A_46 = arith.extui %sign3A_45 : i1 to i32
      %sign3A_47 = arith.constant 0 : i32
      %sign3A_48 = arith.cmpi slt, %jit3A, %sign3A_47 : i32
      %sign3A_49 = arith.extui %sign3A_48 : i1 to i32
      %sign3A_50 = arith.subi %sign3A_46, %sign3A_49 : i32
      %ne3A = arith.cmpi ne, %sign3A_43, %sign3A_50 : i32
      %rem3A = arith.remsi %scan3A_36, %jit3A : i32
      %ne3A_51 = arith.constant 0 : i32
      %ne3A_52 = arith.cmpi ne, %rem3A, %ne3A_51 : i32
      %and3A = arith.andi %ne3A, %ne3A_52 : i1
      %sub3A = arith.constant 1 : i32
      %sub3A_53 = arith.subi %div3A, %sub3A : i32
      %select_n3A = arith.select %and3A, %sub3A_53, %div3A : i32
      %rem3A_54 = arith.constant 8 : i32
      %rem3A_55 = arith.remsi %scan3A_36, %rem3A_54 : i32
      %mul3A_56 = arith.constant 16 : i32
      %mul3A_57 = arith.muli %rem3A_55, %mul3A_56 : i32
      %swap3A = arith.index_cast %select_n3A : i32 to index
      %swap3A_58 = arith.index_cast %mul3A_57 : i32 to index
      %swap3A_59 = tpu.vector_load %arg12[%swap3A, %swap3A_58] {strides = array<i32>} : memref<16x128xf32, #tpu.memory_space<vmem>>, vector<1x16xf32>,
      %swap3A_60 = vector.shape_cast %swap3A_59 : vector<1x16xf32> to vector<16xf32>
      %swap3A_61 = vector.shape_cast %broadcast_in_dim3A_37 : vector<16xf32> to vector<1x16xf32>
      tpu.vector_store %arg12[%swap3A, %swap3A_58], %swap3A_61 {strides = array<i32>} : memref<16x128xf32, #tpu.memory_space<vmem>>, vector<1x16xf32>,
    }
    %scan3A_5 = arith.constant 128 : i32
    %scan3A_6 = arith.constant 0 : i32
    %scan3A_7 = arith.constant 0 : i32
    %scan3A_8 = arith.constant 40 : i32
    %scan3A_9 = arith.addi %scan3A_7, %scan3A_8 : i32
    %scan3A_10 = arith.constant 1 : i32
    scf.for %scan3A_36 = %scan3A_7 to %scan3A_9 step %scan3A_10  : i32 {
      %mul3A_37 = arith.constant 640 : i32
      %mul3A_38 = arith.muli %arg1, %mul3A_37 : i32
      %mul3A_39 = arith.constant 16 : i32
      %mul3A_40 = arith.muli %scan3A_36, %mul3A_39 : i32
      %add3A_41 = arith.addi %mul3A_38, %mul3A_40 : i32
      "tpu.region"() ({
        %run_scoped3A = tpu.sem_alloc : memref<!tpu.dma_semaphore, #tpu.memory_space<semaphore_mem>>
        %dma_start3A = arith.constant 0 : i32
        %dma_start3A_42 = tpu.memref_slice %arg13[%add3A_41, %dma_start3A] : memref<10240x128xf32, #tpu.memory_space<vmem_shared>> -> memref<16x128xf32, #tpu.memory_space<vmem_shared>>
        %dma_start3A_43 = arith.constant 0 : i32
        %dma_start3A_44 = tpu.memref_slice %arg13[%add3A_41, %dma_start3A_43] : memref<10240x128xf32, #tpu.memory_space<vmem_shared>> -> memref<16x128xf32, #tpu.memory_space<vmem_shared>>
        tpu.enqueue_dma source(%arg12 : memref<16x128xf32, #tpu.memory_space<vmem>>) target(%dma_start3A_44 : memref<16x128xf32, #tpu.memory_space<vmem_shared>>) target_semaphore(%run_scoped3A : memref<!tpu.dma_semaphore, #tpu.memory_space<semaphore_mem>>)
        %dma_wait3A_45 = arith.constant 0 : i32
        %dma_wait3A_46 = tpu.memref_slice %arg13[%add3A_41, %dma_wait3A_45] : memref<10240x128xf32, #tpu.memory_space<vmem_shared>> -> memref<16x128xf32, #tpu.memory_space<vmem_shared>>
        %dma_wait3A_47 = arith.constant 0 : i32
        %dma_wait3A_48 = tpu.memref_slice %arg13[%add3A_41, %dma_wait3A_47] : memref<10240x128xf32, #tpu.memory_space<vmem_shared>> -> memref<16x128xf32, #tpu.memory_space<vmem_shared>>
        tpu.wait_dma2 semaphore(%run_scoped3A : memref<!tpu.dma_semaphore, #tpu.memory_space<semaphore_mem>>) src(%arg12 : memref<16x128xf32, #tpu.memory_space<vmem>>) dst(%dma_wait3A_48 : memref<16x128xf32, #tpu.memory_space<vmem_shared>>)
        tpu.yield
      }) : () -> ()
    }
    %scan3A_11 = arith.constant 40 : i32
    %barrier3A = arith.constant 0 : index
    tpu.barrier barrier_id(%barrier3A)
    %scan3A_12 = arith.constant 0 : i32
    %scan3A_13 = arith.constant 0 : i32
    %scan3A_14 = arith.constant 5 : i32
    %scan3A_15 = arith.addi %scan3A_13, %scan3A_14 : i32
    %scan3A_16 = arith.constant 1 : i32
    scf.for %scan3A_36 = %scan3A_13 to %scan3A_15 step %scan3A_16  : i32 {
      %mul3A_37 = arith.constant 2 : i32
      %mul3A_38 = arith.muli %mul3A_37, %scan3A_36 : i32
      %add3A_39 = arith.constant 0 : i32
      %add3A_40 = arith.addi %mul3A_38, %add3A_39 : i32
      %mul3A_41 = arith.constant 8 : i32
      %mul3A_42 = arith.muli %add3A_40, %mul3A_41 : i32
      "tpu.region"() ({
        %run_scoped3A = tpu.sem_alloc : memref<!tpu.dma_semaphore, #tpu.memory_space<semaphore_mem>>
        %dma_start3A_909 = arith.constant 0 : i32
        %dma_start3A_910 = tpu.memref_slice %arg3[%add3A, %mul3A_42, %dma_start3A_909] : memref<32x80x128xi32, #tpu.memory_space<hbm>> -> memref<1x8x128xi32, #tpu.memory_space<hbm>>
        %dma_start3A_911 = tpu.memref_squeeze %dma_start3A_910 : memref<1x8x128xi32, #tpu.memory_space<hbm>> -> memref<8x128xi32, #tpu.memory_space<hbm>>
        %dma_start3A_912 = arith.constant 0 : i32
        %dma_start3A_913 = tpu.memref_slice %arg3[%add3A, %mul3A_42, %dma_start3A_912] : memref<32x80x128xi32, #tpu.memory_space<hbm>> -> memref<1x8x128xi32, #tpu.memory_space<hbm>>
        %dma_start3A_914 = tpu.memref_squeeze %dma_start3A_913 : memref<1x8x128xi32, #tpu.memory_space<hbm>> -> memref<8x128xi32, #tpu.memory_space<hbm>>
        tpu.enqueue_dma source(%dma_start3A_914 : memref<8x128xi32, #tpu.memory_space<hbm>>) target(%arg6 : memref<8x128xi32, #tpu.memory_space<vmem>>) target_semaphore(%run_scoped3A : memref<!tpu.dma_semaphore, #tpu.memory_space<semaphore_mem>>)
        %dma_wait3A_915 = arith.constant 0 : i32
        %dma_wait3A_916 = tpu.memref_slice %arg3[%add3A, %mul3A_42, %dma_wait3A_915] : memref<32x80x128xi32, #tpu.memory_space<hbm>> -> memref<1x8x128xi32, #tpu.memory_space<hbm>>
        %dma_wait3A_917 = tpu.memref_squeeze %dma_wait3A_916 : memref<1x8x128xi32, #tpu.memory_space<hbm>> -> memref<8x128xi32, #tpu.memory_space<hbm>>
        %dma_wait3A_918 = arith.constant 0 : i32
        %dma_wait3A_919 = tpu.memref_slice %arg3[%add3A, %mul3A_42, %dma_wait3A_918] : memref<32x80x128xi32, #tpu.memory_space<hbm>> -> memref<1x8x128xi32, #tpu.memory_space<hbm>>
        %dma_wait3A_920 = tpu.memref_squeeze %dma_wait3A_919 : memref<1x8x128xi32, #tpu.memory_space<hbm>> -> memref<8x128xi32, #tpu.memory_space<hbm>>
        tpu.wait_dma2 semaphore(%run_scoped3A : memref<!tpu.dma_semaphore, #tpu.memory_space<semaphore_mem>>) src(%dma_wait3A_920 : memref<8x128xi32, #tpu.memory_space<hbm>>) dst(%arg6 : memref<8x128xi32, #tpu.memory_space<vmem>>)
        tpu.yield
      }) : () -> ()
      %mul3A_43 = arith.constant 8 : i32
      %mul3A_44 = arith.muli %add3A_40, %mul3A_43 : i32
      "tpu.region"() ({
        %run_scoped3A = tpu.sem_alloc : memref<!tpu.dma_semaphore, #tpu.memory_space<semaphore_mem>>
        %dma_start3A_909 = arith.constant 0 : i32
        %dma_start3A_910 = tpu.memref_slice %arg4[%add3A, %mul3A_44, %dma_start3A_909] : memref<32x80x128xi32, #tpu.memory_space<hbm>> -> memref<1x8x128xi32, #tpu.memory_space<hbm>>
        %dma_start3A_911 = tpu.memref_squeeze %dma_start3A_910 : memref<1x8x128xi32, #tpu.memory_space<hbm>> -> memref<8x128xi32, #tpu.memory_space<hbm>>
        %dma_start3A_912 = arith.constant 0 : i32
        %dma_start3A_913 = tpu.memref_slice %arg4[%add3A, %mul3A_44, %dma_start3A_912] : memref<32x80x128xi32, #tpu.memory_space<hbm>> -> memref<1x8x128xi32, #tpu.memory_space<hbm>>
        %dma_start3A_914 = tpu.memref_squeeze %dma_start3A_913 : memref<1x8x128xi32, #tpu.memory_space<hbm>> -> memref<8x128xi32, #tpu.memory_space<hbm>>
        tpu.enqueue_dma source(%dma_start3A_914 : memref<8x128xi32, #tpu.memory_space<hbm>>) target(%arg8 : memref<8x128xi32, #tpu.memory_space<vmem>>) target_semaphore(%run_scoped3A : memref<!tpu.dma_semaphore, #tpu.memory_space<semaphore_mem>>)
        %dma_wait3A_915 = arith.constant 0 : i32
        %dma_wait3A_916 = tpu.memref_slice %arg4[%add3A, %mul3A_44, %dma_wait3A_915] : memref<32x80x128xi32, #tpu.memory_space<hbm>> -> memref<1x8x128xi32, #tpu.memory_space<hbm>>
        %dma_wait3A_917 = tpu.memref_squeeze %dma_wait3A_916 : memref<1x8x128xi32, #tpu.memory_space<hbm>> -> memref<8x128xi32, #tpu.memory_space<hbm>>
        %dma_wait3A_918 = arith.constant 0 : i32
        %dma_wait3A_919 = tpu.memref_slice %arg4[%add3A, %mul3A_44, %dma_wait3A_918] : memref<32x80x128xi32, #tpu.memory_space<hbm>> -> memref<1x8x128xi32, #tpu.memory_space<hbm>>
        %dma_wait3A_920 = tpu.memref_squeeze %dma_wait3A_919 : memref<1x8x128xi32, #tpu.memory_space<hbm>> -> memref<8x128xi32, #tpu.memory_space<hbm>>
        tpu.wait_dma2 semaphore(%run_scoped3A : memref<!tpu.dma_semaphore, #tpu.memory_space<semaphore_mem>>) src(%dma_wait3A_920 : memref<8x128xi32, #tpu.memory_space<hbm>>) dst(%arg8 : memref<8x128xi32, #tpu.memory_space<vmem>>)
        tpu.yield
      }) : () -> ()
      %gt3A = arith.constant 0 : i32
      %gt3A_45 = arith.cmpi sgt, %scan3A_36, %gt3A : i32
      %convert_element_type3A = arith.extui %gt3A_45 : i1 to i32
      %cond3A = arith.constant 0 : i32
      %cond3A_46 = arith.cmpi ne, %convert_element_type3A, %cond3A : i32
      scf.if %cond3A_46 {
        %dma_wait3A_909 = arith.constant 0 : i32
        %dma_wait3A_910 = arith.constant 0 : i32
        %dma_wait3A_911 = tpu.memref_slice %arg8[%dma_wait3A_909, %dma_wait3A_910] : memref<8x128xi32, #tpu.memory_space<vmem>> -> memref<1x128xi32, #tpu.memory_space<vmem>>
        %dma_wait3A_912 = tpu.memref_squeeze %dma_wait3A_911 : memref<1x128xi32, #tpu.memory_space<vmem>> -> memref<128xi32, #tpu.memory_space<vmem>>
        %dma_wait3A_913 = arith.constant 0 : i32
        %dma_wait3A_914 = arith.constant 0 : i32
        %dma_wait3A_915 = tpu.memref_slice %arg13[%dma_wait3A_913, %dma_wait3A_914] : memref<10240x128xf32, #tpu.memory_space<vmem_shared>> -> memref<10240x128xf32, #tpu.memory_space<vmem_shared>>
        tpu.wait_indirect_dma semaphore(%arg16 : memref<!tpu.dma_semaphore, #tpu.memory_space<semaphore_mem>>) src(%arg10 : memref<128x128xf32, #tpu.memory_space<vmem>>) dst(%dma_wait3A_915 : memref<10240x128xf32, #tpu.memory_space<vmem_shared>>)
      } else {
      }
      %dma_start3A = arith.constant 0 : i32
      %dma_start3A_47 = arith.constant 0 : i32
      %dma_start3A_48 = arith.constant 0 : i32
      %dma_start3A_49 = tpu.memref_slice %arg10[%dma_start3A_47, %dma_start3A_48] : memref<128x128xf32, #tpu.memory_space<vmem>> -> memref<64x128xf32, #tpu.memory_space<vmem>>
      %dma_start3A_50 = arith.constant 0 : i32
      %dma_start3A_51 = tpu.memref_slice %arg6[%dma_start3A, %dma_start3A_50] : memref<8x128xi32, #tpu.memory_space<vmem>> -> memref<1x64xi32, #tpu.memory_space<vmem>>
      %dma_start3A_52 = tpu.memref_squeeze %dma_start3A_51 : memref<1x64xi32, #tpu.memory_space<vmem>> -> memref<64xi32, #tpu.memory_space<vmem>>
      %dma_start3A_53 = arith.constant 0 : i32
      %dma_start3A_54 = arith.constant 0 : i32
      %dma_start3A_55 = tpu.memref_slice %arg2[%dma_start3A_53, %dma_start3A_54] : memref<10240x128xf32, #tpu.memory_space<hbm>> -> memref<10240x128xf32, #tpu.memory_space<hbm>>
      tpu.enqueue_indirect_dma source(%dma_start3A_55 : memref<10240x128xf32, #tpu.memory_space<hbm>>) target(%dma_start3A_49 : memref<64x128xf32, #tpu.memory_space<vmem>>) offsets(%dma_start3A_52 : memref<64xi32, #tpu.memory_space<vmem>>) semaphore(%arg14 : memref<!tpu.dma_semaphore, #tpu.memory_space<semaphore_mem>>)
      %dma_start3A_56 = arith.constant 0 : i32
      %dma_start3A_57 = arith.constant 64 : i32
      %dma_start3A_58 = arith.constant 0 : i32
      %dma_start3A_59 = tpu.memref_slice %arg10[%dma_start3A_57, %dma_start3A_58] : memref<128x128xf32, #tpu.memory_space<vmem>> -> memref<64x128xf32, #tpu.memory_space<vmem>>
      %dma_start3A_60 = arith.constant 64 : i32
      %dma_start3A_61 = tpu.memref_slice %arg6[%dma_start3A_56, %dma_start3A_60] : memref<8x128xi32, #tpu.memory_space<vmem>> -> memref<1x64xi32, #tpu.memory_space<vmem>>
      %dma_start3A_62 = tpu.memref_squeeze %dma_start3A_61 : memref<1x64xi32, #tpu.memory_space<vmem>> -> memref<64xi32, #tpu.memory_space<vmem>>
      %dma_start3A_63 = arith.constant 0 : i32
      %dma_start3A_64 = arith.constant 0 : i32
      %dma_start3A_65 = tpu.memref_slice %arg2[%dma_start3A_63, %dma_start3A_64] : memref<10240x128xf32, #tpu.memory_space<hbm>> -> memref<10240x128xf32, #tpu.memory_space<hbm>>
      tpu.enqueue_indirect_dma source(%dma_start3A_65 : memref<10240x128xf32, #tpu.memory_space<hbm>>) target(%dma_start3A_59 : memref<64x128xf32, #tpu.memory_space<vmem>>) offsets(%dma_start3A_62 : memref<64xi32, #tpu.memory_space<vmem>>) semaphore(%arg18 : memref<!tpu.dma_semaphore, #tpu.memory_space<semaphore_mem>>)
      %gt3A_66 = arith.constant 0 : i32
      %gt3A_67 = arith.cmpi sgt, %scan3A_36, %gt3A_66 : i32
      %convert_element_type3A_68 = arith.extui %gt3A_67 : i1 to i32
      %cond3A_69 = arith.constant 0 : i32
      %cond3A_70 = arith.cmpi ne, %convert_element_type3A_68, %cond3A_69 : i32
      scf.if %cond3A_70 {
        %dma_wait3A_909 = arith.constant 1 : i32
        %dma_wait3A_910 = arith.constant 0 : i32
        %dma_wait3A_911 = tpu.memref_slice %arg8[%dma_wait3A_909, %dma_wait3A_910] : memref<8x128xi32, #tpu.memory_space<vmem>> -> memref<1x128xi32, #tpu.memory_space<vmem>>
        %dma_wait3A_912 = tpu.memref_squeeze %dma_wait3A_911 : memref<1x128xi32, #tpu.memory_space<vmem>> -> memref<128xi32, #tpu.memory_space<vmem>>
        %dma_wait3A_913 = arith.constant 0 : i32
        %dma_wait3A_914 = arith.constant 0 : i32
        %dma_wait3A_915 = tpu.memref_slice %arg13[%dma_wait3A_913, %dma_wait3A_914] : memref<10240x128xf32, #tpu.memory_space<vmem_shared>> -> memref<10240x128xf32, #tpu.memory_space<vmem_shared>>
        tpu.wait_indirect_dma semaphore(%arg17 : memref<!tpu.dma_semaphore, #tpu.memory_space<semaphore_mem>>) src(%arg11 : memref<128x128xf32, #tpu.memory_space<vmem>>) dst(%dma_wait3A_915 : memref<10240x128xf32, #tpu.memory_space<vmem_shared>>)
      } else {
      }
      %dma_start3A_71 = arith.constant 1 : i32
      %dma_start3A_72 = arith.constant 0 : i32
      %dma_start3A_73 = arith.constant 0 : i32
      %dma_start3A_74 = tpu.memref_slice %arg11[%dma_start3A_72, %dma_start3A_73] : memref<128x128xf32, #tpu.memory_space<vmem>> -> memref<64x128xf32, #tpu.memory_space<vmem>>
      %dma_start3A_75 = arith.constant 0 : i32
      %dma_start3A_76 = tpu.memref_slice %arg6[%dma_start3A_71, %dma_start3A_75] : memref<8x128xi32, #tpu.memory_space<vmem>> -> memref<1x64xi32, #tpu.memory_space<vmem>>
      %dma_start3A_77 = tpu.memref_squeeze %dma_start3A_76 : memref<1x64xi32, #tpu.memory_space<vmem>> -> memref<64xi32, #tpu.memory_space<vmem>>
      %dma_start3A_78 = arith.constant 0 : i32
      %dma_start3A_79 = arith.constant 0 : i32
      %dma_start3A_80 = tpu.memref_slice %arg2[%dma_start3A_78, %dma_start3A_79] : memref<10240x128xf32, #tpu.memory_space<hbm>> -> memref<10240x128xf32, #tpu.memory_space<hbm>>
      tpu.enqueue_indirect_dma source(%dma_start3A_80 : memref<10240x128xf32, #tpu.memory_space<hbm>>) target(%dma_start3A_74 : memref<64x128xf32, #tpu.memory_space<vmem>>) offsets(%dma_start3A_77 : memref<64xi32, #tpu.memory_space<vmem>>) semaphore(%arg15 : memref<!tpu.dma_semaphore, #tpu.memory_space<semaphore_mem>>)
      %dma_start3A_81 = arith.constant 1 : i32
      %dma_start3A_82 = arith.constant 64 : i32
      %dma_start3A_83 = arith.constant 0 : i32
      %dma_start3A_84 = tpu.memref_slice %arg11[%dma_start3A_82, %dma_start3A_83] : memref<128x128xf32, #tpu.memory_space<vmem>> -> memref<64x128xf32, #tpu.memory_space<vmem>>
      %dma_start3A_85 = arith.constant 64 : i32
      %dma_start3A_86 = tpu.memref_slice %arg6[%dma_start3A_81, %dma_start3A_85] : memref<8x128xi32, #tpu.memory_space<vmem>> -> memref<1x64xi32, #tpu.memory_space<vmem>>
      %dma_start3A_87 = tpu.memref_squeeze %dma_start3A_86 : memref<1x64xi32, #tpu.memory_space<vmem>> -> memref<64xi32, #tpu.memory_space<vmem>>
      %dma_start3A_88 = arith.constant 0 : i32
      %dma_start3A_89 = arith.constant 0 : i32
      %dma_start3A_90 = tpu.memref_slice %arg2[%dma_start3A_88, %dma_start3A_89] : memref<10240x128xf32, #tpu.memory_space<hbm>> -> memref<10240x128xf32, #tpu.memory_space<hbm>>
      tpu.enqueue_indirect_dma source(%dma_start3A_90 : memref<10240x128xf32, #tpu.memory_space<hbm>>) target(%dma_start3A_84 : memref<64x128xf32, #tpu.memory_space<vmem>>) offsets(%dma_start3A_87 : memref<64xi32, #tpu.memory_space<vmem>>) semaphore(%arg19 : memref<!tpu.dma_semaphore, #tpu.memory_space<semaphore_mem>>)
      %dma_wait3A_91 = arith.constant 0 : i32
      %dma_wait3A_92 = arith.constant 0 : i32
      %dma_wait3A_93 = arith.constant 0 : i32
      %dma_wait3A_94 = tpu.memref_slice %arg10[%dma_wait3A_92, %dma_wait3A_93] : memref<128x128xf32, #tpu.memory_space<vmem>> -> memref<64x128xf32, #tpu.memory_space<vmem>>
      %dma_wait3A_95 = arith.constant 0 : i32
      %dma_wait3A_96 = tpu.memref_slice %arg6[%dma_wait3A_91, %dma_wait3A_95] : memref<8x128xi32, #tpu.memory_space<vmem>> -> memref<1x64xi32, #tpu.memory_space<vmem>>
      %dma_wait3A_97 = tpu.memref_squeeze %dma_wait3A_96 : memref<1x64xi32, #tpu.memory_space<vmem>> -> memref<64xi32, #tpu.memory_space<vmem>>
      %dma_wait3A_98 = arith.constant 0 : i32
      %dma_wait3A_99 = arith.constant 0 : i32
      %dma_wait3A_100 = tpu.memref_slice %arg2[%dma_wait3A_98, %dma_wait3A_99] : memref<10240x128xf32, #tpu.memory_space<hbm>> -> memref<10240x128xf32, #tpu.memory_space<hbm>>
      tpu.wait_indirect_dma semaphore(%arg14 : memref<!tpu.dma_semaphore, #tpu.memory_space<semaphore_mem>>) src(%dma_wait3A_100 : memref<10240x128xf32, #tpu.memory_space<hbm>>) dst(%dma_wait3A_94 : memref<64x128xf32, #tpu.memory_space<vmem>>)
      %dma_wait3A_101 = arith.constant 0 : i32
      %dma_wait3A_102 = arith.constant 64 : i32
      %dma_wait3A_103 = arith.constant 0 : i32
      %dma_wait3A_104 = tpu.memref_slice %arg10[%dma_wait3A_102, %dma_wait3A_103] : memref<128x128xf32, #tpu.memory_space<vmem>> -> memref<64x128xf32, #tpu.memory_space<vmem>>
      %dma_wait3A_105 = arith.constant 64 : i32
      %dma_wait3A_106 = tpu.memref_slice %arg6[%dma_wait3A_101, %dma_wait3A_105] : memref<8x128xi32, #tpu.memory_space<vmem>> -> memref<1x64xi32, #tpu.memory_space<vmem>>
      %dma_wait3A_107 = tpu.memref_squeeze %dma_wait3A_106 : memref<1x64xi32, #tpu.memory_space<vmem>> -> memref<64xi32, #tpu.memory_space<vmem>>
      %dma_wait3A_108 = arith.constant 0 : i32
      %dma_wait3A_109 = arith.constant 0 : i32
      %dma_wait3A_110 = tpu.memref_slice %arg2[%dma_wait3A_108, %dma_wait3A_109] : memref<10240x128xf32, #tpu.memory_space<hbm>> -> memref<10240x128xf32, #tpu.memory_space<hbm>>
      tpu.wait_indirect_dma semaphore(%arg18 : memref<!tpu.dma_semaphore, #tpu.memory_space<semaphore_mem>>) src(%dma_wait3A_110 : memref<10240x128xf32, #tpu.memory_space<hbm>>) dst(%dma_wait3A_104 : memref<64x128xf32, #tpu.memory_space<vmem>>)
      %dma_start3A_111 = arith.constant 0 : i32
      %dma_start3A_112 = arith.constant 0 : i32
      %dma_start3A_113 = tpu.memref_slice %arg8[%dma_start3A_111, %dma_start3A_112] : memref<8x128xi32, #tpu.memory_space<vmem>> -> memref<1x128xi32, #tpu.memory_space<vmem>>
      %dma_start3A_114 = tpu.memref_squeeze %dma_start3A_113 : memref<1x128xi32, #tpu.memory_space<vmem>> -> memref<128xi32, #tpu.memory_space<vmem>>
      %dma_start3A_115 = arith.constant 0 : i32
      %dma_start3A_116 = arith.constant 0 : i32
      %dma_start3A_117 = tpu.memref_slice %arg13[%dma_start3A_115, %dma_start3A_116] : memref<10240x128xf32, #tpu.memory_space<vmem_shared>> -> memref<10240x128xf32, #tpu.memory_space<vmem_shared>>
      tpu.enqueue_indirect_dma source(%arg10 : memref<128x128xf32, #tpu.memory_space<vmem>>) target(%dma_start3A_117 : memref<10240x128xf32, #tpu.memory_space<vmem_shared>>) offsets(%dma_start3A_114 : memref<128xi32, #tpu.memory_space<vmem>>) semaphore(%arg16 : memref<!tpu.dma_semaphore, #tpu.memory_space<semaphore_mem>>) {add = true}
      %dma_wait3A_118 = arith.constant 1 : i32
      %dma_wait3A_119 = arith.constant 0 : i32
      %dma_wait3A_120 = arith.constant 0 : i32
      %dma_wait3A_121 = tpu.memref_slice %arg11[%dma_wait3A_119, %dma_wait3A_120] : memref<128x128xf32, #tpu.memory_space<vmem>> -> memref<64x128xf32, #tpu.memory_space<vmem>>
      %dma_wait3A_122 = arith.constant 0 : i32
      %dma_wait3A_123 = tpu.memref_slice %arg6[%dma_wait3A_118, %dma_wait3A_122] : memref<8x128xi32, #tpu.memory_space<vmem>> -> memref<1x64xi32, #tpu.memory_space<vmem>>
      %dma_wait3A_124 = tpu.memref_squeeze %dma_wait3A_123 : memref<1x64xi32, #tpu.memory_space<vmem>> -> memref<64xi32, #tpu.memory_space<vmem>>
      %dma_wait3A_125 = arith.constant 0 : i32
      %dma_wait3A_126 = arith.constant 0 : i32
      %dma_wait3A_127 = tpu.memref_slice %arg2[%dma_wait3A_125, %dma_wait3A_126] : memref<10240x128xf32, #tpu.memory_space<hbm>> -> memref<10240x128xf32, #tpu.memory_space<hbm>>
      tpu.wait_indirect_dma semaphore(%arg15 : memref<!tpu.dma_semaphore, #tpu.memory_space<semaphore_mem>>) src(%dma_wait3A_127 : memref<10240x128xf32, #tpu.memory_space<hbm>>) dst(%dma_wait3A_121 : memref<64x128xf32, #tpu.memory_space<vmem>>)
      %dma_wait3A_128 = arith.constant 1 : i32
      %dma_wait3A_129 = arith.constant 64 : i32
      %dma_wait3A_130 = arith.constant 0 : i32
      %dma_wait3A_131 = tpu.memref_slice %arg11[%dma_wait3A_129, %dma_wait3A_130] : memref<128x128xf32, #tpu.memory_space<vmem>> -> memref<64x128xf32, #tpu.memory_space<vmem>>
      %dma_wait3A_132 = arith.constant 64 : i32
      %dma_wait3A_133 = tpu.memref_slice %arg6[%dma_wait3A_128, %dma_wait3A_132] : memref<8x128xi32, #tpu.memory_space<vmem>> -> memref<1x64xi32, #tpu.memory_space<vmem>>
      %dma_wait3A_134 = tpu.memref_squeeze %dma_wait3A_133 : memref<1x64xi32, #tpu.memory_space<vmem>> -> memref<64xi32, #tpu.memory_space<vmem>>
      %dma_wait3A_135 = arith.constant 0 : i32
      %dma_wait3A_136 = arith.constant 0 : i32
      %dma_wait3A_137 = tpu.memref_slice %arg2[%dma_wait3A_135, %dma_wait3A_136] : memref<10240x128xf32, #tpu.memory_space<hbm>> -> memref<10240x128xf32, #tpu.memory_space<hbm>>
      tpu.wait_indirect_dma semaphore(%arg19 : memref<!tpu.dma_semaphore, #tpu.memory_space<semaphore_mem>>) src(%dma_wait3A_137 : memref<10240x128xf32, #tpu.memory_space<hbm>>) dst(%dma_wait3A_131 : memref<64x128xf32, #tpu.memory_space<vmem>>)
      %dma_start3A_138 = arith.constant 1 : i32
      %dma_start3A_139 = arith.constant 0 : i32
      %dma_start3A_140 = tpu.memref_slice %arg8[%dma_start3A_138, %dma_start3A_139] : memref<8x128xi32, #tpu.memory_space<vmem>> -> memref<1x128xi32, #tpu.memory_space<vmem>>
      %dma_start3A_141 = tpu.memref_squeeze %dma_start3A_140 : memref<1x128xi32, #tpu.memory_space<vmem>> -> memref<128xi32, #tpu.memory_space<vmem>>
      %dma_start3A_142 = arith.constant 0 : i32
      %dma_start3A_143 = arith.constant 0 : i32
      %dma_start3A_144 = tpu.memref_slice %arg13[%dma_start3A_142, %dma_start3A_143] : memref<10240x128xf32, #tpu.memory_space<vmem_shared>> -> memref<10240x128xf32, #tpu.memory_space<vmem_shared>>
      tpu.enqueue_indirect_dma source(%arg11 : memref<128x128xf32, #tpu.memory_space<vmem>>) target(%dma_start3A_144 : memref<10240x128xf32, #tpu.memory_space<vmem_shared>>) offsets(%dma_start3A_141 : memref<128xi32, #tpu.memory_space<vmem>>) semaphore(%arg17 : memref<!tpu.dma_semaphore, #tpu.memory_space<semaphore_mem>>) {add = true}
      %dma_wait3A_145 = arith.constant 2 : i32
      %dma_wait3A_146 = arith.constant 0 : i32
      %dma_wait3A_147 = tpu.memref_slice %arg8[%dma_wait3A_145, %dma_wait3A_146] : memref<8x128xi32, #tpu.memory_space<vmem>> -> memref<1x128xi32, #tpu.memory_space<vmem>>
      %dma_wait3A_148 = tpu.memref_squeeze %dma_wait3A_147 : memref<1x128xi32, #tpu.memory_space<vmem>> -> memref<128xi32, #tpu.memory_space<vmem>>
      %dma_wait3A_149 = arith.constant 0 : i32
      %dma_wait3A_150 = arith.constant 0 : i32
      %dma_wait3A_151 = tpu.memref_slice %arg13[%dma_wait3A_149, %dma_wait3A_150] : memref<10240x128xf32, #tpu.memory_space<vmem_shared>> -> memref<10240x128xf32, #tpu.memory_space<vmem_shared>>
      tpu.wait_indirect_dma semaphore(%arg16 : memref<!tpu.dma_semaphore, #tpu.memory_space<semaphore_mem>>) src(%arg10 : memref<128x128xf32, #tpu.memory_space<vmem>>) dst(%dma_wait3A_151 : memref<10240x128xf32, #tpu.memory_space<vmem_shared>>)
      %dma_start3A_152 = arith.constant 2 : i32
      %dma_start3A_153 = arith.constant 0 : i32
      %dma_start3A_154 = arith.constant 0 : i32
      %dma_start3A_155 = tpu.memref_slice %arg10[%dma_start3A_153, %dma_start3A_154] : memref<128x128xf32, #tpu.memory_space<vmem>> -> memref<64x128xf32, #tpu.memory_space<vmem>>
      %dma_start3A_156 = arith.constant 0 : i32
      %dma_start3A_157 = tpu.memref_slice %arg6[%dma_start3A_152, %dma_start3A_156] : memref<8x128xi32, #tpu.memory_space<vmem>> -> memref<1x64xi32, #tpu.memory_space<vmem>>
      %dma_start3A_158 = tpu.memref_squeeze %dma_start3A_157 : memref<1x64xi32, #tpu.memory_space<vmem>> -> memref<64xi32, #tpu.memory_space<vmem>>
      %dma_start3A_159 = arith.constant 0 : i32
      %dma_start3A_160 = arith.constant 0 : i32
      %dma_start3A_161 = tpu.memref_slice %arg2[%dma_start3A_159, %dma_start3A_160] : memref<10240x128xf32, #tpu.memory_space<hbm>> -> memref<10240x128xf32, #tpu.memory_space<hbm>>
      tpu.enqueue_indirect_dma source(%dma_start3A_161 : memref<10240x128xf32, #tpu.memory_space<hbm>>) target(%dma_start3A_155 : memref<64x128xf32, #tpu.memory_space<vmem>>) offsets(%dma_start3A_158 : memref<64xi32, #tpu.memory_space<vmem>>) semaphore(%arg14 : memref<!tpu.dma_semaphore, #tpu.memory_space<semaphore_mem>>)
      %dma_start3A_162 = arith.constant 2 : i32
      %dma_start3A_163 = arith.constant 64 : i32
      %dma_start3A_164 = arith.constant 0 : i32
      %dma_start3A_165 = tpu.memref_slice %arg10[%dma_start3A_163, %dma_start3A_164] : memref<128x128xf32, #tpu.memory_space<vmem>> -> memref<64x128xf32, #tpu.memory_space<vmem>>
      %dma_start3A_166 = arith.constant 64 : i32
      %dma_start3A_167 = tpu.memref_slice %arg6[%dma_start3A_162, %dma_start3A_166] : memref<8x128xi32, #tpu.memory_space<vmem>> -> memref<1x64xi32, #tpu.memory_space<vmem>>
      %dma_start3A_168 = tpu.memref_squeeze %dma_start3A_167 : memref<1x64xi32, #tpu.memory_space<vmem>> -> memref<64xi32, #tpu.memory_space<vmem>>
      %dma_start3A_169 = arith.constant 0 : i32
      %dma_start3A_170 = arith.constant 0 : i32
      %dma_start3A_171 = tpu.memref_slice %arg2[%dma_start3A_169, %dma_start3A_170] : memref<10240x128xf32, #tpu.memory_space<hbm>> -> memref<10240x128xf32, #tpu.memory_space<hbm>>
      tpu.enqueue_indirect_dma source(%dma_start3A_171 : memref<10240x128xf32, #tpu.memory_space<hbm>>) target(%dma_start3A_165 : memref<64x128xf32, #tpu.memory_space<vmem>>) offsets(%dma_start3A_168 : memref<64xi32, #tpu.memory_space<vmem>>) semaphore(%arg18 : memref<!tpu.dma_semaphore, #tpu.memory_space<semaphore_mem>>)
      %dma_wait3A_172 = arith.constant 3 : i32
      %dma_wait3A_173 = arith.constant 0 : i32
      %dma_wait3A_174 = tpu.memref_slice %arg8[%dma_wait3A_172, %dma_wait3A_173] : memref<8x128xi32, #tpu.memory_space<vmem>> -> memref<1x128xi32, #tpu.memory_space<vmem>>
      %dma_wait3A_175 = tpu.memref_squeeze %dma_wait3A_174 : memref<1x128xi32, #tpu.memory_space<vmem>> -> memref<128xi32, #tpu.memory_space<vmem>>
      %dma_wait3A_176 = arith.constant 0 : i32
      %dma_wait3A_177 = arith.constant 0 : i32
      %dma_wait3A_178 = tpu.memref_slice %arg13[%dma_wait3A_176, %dma_wait3A_177] : memref<10240x128xf32, #tpu.memory_space<vmem_shared>> -> memref<10240x128xf32, #tpu.memory_space<vmem_shared>>
      tpu.wait_indirect_dma semaphore(%arg17 : memref<!tpu.dma_semaphore, #tpu.memory_space<semaphore_mem>>) src(%arg11 : memref<128x128xf32, #tpu.memory_space<vmem>>) dst(%dma_wait3A_178 : memref<10240x128xf32, #tpu.memory_space<vmem_shared>>)
      %dma_start3A_179 = arith.constant 3 : i32
      %dma_start3A_180 = arith.constant 0 : i32
      %dma_start3A_181 = arith.constant 0 : i32
      %dma_start3A_182 = tpu.memref_slice %arg11[%dma_start3A_180, %dma_start3A_181] : memref<128x128xf32, #tpu.memory_space<vmem>> -> memref<64x128xf32, #tpu.memory_space<vmem>>
      %dma_start3A_183 = arith.constant 0 : i32
      %dma_start3A_184 = tpu.memref_slice %arg6[%dma_start3A_179, %dma_start3A_183] : memref<8x128xi32, #tpu.memory_space<vmem>> -> memref<1x64xi32, #tpu.memory_space<vmem>>
      %dma_start3A_185 = tpu.memref_squeeze %dma_start3A_184 : memref<1x64xi32, #tpu.memory_space<vmem>> -> memref<64xi32, #tpu.memory_space<vmem>>
      %dma_start3A_186 = arith.constant 0 : i32
      %dma_start3A_187 = arith.constant 0 : i32
      %dma_start3A_188 = tpu.memref_slice %arg2[%dma_start3A_186, %dma_start3A_187] : memref<10240x128xf32, #tpu.memory_space<hbm>> -> memref<10240x128xf32, #tpu.memory_space<hbm>>
      tpu.enqueue_indirect_dma source(%dma_start3A_188 : memref<10240x128xf32, #tpu.memory_space<hbm>>) target(%dma_start3A_182 : memref<64x128xf32, #tpu.memory_space<vmem>>) offsets(%dma_start3A_185 : memref<64xi32, #tpu.memory_space<vmem>>) semaphore(%arg15 : memref<!tpu.dma_semaphore, #tpu.memory_space<semaphore_mem>>)
      %dma_start3A_189 = arith.constant 3 : i32
      %dma_start3A_190 = arith.constant 64 : i32
      %dma_start3A_191 = arith.constant 0 : i32
      %dma_start3A_192 = tpu.memref_slice %arg11[%dma_start3A_190, %dma_start3A_191] : memref<128x128xf32, #tpu.memory_space<vmem>> -> memref<64x128xf32, #tpu.memory_space<vmem>>
      %dma_start3A_193 = arith.constant 64 : i32
      %dma_start3A_194 = tpu.memref_slice %arg6[%dma_start3A_189, %dma_start3A_193] : memref<8x128xi32, #tpu.memory_space<vmem>> -> memref<1x64xi32, #tpu.memory_space<vmem>>
      %dma_start3A_195 = tpu.memref_squeeze %dma_start3A_194 : memref<1x64xi32, #tpu.memory_space<vmem>> -> memref<64xi32, #tpu.memory_space<vmem>>
      %dma_start3A_196 = arith.constant 0 : i32
      %dma_start3A_197 = arith.constant 0 : i32
      %dma_start3A_198 = tpu.memref_slice %arg2[%dma_start3A_196, %dma_start3A_197] : memref<10240x128xf32, #tpu.memory_space<hbm>> -> memref<10240x128xf32, #tpu.memory_space<hbm>>
      tpu.enqueue_indirect_dma source(%dma_start3A_198 : memref<10240x128xf32, #tpu.memory_space<hbm>>) target(%dma_start3A_192 : memref<64x128xf32, #tpu.memory_space<vmem>>) offsets(%dma_start3A_195 : memref<64xi32, #tpu.memory_space<vmem>>) semaphore(%arg19 : memref<!tpu.dma_semaphore, #tpu.memory_space<semaphore_mem>>)
      %dma_wait3A_199 = arith.constant 2 : i32
      %dma_wait3A_200 = arith.constant 0 : i32
      %dma_wait3A_201 = arith.constant 0 : i32
      %dma_wait3A_202 = tpu.memref_slice %arg10[%dma_wait3A_200, %dma_wait3A_201] : memref<128x128xf32, #tpu.memory_space<vmem>> -> memref<64x128xf32, #tpu.memory_space<vmem>>
      %dma_wait3A_203 = arith.constant 0 : i32
      %dma_wait3A_204 = tpu.memref_slice %arg6[%dma_wait3A_199, %dma_wait3A_203] : memref<8x128xi32, #tpu.memory_space<vmem>> -> memref<1x64xi32, #tpu.memory_space<vmem>>
      %dma_wait3A_205 = tpu.memref_squeeze %dma_wait3A_204 : memref<1x64xi32, #tpu.memory_space<vmem>> -> memref<64xi32, #tpu.memory_space<vmem>>
      %dma_wait3A_206 = arith.constant 0 : i32
      %dma_wait3A_207 = arith.constant 0 : i32
      %dma_wait3A_208 = tpu.memref_slice %arg2[%dma_wait3A_206, %dma_wait3A_207] : memref<10240x128xf32, #tpu.memory_space<hbm>> -> memref<10240x128xf32, #tpu.memory_space<hbm>>
      tpu.wait_indirect_dma semaphore(%arg14 : memref<!tpu.dma_semaphore, #tpu.memory_space<semaphore_mem>>) src(%dma_wait3A_208 : memref<10240x128xf32, #tpu.memory_space<hbm>>) dst(%dma_wait3A_202 : memref<64x128xf32, #tpu.memory_space<vmem>>)
      %dma_wait3A_209 = arith.constant 2 : i32
      %dma_wait3A_210 = arith.constant 64 : i32
      %dma_wait3A_211 = arith.constant 0 : i32
      %dma_wait3A_212 = tpu.memref_slice %arg10[%dma_wait3A_210, %dma_wait3A_211] : memref<128x128xf32, #tpu.memory_space<vmem>> -> memref<64x128xf32, #tpu.memory_space<vmem>>
      %dma_wait3A_213 = arith.constant 64 : i32
      %dma_wait3A_214 = tpu.memref_slice %arg6[%dma_wait3A_209, %dma_wait3A_213] : memref<8x128xi32, #tpu.memory_space<vmem>> -> memref<1x64xi32, #tpu.memory_space<vmem>>
      %dma_wait3A_215 = tpu.memref_squeeze %dma_wait3A_214 : memref<1x64xi32, #tpu.memory_space<vmem>> -> memref<64xi32, #tpu.memory_space<vmem>>
      %dma_wait3A_216 = arith.constant 0 : i32
      %dma_wait3A_217 = arith.constant 0 : i32
      %dma_wait3A_218 = tpu.memref_slice %arg2[%dma_wait3A_216, %dma_wait3A_217] : memref<10240x128xf32, #tpu.memory_space<hbm>> -> memref<10240x128xf32, #tpu.memory_space<hbm>>
      tpu.wait_indirect_dma semaphore(%arg18 : memref<!tpu.dma_semaphore, #tpu.memory_space<semaphore_mem>>) src(%dma_wait3A_218 : memref<10240x128xf32, #tpu.memory_space<hbm>>) dst(%dma_wait3A_212 : memref<64x128xf32, #tpu.memory_space<vmem>>)
      %dma_start3A_219 = arith.constant 2 : i32
      %dma_start3A_220 = arith.constant 0 : i32
      %dma_start3A_221 = tpu.memref_slice %arg8[%dma_start3A_219, %dma_start3A_220] : memref<8x128xi32, #tpu.memory_space<vmem>> -> memref<1x128xi32, #tpu.memory_space<vmem>>
      %dma_start3A_222 = tpu.memref_squeeze %dma_start3A_221 : memref<1x128xi32, #tpu.memory_space<vmem>> -> memref<128xi32, #tpu.memory_space<vmem>>
      %dma_start3A_223 = arith.constant 0 : i32
      %dma_start3A_224 = arith.constant 0 : i32
      %dma_start3A_225 = tpu.memref_slice %arg13[%dma_start3A_223, %dma_start3A_224] : memref<10240x128xf32, #tpu.memory_space<vmem_shared>> -> memref<10240x128xf32, #tpu.memory_space<vmem_shared>>
      tpu.enqueue_indirect_dma source(%arg10 : memref<128x128xf32, #tpu.memory_space<vmem>>) target(%dma_start3A_225 : memref<10240x128xf32, #tpu.memory_space<vmem_shared>>) offsets(%dma_start3A_222 : memref<128xi32, #tpu.memory_space<vmem>>) semaphore(%arg16 : memref<!tpu.dma_semaphore, #tpu.memory_space<semaphore_mem>>) {add = true}
      %dma_wait3A_226 = arith.constant 3 : i32
      %dma_wait3A_227 = arith.constant 0 : i32
      %dma_wait3A_228 = arith.constant 0 : i32
      %dma_wait3A_229 = tpu.memref_slice %arg11[%dma_wait3A_227, %dma_wait3A_228] : memref<128x128xf32, #tpu.memory_space<vmem>> -> memref<64x128xf32, #tpu.memory_space<vmem>>
      %dma_wait3A_230 = arith.constant 0 : i32
      %dma_wait3A_231 = tpu.memref_slice %arg6[%dma_wait3A_226, %dma_wait3A_230] : memref<8x128xi32, #tpu.memory_space<vmem>> -> memref<1x64xi32, #tpu.memory_space<vmem>>
      %dma_wait3A_232 = tpu.memref_squeeze %dma_wait3A_231 : memref<1x64xi32, #tpu.memory_space<vmem>> -> memref<64xi32, #tpu.memory_space<vmem>>
      %dma_wait3A_233 = arith.constant 0 : i32
      %dma_wait3A_234 = arith.constant 0 : i32
      %dma_wait3A_235 = tpu.memref_slice %arg2[%dma_wait3A_233, %dma_wait3A_234] : memref<10240x128xf32, #tpu.memory_space<hbm>> -> memref<10240x128xf32, #tpu.memory_space<hbm>>
      tpu.wait_indirect_dma semaphore(%arg15 : memref<!tpu.dma_semaphore, #tpu.memory_space<semaphore_mem>>) src(%dma_wait3A_235 : memref<10240x128xf32, #tpu.memory_space<hbm>>) dst(%dma_wait3A_229 : memref<64x128xf32, #tpu.memory_space<vmem>>)
      %dma_wait3A_236 = arith.constant 3 : i32
      %dma_wait3A_237 = arith.constant 64 : i32
      %dma_wait3A_238 = arith.constant 0 : i32
      %dma_wait3A_239 = tpu.memref_slice %arg11[%dma_wait3A_237, %dma_wait3A_238] : memref<128x128xf32, #tpu.memory_space<vmem>> -> memref<64x128xf32, #tpu.memory_space<vmem>>
      %dma_wait3A_240 = arith.constant 64 : i32
      %dma_wait3A_241 = tpu.memref_slice %arg6[%dma_wait3A_236, %dma_wait3A_240] : memref<8x128xi32, #tpu.memory_space<vmem>> -> memref<1x64xi32, #tpu.memory_space<vmem>>
      %dma_wait3A_242 = tpu.memref_squeeze %dma_wait3A_241 : memref<1x64xi32, #tpu.memory_space<vmem>> -> memref<64xi32, #tpu.memory_space<vmem>>
      %dma_wait3A_243 = arith.constant 0 : i32
      %dma_wait3A_244 = arith.constant 0 : i32
      %dma_wait3A_245 = tpu.memref_slice %arg2[%dma_wait3A_243, %dma_wait3A_244] : memref<10240x128xf32, #tpu.memory_space<hbm>> -> memref<10240x128xf32, #tpu.memory_space<hbm>>
      tpu.wait_indirect_dma semaphore(%arg19 : memref<!tpu.dma_semaphore, #tpu.memory_space<semaphore_mem>>) src(%dma_wait3A_245 : memref<10240x128xf32, #tpu.memory_space<hbm>>) dst(%dma_wait3A_239 : memref<64x128xf32, #tpu.memory_space<vmem>>)
      %dma_start3A_246 = arith.constant 3 : i32
      %dma_start3A_247 = arith.constant 0 : i32
      %dma_start3A_248 = tpu.memref_slice %arg8[%dma_start3A_246, %dma_start3A_247] : memref<8x128xi32, #tpu.memory_space<vmem>> -> memref<1x128xi32, #tpu.memory_space<vmem>>
      %dma_start3A_249 = tpu.memref_squeeze %dma_start3A_248 : memref<1x128xi32, #tpu.memory_space<vmem>> -> memref<128xi32, #tpu.memory_space<vmem>>
      %dma_start3A_250 = arith.constant 0 : i32
      %dma_start3A_251 = arith.constant 0 : i32
      %dma_start3A_252 = tpu.memref_slice %arg13[%dma_start3A_250, %dma_start3A_251] : memref<10240x128xf32, #tpu.memory_space<vmem_shared>> -> memref<10240x128xf32, #tpu.memory_space<vmem_shared>>
      tpu.enqueue_indirect_dma source(%arg11 : memref<128x128xf32, #tpu.memory_space<vmem>>) target(%dma_start3A_252 : memref<10240x128xf32, #tpu.memory_space<vmem_shared>>) offsets(%dma_start3A_249 : memref<128xi32, #tpu.memory_space<vmem>>) semaphore(%arg17 : memref<!tpu.dma_semaphore, #tpu.memory_space<semaphore_mem>>) {add = true}
      %dma_wait3A_253 = arith.constant 4 : i32
      %dma_wait3A_254 = arith.constant 0 : i32
      %dma_wait3A_255 = tpu.memref_slice %arg8[%dma_wait3A_253, %dma_wait3A_254] : memref<8x128xi32, #tpu.memory_space<vmem>> -> memref<1x128xi32, #tpu.memory_space<vmem>>
      %dma_wait3A_256 = tpu.memref_squeeze %dma_wait3A_255 : memref<1x128xi32, #tpu.memory_space<vmem>> -> memref<128xi32, #tpu.memory_space<vmem>>
      %dma_wait3A_257 = arith.constant 0 : i32
      %dma_wait3A_258 = arith.constant 0 : i32
      %dma_wait3A_259 = tpu.memref_slice %arg13[%dma_wait3A_257, %dma_wait3A_258] : memref<10240x128xf32, #tpu.memory_space<vmem_shared>> -> memref<10240x128xf32, #tpu.memory_space<vmem_shared>>
      tpu.wait_indirect_dma semaphore(%arg16 : memref<!tpu.dma_semaphore, #tpu.memory_space<semaphore_mem>>) src(%arg10 : memref<128x128xf32, #tpu.memory_space<vmem>>) dst(%dma_wait3A_259 : memref<10240x128xf32, #tpu.memory_space<vmem_shared>>)
      %dma_start3A_260 = arith.constant 4 : i32
      %dma_start3A_261 = arith.constant 0 : i32
      %dma_start3A_262 = arith.constant 0 : i32
      %dma_start3A_263 = tpu.memref_slice %arg10[%dma_start3A_261, %dma_start3A_262] : memref<128x128xf32, #tpu.memory_space<vmem>> -> memref<64x128xf32, #tpu.memory_space<vmem>>
      %dma_start3A_264 = arith.constant 0 : i32
      %dma_start3A_265 = tpu.memref_slice %arg6[%dma_start3A_260, %dma_start3A_264] : memref<8x128xi32, #tpu.memory_space<vmem>> -> memref<1x64xi32, #tpu.memory_space<vmem>>
      %dma_start3A_266 = tpu.memref_squeeze %dma_start3A_265 : memref<1x64xi32, #tpu.memory_space<vmem>> -> memref<64xi32, #tpu.memory_space<vmem>>
      %dma_start3A_267 = arith.constant 0 : i32
      %dma_start3A_268 = arith.constant 0 : i32
      %dma_start3A_269 = tpu.memref_slice %arg2[%dma_start3A_267, %dma_start3A_268] : memref<10240x128xf32, #tpu.memory_space<hbm>> -> memref<10240x128xf32, #tpu.memory_space<hbm>>
      tpu.enqueue_indirect_dma source(%dma_start3A_269 : memref<10240x128xf32, #tpu.memory_space<hbm>>) target(%dma_start3A_263 : memref<64x128xf32, #tpu.memory_space<vmem>>) offsets(%dma_start3A_266 : memref<64xi32, #tpu.memory_space<vmem>>) semaphore(%arg14 : memref<!tpu.dma_semaphore, #tpu.memory_space<semaphore_mem>>)
      %dma_start3A_270 = arith.constant 4 : i32
      %dma_start3A_271 = arith.constant 64 : i32
      %dma_start3A_272 = arith.constant 0 : i32
      %dma_start3A_273 = tpu.memref_slice %arg10[%dma_start3A_271, %dma_start3A_272] : memref<128x128xf32, #tpu.memory_space<vmem>> -> memref<64x128xf32, #tpu.memory_space<vmem>>
      %dma_start3A_274 = arith.constant 64 : i32
      %dma_start3A_275 = tpu.memref_slice %arg6[%dma_start3A_270, %dma_start3A_274] : memref<8x128xi32, #tpu.memory_space<vmem>> -> memref<1x64xi32, #tpu.memory_space<vmem>>
      %dma_start3A_276 = tpu.memref_squeeze %dma_start3A_275 : memref<1x64xi32, #tpu.memory_space<vmem>> -> memref<64xi32, #tpu.memory_space<vmem>>
      %dma_start3A_277 = arith.constant 0 : i32
      %dma_start3A_278 = arith.constant 0 : i32
      %dma_start3A_279 = tpu.memref_slice %arg2[%dma_start3A_277, %dma_start3A_278] : memref<10240x128xf32, #tpu.memory_space<hbm>> -> memref<10240x128xf32, #tpu.memory_space<hbm>>
      tpu.enqueue_indirect_dma source(%dma_start3A_279 : memref<10240x128xf32, #tpu.memory_space<hbm>>) target(%dma_start3A_273 : memref<64x128xf32, #tpu.memory_space<vmem>>) offsets(%dma_start3A_276 : memref<64xi32, #tpu.memory_space<vmem>>) semaphore(%arg18 : memref<!tpu.dma_semaphore, #tpu.memory_space<semaphore_mem>>)
      %dma_wait3A_280 = arith.constant 5 : i32
      %dma_wait3A_281 = arith.constant 0 : i32
      %dma_wait3A_282 = tpu.memref_slice %arg8[%dma_wait3A_280, %dma_wait3A_281] : memref<8x128xi32, #tpu.memory_space<vmem>> -> memref<1x128xi32, #tpu.memory_space<vmem>>
      %dma_wait3A_283 = tpu.memref_squeeze %dma_wait3A_282 : memref<1x128xi32, #tpu.memory_space<vmem>> -> memref<128xi32, #tpu.memory_space<vmem>>
      %dma_wait3A_284 = arith.constant 0 : i32
      %dma_wait3A_285 = arith.constant 0 : i32
      %dma_wait3A_286 = tpu.memref_slice %arg13[%dma_wait3A_284, %dma_wait3A_285] : memref<10240x128xf32, #tpu.memory_space<vmem_shared>> -> memref<10240x128xf32, #tpu.memory_space<vmem_shared>>
      tpu.wait_indirect_dma semaphore(%arg17 : memref<!tpu.dma_semaphore, #tpu.memory_space<semaphore_mem>>) src(%arg11 : memref<128x128xf32, #tpu.memory_space<vmem>>) dst(%dma_wait3A_286 : memref<10240x128xf32, #tpu.memory_space<vmem_shared>>)
      %dma_start3A_287 = arith.constant 5 : i32
      %dma_start3A_288 = arith.constant 0 : i32
      %dma_start3A_289 = arith.constant 0 : i32
      %dma_start3A_290 = tpu.memref_slice %arg11[%dma_start3A_288, %dma_start3A_289] : memref<128x128xf32, #tpu.memory_space<vmem>> -> memref<64x128xf32, #tpu.memory_space<vmem>>
      %dma_start3A_291 = arith.constant 0 : i32
      %dma_start3A_292 = tpu.memref_slice %arg6[%dma_start3A_287, %dma_start3A_291] : memref<8x128xi32, #tpu.memory_space<vmem>> -> memref<1x64xi32, #tpu.memory_space<vmem>>
      %dma_start3A_293 = tpu.memref_squeeze %dma_start3A_292 : memref<1x64xi32, #tpu.memory_space<vmem>> -> memref<64xi32, #tpu.memory_space<vmem>>
      %dma_start3A_294 = arith.constant 0 : i32
      %dma_start3A_295 = arith.constant 0 : i32
      %dma_start3A_296 = tpu.memref_slice %arg2[%dma_start3A_294, %dma_start3A_295] : memref<10240x128xf32, #tpu.memory_space<hbm>> -> memref<10240x128xf32, #tpu.memory_space<hbm>>
      tpu.enqueue_indirect_dma source(%dma_start3A_296 : memref<10240x128xf32, #tpu.memory_space<hbm>>) target(%dma_start3A_290 : memref<64x128xf32, #tpu.memory_space<vmem>>) offsets(%dma_start3A_293 : memref<64xi32, #tpu.memory_space<vmem>>) semaphore(%arg15 : memref<!tpu.dma_semaphore, #tpu.memory_space<semaphore_mem>>)
      %dma_start3A_297 = arith.constant 5 : i32
      %dma_start3A_298 = arith.constant 64 : i32
      %dma_start3A_299 = arith.constant 0 : i32
      %dma_start3A_300 = tpu.memref_slice %arg11[%dma_start3A_298, %dma_start3A_299] : memref<128x128xf32, #tpu.memory_space<vmem>> -> memref<64x128xf32, #tpu.memory_space<vmem>>
      %dma_start3A_301 = arith.constant 64 : i32
      %dma_start3A_302 = tpu.memref_slice %arg6[%dma_start3A_297, %dma_start3A_301] : memref<8x128xi32, #tpu.memory_space<vmem>> -> memref<1x64xi32, #tpu.memory_space<vmem>>
      %dma_start3A_303 = tpu.memref_squeeze %dma_start3A_302 : memref<1x64xi32, #tpu.memory_space<vmem>> -> memref<64xi32, #tpu.memory_space<vmem>>
      %dma_start3A_304 = arith.constant 0 : i32
      %dma_start3A_305 = arith.constant 0 : i32
      %dma_start3A_306 = tpu.memref_slice %arg2[%dma_start3A_304, %dma_start3A_305] : memref<10240x128xf32, #tpu.memory_space<hbm>> -> memref<10240x128xf32, #tpu.memory_space<hbm>>
      tpu.enqueue_indirect_dma source(%dma_start3A_306 : memref<10240x128xf32, #tpu.memory_space<hbm>>) target(%dma_start3A_300 : memref<64x128xf32, #tpu.memory_space<vmem>>) offsets(%dma_start3A_303 : memref<64xi32, #tpu.memory_space<vmem>>) semaphore(%arg19 : memref<!tpu.dma_semaphore, #tpu.memory_space<semaphore_mem>>)
      %dma_wait3A_307 = arith.constant 4 : i32
      %dma_wait3A_308 = arith.constant 0 : i32
      %dma_wait3A_309 = arith.constant 0 : i32
      %dma_wait3A_310 = tpu.memref_slice %arg10[%dma_wait3A_308, %dma_wait3A_309] : memref<128x128xf32, #tpu.memory_space<vmem>> -> memref<64x128xf32, #tpu.memory_space<vmem>>
      %dma_wait3A_311 = arith.constant 0 : i32
      %dma_wait3A_312 = tpu.memref_slice %arg6[%dma_wait3A_307, %dma_wait3A_311] : memref<8x128xi32, #tpu.memory_space<vmem>> -> memref<1x64xi32, #tpu.memory_space<vmem>>
      %dma_wait3A_313 = tpu.memref_squeeze %dma_wait3A_312 : memref<1x64xi32, #tpu.memory_space<vmem>> -> memref<64xi32, #tpu.memory_space<vmem>>
      %dma_wait3A_314 = arith.constant 0 : i32
      %dma_wait3A_315 = arith.constant 0 : i32
      %dma_wait3A_316 = tpu.memref_slice %arg2[%dma_wait3A_314, %dma_wait3A_315] : memref<10240x128xf32, #tpu.memory_space<hbm>> -> memref<10240x128xf32, #tpu.memory_space<hbm>>
      tpu.wait_indirect_dma semaphore(%arg14 : memref<!tpu.dma_semaphore, #tpu.memory_space<semaphore_mem>>) src(%dma_wait3A_316 : memref<10240x128xf32, #tpu.memory_space<hbm>>) dst(%dma_wait3A_310 : memref<64x128xf32, #tpu.memory_space<vmem>>)
      %dma_wait3A_317 = arith.constant 4 : i32
      %dma_wait3A_318 = arith.constant 64 : i32
      %dma_wait3A_319 = arith.constant 0 : i32
      %dma_wait3A_320 = tpu.memref_slice %arg10[%dma_wait3A_318, %dma_wait3A_319] : memref<128x128xf32, #tpu.memory_space<vmem>> -> memref<64x128xf32, #tpu.memory_space<vmem>>
      %dma_wait3A_321 = arith.constant 64 : i32
      %dma_wait3A_322 = tpu.memref_slice %arg6[%dma_wait3A_317, %dma_wait3A_321] : memref<8x128xi32, #tpu.memory_space<vmem>> -> memref<1x64xi32, #tpu.memory_space<vmem>>
      %dma_wait3A_323 = tpu.memref_squeeze %dma_wait3A_322 : memref<1x64xi32, #tpu.memory_space<vmem>> -> memref<64xi32, #tpu.memory_space<vmem>>
      %dma_wait3A_324 = arith.constant 0 : i32
      %dma_wait3A_325 = arith.constant 0 : i32
      %dma_wait3A_326 = tpu.memref_slice %arg2[%dma_wait3A_324, %dma_wait3A_325] : memref<10240x128xf32, #tpu.memory_space<hbm>> -> memref<10240x128xf32, #tpu.memory_space<hbm>>
      tpu.wait_indirect_dma semaphore(%arg18 : memref<!tpu.dma_semaphore, #tpu.memory_space<semaphore_mem>>) src(%dma_wait3A_326 : memref<10240x128xf32, #tpu.memory_space<hbm>>) dst(%dma_wait3A_320 : memref<64x128xf32, #tpu.memory_space<vmem>>)
      %dma_start3A_327 = arith.constant 4 : i32
      %dma_start3A_328 = arith.constant 0 : i32
      %dma_start3A_329 = tpu.memref_slice %arg8[%dma_start3A_327, %dma_start3A_328] : memref<8x128xi32, #tpu.memory_space<vmem>> -> memref<1x128xi32, #tpu.memory_space<vmem>>
      %dma_start3A_330 = tpu.memref_squeeze %dma_start3A_329 : memref<1x128xi32, #tpu.memory_space<vmem>> -> memref<128xi32, #tpu.memory_space<vmem>>
      %dma_start3A_331 = arith.constant 0 : i32
      %dma_start3A_332 = arith.constant 0 : i32
      %dma_start3A_333 = tpu.memref_slice %arg13[%dma_start3A_331, %dma_start3A_332] : memref<10240x128xf32, #tpu.memory_space<vmem_shared>> -> memref<10240x128xf32, #tpu.memory_space<vmem_shared>>
      tpu.enqueue_indirect_dma source(%arg10 : memref<128x128xf32, #tpu.memory_space<vmem>>) target(%dma_start3A_333 : memref<10240x128xf32, #tpu.memory_space<vmem_shared>>) offsets(%dma_start3A_330 : memref<128xi32, #tpu.memory_space<vmem>>) semaphore(%arg16 : memref<!tpu.dma_semaphore, #tpu.memory_space<semaphore_mem>>) {add = true}
      %dma_wait3A_334 = arith.constant 5 : i32
      %dma_wait3A_335 = arith.constant 0 : i32
      %dma_wait3A_336 = arith.constant 0 : i32
      %dma_wait3A_337 = tpu.memref_slice %arg11[%dma_wait3A_335, %dma_wait3A_336] : memref<128x128xf32, #tpu.memory_space<vmem>> -> memref<64x128xf32, #tpu.memory_space<vmem>>
      %dma_wait3A_338 = arith.constant 0 : i32
      %dma_wait3A_339 = tpu.memref_slice %arg6[%dma_wait3A_334, %dma_wait3A_338] : memref<8x128xi32, #tpu.memory_space<vmem>> -> memref<1x64xi32, #tpu.memory_space<vmem>>
      %dma_wait3A_340 = tpu.memref_squeeze %dma_wait3A_339 : memref<1x64xi32, #tpu.memory_space<vmem>> -> memref<64xi32, #tpu.memory_space<vmem>>
      %dma_wait3A_341 = arith.constant 0 : i32
      %dma_wait3A_342 = arith.constant 0 : i32
      %dma_wait3A_343 = tpu.memref_slice %arg2[%dma_wait3A_341, %dma_wait3A_342] : memref<10240x128xf32, #tpu.memory_space<hbm>> -> memref<10240x128xf32, #tpu.memory_space<hbm>>
      tpu.wait_indirect_dma semaphore(%arg15 : memref<!tpu.dma_semaphore, #tpu.memory_space<semaphore_mem>>) src(%dma_wait3A_343 : memref<10240x128xf32, #tpu.memory_space<hbm>>) dst(%dma_wait3A_337 : memref<64x128xf32, #tpu.memory_space<vmem>>)
      %dma_wait3A_344 = arith.constant 5 : i32
      %dma_wait3A_345 = arith.constant 64 : i32
      %dma_wait3A_346 = arith.constant 0 : i32
      %dma_wait3A_347 = tpu.memref_slice %arg11[%dma_wait3A_345, %dma_wait3A_346] : memref<128x128xf32, #tpu.memory_space<vmem>> -> memref<64x128xf32, #tpu.memory_space<vmem>>
      %dma_wait3A_348 = arith.constant 64 : i32
      %dma_wait3A_349 = tpu.memref_slice %arg6[%dma_wait3A_344, %dma_wait3A_348] : memref<8x128xi32, #tpu.memory_space<vmem>> -> memref<1x64xi32, #tpu.memory_space<vmem>>
      %dma_wait3A_350 = tpu.memref_squeeze %dma_wait3A_349 : memref<1x64xi32, #tpu.memory_space<vmem>> -> memref<64xi32, #tpu.memory_space<vmem>>
      %dma_wait3A_351 = arith.constant 0 : i32
      %dma_wait3A_352 = arith.constant 0 : i32
      %dma_wait3A_353 = tpu.memref_slice %arg2[%dma_wait3A_351, %dma_wait3A_352] : memref<10240x128xf32, #tpu.memory_space<hbm>> -> memref<10240x128xf32, #tpu.memory_space<hbm>>
      tpu.wait_indirect_dma semaphore(%arg19 : memref<!tpu.dma_semaphore, #tpu.memory_space<semaphore_mem>>) src(%dma_wait3A_353 : memref<10240x128xf32, #tpu.memory_space<hbm>>) dst(%dma_wait3A_347 : memref<64x128xf32, #tpu.memory_space<vmem>>)
      %dma_start3A_354 = arith.constant 5 : i32
      %dma_start3A_355 = arith.constant 0 : i32
      %dma_start3A_356 = tpu.memref_slice %arg8[%dma_start3A_354, %dma_start3A_355] : memref<8x128xi32, #tpu.memory_space<vmem>> -> memref<1x128xi32, #tpu.memory_space<vmem>>
      %dma_start3A_357 = tpu.memref_squeeze %dma_start3A_356 : memref<1x128xi32, #tpu.memory_space<vmem>> -> memref<128xi32, #tpu.memory_space<vmem>>
      %dma_start3A_358 = arith.constant 0 : i32
      %dma_start3A_359 = arith.constant 0 : i32
      %dma_start3A_360 = tpu.memref_slice %arg13[%dma_start3A_358, %dma_start3A_359] : memref<10240x128xf32, #tpu.memory_space<vmem_shared>> -> memref<10240x128xf32, #tpu.memory_space<vmem_shared>>
      tpu.enqueue_indirect_dma source(%arg11 : memref<128x128xf32, #tpu.memory_space<vmem>>) target(%dma_start3A_360 : memref<10240x128xf32, #tpu.memory_space<vmem_shared>>) offsets(%dma_start3A_357 : memref<128xi32, #tpu.memory_space<vmem>>) semaphore(%arg17 : memref<!tpu.dma_semaphore, #tpu.memory_space<semaphore_mem>>) {add = true}
      %dma_wait3A_361 = arith.constant 6 : i32
      %dma_wait3A_362 = arith.constant 0 : i32
      %dma_wait3A_363 = tpu.memref_slice %arg8[%dma_wait3A_361, %dma_wait3A_362] : memref<8x128xi32, #tpu.memory_space<vmem>> -> memref<1x128xi32, #tpu.memory_space<vmem>>
      %dma_wait3A_364 = tpu.memref_squeeze %dma_wait3A_363 : memref<1x128xi32, #tpu.memory_space<vmem>> -> memref<128xi32, #tpu.memory_space<vmem>>
      %dma_wait3A_365 = arith.constant 0 : i32
      %dma_wait3A_366 = arith.constant 0 : i32
      %dma_wait3A_367 = tpu.memref_slice %arg13[%dma_wait3A_365, %dma_wait3A_366] : memref<10240x128xf32, #tpu.memory_space<vmem_shared>> -> memref<10240x128xf32, #tpu.memory_space<vmem_shared>>
      tpu.wait_indirect_dma semaphore(%arg16 : memref<!tpu.dma_semaphore, #tpu.memory_space<semaphore_mem>>) src(%arg10 : memref<128x128xf32, #tpu.memory_space<vmem>>) dst(%dma_wait3A_367 : memref<10240x128xf32, #tpu.memory_space<vmem_shared>>)
      %dma_start3A_368 = arith.constant 6 : i32
      %dma_start3A_369 = arith.constant 0 : i32
      %dma_start3A_370 = arith.constant 0 : i32
      %dma_start3A_371 = tpu.memref_slice %arg10[%dma_start3A_369, %dma_start3A_370] : memref<128x128xf32, #tpu.memory_space<vmem>> -> memref<64x128xf32, #tpu.memory_space<vmem>>
      %dma_start3A_372 = arith.constant 0 : i32
      %dma_start3A_373 = tpu.memref_slice %arg6[%dma_start3A_368, %dma_start3A_372] : memref<8x128xi32, #tpu.memory_space<vmem>> -> memref<1x64xi32, #tpu.memory_space<vmem>>
      %dma_start3A_374 = tpu.memref_squeeze %dma_start3A_373 : memref<1x64xi32, #tpu.memory_space<vmem>> -> memref<64xi32, #tpu.memory_space<vmem>>
      %dma_start3A_375 = arith.constant 0 : i32
      %dma_start3A_376 = arith.constant 0 : i32
      %dma_start3A_377 = tpu.memref_slice %arg2[%dma_start3A_375, %dma_start3A_376] : memref<10240x128xf32, #tpu.memory_space<hbm>> -> memref<10240x128xf32, #tpu.memory_space<hbm>>
      tpu.enqueue_indirect_dma source(%dma_start3A_377 : memref<10240x128xf32, #tpu.memory_space<hbm>>) target(%dma_start3A_371 : memref<64x128xf32, #tpu.memory_space<vmem>>) offsets(%dma_start3A_374 : memref<64xi32, #tpu.memory_space<vmem>>) semaphore(%arg14 : memref<!tpu.dma_semaphore, #tpu.memory_space<semaphore_mem>>)
      %dma_start3A_378 = arith.constant 6 : i32
      %dma_start3A_379 = arith.constant 64 : i32
      %dma_start3A_380 = arith.constant 0 : i32
      %dma_start3A_381 = tpu.memref_slice %arg10[%dma_start3A_379, %dma_start3A_380] : memref<128x128xf32, #tpu.memory_space<vmem>> -> memref<64x128xf32, #tpu.memory_space<vmem>>
      %dma_start3A_382 = arith.constant 64 : i32
      %dma_start3A_383 = tpu.memref_slice %arg6[%dma_start3A_378, %dma_start3A_382] : memref<8x128xi32, #tpu.memory_space<vmem>> -> memref<1x64xi32, #tpu.memory_space<vmem>>
      %dma_start3A_384 = tpu.memref_squeeze %dma_start3A_383 : memref<1x64xi32, #tpu.memory_space<vmem>> -> memref<64xi32, #tpu.memory_space<vmem>>
      %dma_start3A_385 = arith.constant 0 : i32
      %dma_start3A_386 = arith.constant 0 : i32
      %dma_start3A_387 = tpu.memref_slice %arg2[%dma_start3A_385, %dma_start3A_386] : memref<10240x128xf32, #tpu.memory_space<hbm>> -> memref<10240x128xf32, #tpu.memory_space<hbm>>
      tpu.enqueue_indirect_dma source(%dma_start3A_387 : memref<10240x128xf32, #tpu.memory_space<hbm>>) target(%dma_start3A_381 : memref<64x128xf32, #tpu.memory_space<vmem>>) offsets(%dma_start3A_384 : memref<64xi32, #tpu.memory_space<vmem>>) semaphore(%arg18 : memref<!tpu.dma_semaphore, #tpu.memory_space<semaphore_mem>>)
      %dma_wait3A_388 = arith.constant 7 : i32
      %dma_wait3A_389 = arith.constant 0 : i32
      %dma_wait3A_390 = tpu.memref_slice %arg8[%dma_wait3A_388, %dma_wait3A_389] : memref<8x128xi32, #tpu.memory_space<vmem>> -> memref<1x128xi32, #tpu.memory_space<vmem>>
      %dma_wait3A_391 = tpu.memref_squeeze %dma_wait3A_390 : memref<1x128xi32, #tpu.memory_space<vmem>> -> memref<128xi32, #tpu.memory_space<vmem>>
      %dma_wait3A_392 = arith.constant 0 : i32
      %dma_wait3A_393 = arith.constant 0 : i32
      %dma_wait3A_394 = tpu.memref_slice %arg13[%dma_wait3A_392, %dma_wait3A_393] : memref<10240x128xf32, #tpu.memory_space<vmem_shared>> -> memref<10240x128xf32, #tpu.memory_space<vmem_shared>>
      tpu.wait_indirect_dma semaphore(%arg17 : memref<!tpu.dma_semaphore, #tpu.memory_space<semaphore_mem>>) src(%arg11 : memref<128x128xf32, #tpu.memory_space<vmem>>) dst(%dma_wait3A_394 : memref<10240x128xf32, #tpu.memory_space<vmem_shared>>)
      %dma_start3A_395 = arith.constant 7 : i32
      %dma_start3A_396 = arith.constant 0 : i32
      %dma_start3A_397 = arith.constant 0 : i32
      %dma_start3A_398 = tpu.memref_slice %arg11[%dma_start3A_396, %dma_start3A_397] : memref<128x128xf32, #tpu.memory_space<vmem>> -> memref<64x128xf32, #tpu.memory_space<vmem>>
      %dma_start3A_399 = arith.constant 0 : i32
      %dma_start3A_400 = tpu.memref_slice %arg6[%dma_start3A_395, %dma_start3A_399] : memref<8x128xi32, #tpu.memory_space<vmem>> -> memref<1x64xi32, #tpu.memory_space<vmem>>
      %dma_start3A_401 = tpu.memref_squeeze %dma_start3A_400 : memref<1x64xi32, #tpu.memory_space<vmem>> -> memref<64xi32, #tpu.memory_space<vmem>>
      %dma_start3A_402 = arith.constant 0 : i32
      %dma_start3A_403 = arith.constant 0 : i32
      %dma_start3A_404 = tpu.memref_slice %arg2[%dma_start3A_402, %dma_start3A_403] : memref<10240x128xf32, #tpu.memory_space<hbm>> -> memref<10240x128xf32, #tpu.memory_space<hbm>>
      tpu.enqueue_indirect_dma source(%dma_start3A_404 : memref<10240x128xf32, #tpu.memory_space<hbm>>) target(%dma_start3A_398 : memref<64x128xf32, #tpu.memory_space<vmem>>) offsets(%dma_start3A_401 : memref<64xi32, #tpu.memory_space<vmem>>) semaphore(%arg15 : memref<!tpu.dma_semaphore, #tpu.memory_space<semaphore_mem>>)
      %dma_start3A_405 = arith.constant 7 : i32
      %dma_start3A_406 = arith.constant 64 : i32
      %dma_start3A_407 = arith.constant 0 : i32
      %dma_start3A_408 = tpu.memref_slice %arg11[%dma_start3A_406, %dma_start3A_407] : memref<128x128xf32, #tpu.memory_space<vmem>> -> memref<64x128xf32, #tpu.memory_space<vmem>>
      %dma_start3A_409 = arith.constant 64 : i32
      %dma_start3A_410 = tpu.memref_slice %arg6[%dma_start3A_405, %dma_start3A_409] : memref<8x128xi32, #tpu.memory_space<vmem>> -> memref<1x64xi32, #tpu.memory_space<vmem>>
      %dma_start3A_411 = tpu.memref_squeeze %dma_start3A_410 : memref<1x64xi32, #tpu.memory_space<vmem>> -> memref<64xi32, #tpu.memory_space<vmem>>
      %dma_start3A_412 = arith.constant 0 : i32
      %dma_start3A_413 = arith.constant 0 : i32
      %dma_start3A_414 = tpu.memref_slice %arg2[%dma_start3A_412, %dma_start3A_413] : memref<10240x128xf32, #tpu.memory_space<hbm>> -> memref<10240x128xf32, #tpu.memory_space<hbm>>
      tpu.enqueue_indirect_dma source(%dma_start3A_414 : memref<10240x128xf32, #tpu.memory_space<hbm>>) target(%dma_start3A_408 : memref<64x128xf32, #tpu.memory_space<vmem>>) offsets(%dma_start3A_411 : memref<64xi32, #tpu.memory_space<vmem>>) semaphore(%arg19 : memref<!tpu.dma_semaphore, #tpu.memory_space<semaphore_mem>>)
      %dma_wait3A_415 = arith.constant 6 : i32
      %dma_wait3A_416 = arith.constant 0 : i32
      %dma_wait3A_417 = arith.constant 0 : i32
      %dma_wait3A_418 = tpu.memref_slice %arg10[%dma_wait3A_416, %dma_wait3A_417] : memref<128x128xf32, #tpu.memory_space<vmem>> -> memref<64x128xf32, #tpu.memory_space<vmem>>
      %dma_wait3A_419 = arith.constant 0 : i32
      %dma_wait3A_420 = tpu.memref_slice %arg6[%dma_wait3A_415, %dma_wait3A_419] : memref<8x128xi32, #tpu.memory_space<vmem>> -> memref<1x64xi32, #tpu.memory_space<vmem>>
      %dma_wait3A_421 = tpu.memref_squeeze %dma_wait3A_420 : memref<1x64xi32, #tpu.memory_space<vmem>> -> memref<64xi32, #tpu.memory_space<vmem>>
      %dma_wait3A_422 = arith.constant 0 : i32
      %dma_wait3A_423 = arith.constant 0 : i32
      %dma_wait3A_424 = tpu.memref_slice %arg2[%dma_wait3A_422, %dma_wait3A_423] : memref<10240x128xf32, #tpu.memory_space<hbm>> -> memref<10240x128xf32, #tpu.memory_space<hbm>>
      tpu.wait_indirect_dma semaphore(%arg14 : memref<!tpu.dma_semaphore, #tpu.memory_space<semaphore_mem>>) src(%dma_wait3A_424 : memref<10240x128xf32, #tpu.memory_space<hbm>>) dst(%dma_wait3A_418 : memref<64x128xf32, #tpu.memory_space<vmem>>)
      %dma_wait3A_425 = arith.constant 6 : i32
      %dma_wait3A_426 = arith.constant 64 : i32
      %dma_wait3A_427 = arith.constant 0 : i32
      %dma_wait3A_428 = tpu.memref_slice %arg10[%dma_wait3A_426, %dma_wait3A_427] : memref<128x128xf32, #tpu.memory_space<vmem>> -> memref<64x128xf32, #tpu.memory_space<vmem>>
      %dma_wait3A_429 = arith.constant 64 : i32
      %dma_wait3A_430 = tpu.memref_slice %arg6[%dma_wait3A_425, %dma_wait3A_429] : memref<8x128xi32, #tpu.memory_space<vmem>> -> memref<1x64xi32, #tpu.memory_space<vmem>>
      %dma_wait3A_431 = tpu.memref_squeeze %dma_wait3A_430 : memref<1x64xi32, #tpu.memory_space<vmem>> -> memref<64xi32, #tpu.memory_space<vmem>>
      %dma_wait3A_432 = arith.constant 0 : i32
      %dma_wait3A_433 = arith.constant 0 : i32
      %dma_wait3A_434 = tpu.memref_slice %arg2[%dma_wait3A_432, %dma_wait3A_433] : memref<10240x128xf32, #tpu.memory_space<hbm>> -> memref<10240x128xf32, #tpu.memory_space<hbm>>
      tpu.wait_indirect_dma semaphore(%arg18 : memref<!tpu.dma_semaphore, #tpu.memory_space<semaphore_mem>>) src(%dma_wait3A_434 : memref<10240x128xf32, #tpu.memory_space<hbm>>) dst(%dma_wait3A_428 : memref<64x128xf32, #tpu.memory_space<vmem>>)
      %dma_start3A_435 = arith.constant 6 : i32
      %dma_start3A_436 = arith.constant 0 : i32
      %dma_start3A_437 = tpu.memref_slice %arg8[%dma_start3A_435, %dma_start3A_436] : memref<8x128xi32, #tpu.memory_space<vmem>> -> memref<1x128xi32, #tpu.memory_space<vmem>>
      %dma_start3A_438 = tpu.memref_squeeze %dma_start3A_437 : memref<1x128xi32, #tpu.memory_space<vmem>> -> memref<128xi32, #tpu.memory_space<vmem>>
      %dma_start3A_439 = arith.constant 0 : i32
      %dma_start3A_440 = arith.constant 0 : i32
      %dma_start3A_441 = tpu.memref_slice %arg13[%dma_start3A_439, %dma_start3A_440] : memref<10240x128xf32, #tpu.memory_space<vmem_shared>> -> memref<10240x128xf32, #tpu.memory_space<vmem_shared>>
      tpu.enqueue_indirect_dma source(%arg10 : memref<128x128xf32, #tpu.memory_space<vmem>>) target(%dma_start3A_441 : memref<10240x128xf32, #tpu.memory_space<vmem_shared>>) offsets(%dma_start3A_438 : memref<128xi32, #tpu.memory_space<vmem>>) semaphore(%arg16 : memref<!tpu.dma_semaphore, #tpu.memory_space<semaphore_mem>>) {add = true}
      %dma_wait3A_442 = arith.constant 7 : i32
      %dma_wait3A_443 = arith.constant 0 : i32
      %dma_wait3A_444 = arith.constant 0 : i32
      %dma_wait3A_445 = tpu.memref_slice %arg11[%dma_wait3A_443, %dma_wait3A_444] : memref<128x128xf32, #tpu.memory_space<vmem>> -> memref<64x128xf32, #tpu.memory_space<vmem>>
      %dma_wait3A_446 = arith.constant 0 : i32
      %dma_wait3A_447 = tpu.memref_slice %arg6[%dma_wait3A_442, %dma_wait3A_446] : memref<8x128xi32, #tpu.memory_space<vmem>> -> memref<1x64xi32, #tpu.memory_space<vmem>>
      %dma_wait3A_448 = tpu.memref_squeeze %dma_wait3A_447 : memref<1x64xi32, #tpu.memory_space<vmem>> -> memref<64xi32, #tpu.memory_space<vmem>>
      %dma_wait3A_449 = arith.constant 0 : i32
      %dma_wait3A_450 = arith.constant 0 : i32
      %dma_wait3A_451 = tpu.memref_slice %arg2[%dma_wait3A_449, %dma_wait3A_450] : memref<10240x128xf32, #tpu.memory_space<hbm>> -> memref<10240x128xf32, #tpu.memory_space<hbm>>
      tpu.wait_indirect_dma semaphore(%arg15 : memref<!tpu.dma_semaphore, #tpu.memory_space<semaphore_mem>>) src(%dma_wait3A_451 : memref<10240x128xf32, #tpu.memory_space<hbm>>) dst(%dma_wait3A_445 : memref<64x128xf32, #tpu.memory_space<vmem>>)
      %dma_wait3A_452 = arith.constant 7 : i32
      %dma_wait3A_453 = arith.constant 64 : i32
      %dma_wait3A_454 = arith.constant 0 : i32
      %dma_wait3A_455 = tpu.memref_slice %arg11[%dma_wait3A_453, %dma_wait3A_454] : memref<128x128xf32, #tpu.memory_space<vmem>> -> memref<64x128xf32, #tpu.memory_space<vmem>>
      %dma_wait3A_456 = arith.constant 64 : i32
      %dma_wait3A_457 = tpu.memref_slice %arg6[%dma_wait3A_452, %dma_wait3A_456] : memref<8x128xi32, #tpu.memory_space<vmem>> -> memref<1x64xi32, #tpu.memory_space<vmem>>
      %dma_wait3A_458 = tpu.memref_squeeze %dma_wait3A_457 : memref<1x64xi32, #tpu.memory_space<vmem>> -> memref<64xi32, #tpu.memory_space<vmem>>
      %dma_wait3A_459 = arith.constant 0 : i32
      %dma_wait3A_460 = arith.constant 0 : i32
      %dma_wait3A_461 = tpu.memref_slice %arg2[%dma_wait3A_459, %dma_wait3A_460] : memref<10240x128xf32, #tpu.memory_space<hbm>> -> memref<10240x128xf32, #tpu.memory_space<hbm>>
      tpu.wait_indirect_dma semaphore(%arg19 : memref<!tpu.dma_semaphore, #tpu.memory_space<semaphore_mem>>) src(%dma_wait3A_461 : memref<10240x128xf32, #tpu.memory_space<hbm>>) dst(%dma_wait3A_455 : memref<64x128xf32, #tpu.memory_space<vmem>>)
      %dma_start3A_462 = arith.constant 7 : i32
      %dma_start3A_463 = arith.constant 0 : i32
      %dma_start3A_464 = tpu.memref_slice %arg8[%dma_start3A_462, %dma_start3A_463] : memref<8x128xi32, #tpu.memory_space<vmem>> -> memref<1x128xi32, #tpu.memory_space<vmem>>
      %dma_start3A_465 = tpu.memref_squeeze %dma_start3A_464 : memref<1x128xi32, #tpu.memory_space<vmem>> -> memref<128xi32, #tpu.memory_space<vmem>>
      %dma_start3A_466 = arith.constant 0 : i32
      %dma_start3A_467 = arith.constant 0 : i32
      %dma_start3A_468 = tpu.memref_slice %arg13[%dma_start3A_466, %dma_start3A_467] : memref<10240x128xf32, #tpu.memory_space<vmem_shared>> -> memref<10240x128xf32, #tpu.memory_space<vmem_shared>>
      tpu.enqueue_indirect_dma source(%arg11 : memref<128x128xf32, #tpu.memory_space<vmem>>) target(%dma_start3A_468 : memref<10240x128xf32, #tpu.memory_space<vmem_shared>>) offsets(%dma_start3A_465 : memref<128xi32, #tpu.memory_space<vmem>>) semaphore(%arg17 : memref<!tpu.dma_semaphore, #tpu.memory_space<semaphore_mem>>) {add = true}
      %mul3A_469 = arith.constant 2 : i32
      %mul3A_470 = arith.muli %mul3A_469, %scan3A_36 : i32
      %add3A_471 = arith.constant 1 : i32
      %add3A_472 = arith.addi %mul3A_470, %add3A_471 : i32
      %mul3A_473 = arith.constant 8 : i32
      %mul3A_474 = arith.muli %add3A_472, %mul3A_473 : i32
      "tpu.region"() ({
        %run_scoped3A = tpu.sem_alloc : memref<!tpu.dma_semaphore, #tpu.memory_space<semaphore_mem>>
        %dma_start3A_909 = arith.constant 0 : i32
        %dma_start3A_910 = tpu.memref_slice %arg3[%add3A, %mul3A_474, %dma_start3A_909] : memref<32x80x128xi32, #tpu.memory_space<hbm>> -> memref<1x8x128xi32, #tpu.memory_space<hbm>>
        %dma_start3A_911 = tpu.memref_squeeze %dma_start3A_910 : memref<1x8x128xi32, #tpu.memory_space<hbm>> -> memref<8x128xi32, #tpu.memory_space<hbm>>
        %dma_start3A_912 = arith.constant 0 : i32
        %dma_start3A_913 = tpu.memref_slice %arg3[%add3A, %mul3A_474, %dma_start3A_912] : memref<32x80x128xi32, #tpu.memory_space<hbm>> -> memref<1x8x128xi32, #tpu.memory_space<hbm>>
        %dma_start3A_914 = tpu.memref_squeeze %dma_start3A_913 : memref<1x8x128xi32, #tpu.memory_space<hbm>> -> memref<8x128xi32, #tpu.memory_space<hbm>>
        tpu.enqueue_dma source(%dma_start3A_914 : memref<8x128xi32, #tpu.memory_space<hbm>>) target(%arg7 : memref<8x128xi32, #tpu.memory_space<vmem>>) target_semaphore(%run_scoped3A : memref<!tpu.dma_semaphore, #tpu.memory_space<semaphore_mem>>)
        %dma_wait3A_915 = arith.constant 0 : i32
        %dma_wait3A_916 = tpu.memref_slice %arg3[%add3A, %mul3A_474, %dma_wait3A_915] : memref<32x80x128xi32, #tpu.memory_space<hbm>> -> memref<1x8x128xi32, #tpu.memory_space<hbm>>
        %dma_wait3A_917 = tpu.memref_squeeze %dma_wait3A_916 : memref<1x8x128xi32, #tpu.memory_space<hbm>> -> memref<8x128xi32, #tpu.memory_space<hbm>>
        %dma_wait3A_918 = arith.constant 0 : i32
        %dma_wait3A_919 = tpu.memref_slice %arg3[%add3A, %mul3A_474, %dma_wait3A_918] : memref<32x80x128xi32, #tpu.memory_space<hbm>> -> memref<1x8x128xi32, #tpu.memory_space<hbm>>
        %dma_wait3A_920 = tpu.memref_squeeze %dma_wait3A_919 : memref<1x8x128xi32, #tpu.memory_space<hbm>> -> memref<8x128xi32, #tpu.memory_space<hbm>>
        tpu.wait_dma2 semaphore(%run_scoped3A : memref<!tpu.dma_semaphore, #tpu.memory_space<semaphore_mem>>) src(%dma_wait3A_920 : memref<8x128xi32, #tpu.memory_space<hbm>>) dst(%arg7 : memref<8x128xi32, #tpu.memory_space<vmem>>)
        tpu.yield
      }) : () -> ()
      %mul3A_475 = arith.constant 8 : i32
      %mul3A_476 = arith.muli %add3A_472, %mul3A_475 : i32
      "tpu.region"() ({
        %run_scoped3A = tpu.sem_alloc : memref<!tpu.dma_semaphore, #tpu.memory_space<semaphore_mem>>
        %dma_start3A_909 = arith.constant 0 : i32
        %dma_start3A_910 = tpu.memref_slice %arg4[%add3A, %mul3A_476, %dma_start3A_909] : memref<32x80x128xi32, #tpu.memory_space<hbm>> -> memref<1x8x128xi32, #tpu.memory_space<hbm>>
        %dma_start3A_911 = tpu.memref_squeeze %dma_start3A_910 : memref<1x8x128xi32, #tpu.memory_space<hbm>> -> memref<8x128xi32, #tpu.memory_space<hbm>>
        %dma_start3A_912 = arith.constant 0 : i32
        %dma_start3A_913 = tpu.memref_slice %arg4[%add3A, %mul3A_476, %dma_start3A_912] : memref<32x80x128xi32, #tpu.memory_space<hbm>> -> memref<1x8x128xi32, #tpu.memory_space<hbm>>
        %dma_start3A_914 = tpu.memref_squeeze %dma_start3A_913 : memref<1x8x128xi32, #tpu.memory_space<hbm>> -> memref<8x128xi32, #tpu.memory_space<hbm>>
        tpu.enqueue_dma source(%dma_start3A_914 : memref<8x128xi32, #tpu.memory_space<hbm>>) target(%arg9 : memref<8x128xi32, #tpu.memory_space<vmem>>) target_semaphore(%run_scoped3A : memref<!tpu.dma_semaphore, #tpu.memory_space<semaphore_mem>>)
        %dma_wait3A_915 = arith.constant 0 : i32
        %dma_wait3A_916 = tpu.memref_slice %arg4[%add3A, %mul3A_476, %dma_wait3A_915] : memref<32x80x128xi32, #tpu.memory_space<hbm>> -> memref<1x8x128xi32, #tpu.memory_space<hbm>>
        %dma_wait3A_917 = tpu.memref_squeeze %dma_wait3A_916 : memref<1x8x128xi32, #tpu.memory_space<hbm>> -> memref<8x128xi32, #tpu.memory_space<hbm>>
        %dma_wait3A_918 = arith.constant 0 : i32
        %dma_wait3A_919 = tpu.memref_slice %arg4[%add3A, %mul3A_476, %dma_wait3A_918] : memref<32x80x128xi32, #tpu.memory_space<hbm>> -> memref<1x8x128xi32, #tpu.memory_space<hbm>>
        %dma_wait3A_920 = tpu.memref_squeeze %dma_wait3A_919 : memref<1x8x128xi32, #tpu.memory_space<hbm>> -> memref<8x128xi32, #tpu.memory_space<hbm>>
        tpu.wait_dma2 semaphore(%run_scoped3A : memref<!tpu.dma_semaphore, #tpu.memory_space<semaphore_mem>>) src(%dma_wait3A_920 : memref<8x128xi32, #tpu.memory_space<hbm>>) dst(%arg9 : memref<8x128xi32, #tpu.memory_space<vmem>>)
        tpu.yield
      }) : () -> ()
      %dma_wait3A_477 = arith.constant 0 : i32
      %dma_wait3A_478 = arith.constant 0 : i32
      %dma_wait3A_479 = tpu.memref_slice %arg9[%dma_wait3A_477, %dma_wait3A_478] : memref<8x128xi32, #tpu.memory_space<vmem>> -> memref<1x128xi32, #tpu.memory_space<vmem>>
      %dma_wait3A_480 = tpu.memref_squeeze %dma_wait3A_479 : memref<1x128xi32, #tpu.memory_space<vmem>> -> memref<128xi32, #tpu.memory_space<vmem>>
      %dma_wait3A_481 = arith.constant 0 : i32
      %dma_wait3A_482 = arith.constant 0 : i32
      %dma_wait3A_483 = tpu.memref_slice %arg13[%dma_wait3A_481, %dma_wait3A_482] : memref<10240x128xf32, #tpu.memory_space<vmem_shared>> -> memref<10240x128xf32, #tpu.memory_space<vmem_shared>>
      tpu.wait_indirect_dma semaphore(%arg16 : memref<!tpu.dma_semaphore, #tpu.memory_space<semaphore_mem>>) src(%arg10 : memref<128x128xf32, #tpu.memory_space<vmem>>) dst(%dma_wait3A_483 : memref<10240x128xf32, #tpu.memory_space<vmem_shared>>)
      %dma_start3A_484 = arith.constant 0 : i32
      %dma_start3A_485 = arith.constant 0 : i32
      %dma_start3A_486 = arith.constant 0 : i32
      %dma_start3A_487 = tpu.memref_slice %arg10[%dma_start3A_485, %dma_start3A_486] : memref<128x128xf32, #tpu.memory_space<vmem>> -> memref<64x128xf32, #tpu.memory_space<vmem>>
      %dma_start3A_488 = arith.constant 0 : i32
      %dma_start3A_489 = tpu.memref_slice %arg7[%dma_start3A_484, %dma_start3A_488] : memref<8x128xi32, #tpu.memory_space<vmem>> -> memref<1x64xi32, #tpu.memory_space<vmem>>
      %dma_start3A_490 = tpu.memref_squeeze %dma_start3A_489 : memref<1x64xi32, #tpu.memory_space<vmem>> -> memref<64xi32, #tpu.memory_space<vmem>>
      %dma_start3A_491 = arith.constant 0 : i32
      %dma_start3A_492 = arith.constant 0 : i32
      %dma_start3A_493 = tpu.memref_slice %arg2[%dma_start3A_491, %dma_start3A_492] : memref<10240x128xf32, #tpu.memory_space<hbm>> -> memref<10240x128xf32, #tpu.memory_space<hbm>>
      tpu.enqueue_indirect_dma source(%dma_start3A_493 : memref<10240x128xf32, #tpu.memory_space<hbm>>) target(%dma_start3A_487 : memref<64x128xf32, #tpu.memory_space<vmem>>) offsets(%dma_start3A_490 : memref<64xi32, #tpu.memory_space<vmem>>) semaphore(%arg14 : memref<!tpu.dma_semaphore, #tpu.memory_space<semaphore_mem>>)
      %dma_start3A_494 = arith.constant 0 : i32
      %dma_start3A_495 = arith.constant 64 : i32
      %dma_start3A_496 = arith.constant 0 : i32
      %dma_start3A_497 = tpu.memref_slice %arg10[%dma_start3A_495, %dma_start3A_496] : memref<128x128xf32, #tpu.memory_space<vmem>> -> memref<64x128xf32, #tpu.memory_space<vmem>>
      %dma_start3A_498 = arith.constant 64 : i32
      %dma_start3A_499 = tpu.memref_slice %arg7[%dma_start3A_494, %dma_start3A_498] : memref<8x128xi32, #tpu.memory_space<vmem>> -> memref<1x64xi32, #tpu.memory_space<vmem>>
      %dma_start3A_500 = tpu.memref_squeeze %dma_start3A_499 : memref<1x64xi32, #tpu.memory_space<vmem>> -> memref<64xi32, #tpu.memory_space<vmem>>
      %dma_start3A_501 = arith.constant 0 : i32
      %dma_start3A_502 = arith.constant 0 : i32
      %dma_start3A_503 = tpu.memref_slice %arg2[%dma_start3A_501, %dma_start3A_502] : memref<10240x128xf32, #tpu.memory_space<hbm>> -> memref<10240x128xf32, #tpu.memory_space<hbm>>
      tpu.enqueue_indirect_dma source(%dma_start3A_503 : memref<10240x128xf32, #tpu.memory_space<hbm>>) target(%dma_start3A_497 : memref<64x128xf32, #tpu.memory_space<vmem>>) offsets(%dma_start3A_500 : memref<64xi32, #tpu.memory_space<vmem>>) semaphore(%arg18 : memref<!tpu.dma_semaphore, #tpu.memory_space<semaphore_mem>>)
      %dma_wait3A_504 = arith.constant 1 : i32
      %dma_wait3A_505 = arith.constant 0 : i32
      %dma_wait3A_506 = tpu.memref_slice %arg9[%dma_wait3A_504, %dma_wait3A_505] : memref<8x128xi32, #tpu.memory_space<vmem>> -> memref<1x128xi32, #tpu.memory_space<vmem>>
      %dma_wait3A_507 = tpu.memref_squeeze %dma_wait3A_506 : memref<1x128xi32, #tpu.memory_space<vmem>> -> memref<128xi32, #tpu.memory_space<vmem>>
      %dma_wait3A_508 = arith.constant 0 : i32
      %dma_wait3A_509 = arith.constant 0 : i32
      %dma_wait3A_510 = tpu.memref_slice %arg13[%dma_wait3A_508, %dma_wait3A_509] : memref<10240x128xf32, #tpu.memory_space<vmem_shared>> -> memref<10240x128xf32, #tpu.memory_space<vmem_shared>>
      tpu.wait_indirect_dma semaphore(%arg17 : memref<!tpu.dma_semaphore, #tpu.memory_space<semaphore_mem>>) src(%arg11 : memref<128x128xf32, #tpu.memory_space<vmem>>) dst(%dma_wait3A_510 : memref<10240x128xf32, #tpu.memory_space<vmem_shared>>)
      %dma_start3A_511 = arith.constant 1 : i32
      %dma_start3A_512 = arith.constant 0 : i32
      %dma_start3A_513 = arith.constant 0 : i32
      %dma_start3A_514 = tpu.memref_slice %arg11[%dma_start3A_512, %dma_start3A_513] : memref<128x128xf32, #tpu.memory_space<vmem>> -> memref<64x128xf32, #tpu.memory_space<vmem>>
      %dma_start3A_515 = arith.constant 0 : i32
      %dma_start3A_516 = tpu.memref_slice %arg7[%dma_start3A_511, %dma_start3A_515] : memref<8x128xi32, #tpu.memory_space<vmem>> -> memref<1x64xi32, #tpu.memory_space<vmem>>
      %dma_start3A_517 = tpu.memref_squeeze %dma_start3A_516 : memref<1x64xi32, #tpu.memory_space<vmem>> -> memref<64xi32, #tpu.memory_space<vmem>>
      %dma_start3A_518 = arith.constant 0 : i32
      %dma_start3A_519 = arith.constant 0 : i32
      %dma_start3A_520 = tpu.memref_slice %arg2[%dma_start3A_518, %dma_start3A_519] : memref<10240x128xf32, #tpu.memory_space<hbm>> -> memref<10240x128xf32, #tpu.memory_space<hbm>>
      tpu.enqueue_indirect_dma source(%dma_start3A_520 : memref<10240x128xf32, #tpu.memory_space<hbm>>) target(%dma_start3A_514 : memref<64x128xf32, #tpu.memory_space<vmem>>) offsets(%dma_start3A_517 : memref<64xi32, #tpu.memory_space<vmem>>) semaphore(%arg15 : memref<!tpu.dma_semaphore, #tpu.memory_space<semaphore_mem>>)
      %dma_start3A_521 = arith.constant 1 : i32
      %dma_start3A_522 = arith.constant 64 : i32
      %dma_start3A_523 = arith.constant 0 : i32
      %dma_start3A_524 = tpu.memref_slice %arg11[%dma_start3A_522, %dma_start3A_523] : memref<128x128xf32, #tpu.memory_space<vmem>> -> memref<64x128xf32, #tpu.memory_space<vmem>>
      %dma_start3A_525 = arith.constant 64 : i32
      %dma_start3A_526 = tpu.memref_slice %arg7[%dma_start3A_521, %dma_start3A_525] : memref<8x128xi32, #tpu.memory_space<vmem>> -> memref<1x64xi32, #tpu.memory_space<vmem>>
      %dma_start3A_527 = tpu.memref_squeeze %dma_start3A_526 : memref<1x64xi32, #tpu.memory_space<vmem>> -> memref<64xi32, #tpu.memory_space<vmem>>
      %dma_start3A_528 = arith.constant 0 : i32
      %dma_start3A_529 = arith.constant 0 : i32
      %dma_start3A_530 = tpu.memref_slice %arg2[%dma_start3A_528, %dma_start3A_529] : memref<10240x128xf32, #tpu.memory_space<hbm>> -> memref<10240x128xf32, #tpu.memory_space<hbm>>
      tpu.enqueue_indirect_dma source(%dma_start3A_530 : memref<10240x128xf32, #tpu.memory_space<hbm>>) target(%dma_start3A_524 : memref<64x128xf32, #tpu.memory_space<vmem>>) offsets(%dma_start3A_527 : memref<64xi32, #tpu.memory_space<vmem>>) semaphore(%arg19 : memref<!tpu.dma_semaphore, #tpu.memory_space<semaphore_mem>>)
      %dma_wait3A_531 = arith.constant 0 : i32
      %dma_wait3A_532 = arith.constant 0 : i32
      %dma_wait3A_533 = arith.constant 0 : i32
      %dma_wait3A_534 = tpu.memref_slice %arg10[%dma_wait3A_532, %dma_wait3A_533] : memref<128x128xf32, #tpu.memory_space<vmem>> -> memref<64x128xf32, #tpu.memory_space<vmem>>
      %dma_wait3A_535 = arith.constant 0 : i32
      %dma_wait3A_536 = tpu.memref_slice %arg7[%dma_wait3A_531, %dma_wait3A_535] : memref<8x128xi32, #tpu.memory_space<vmem>> -> memref<1x64xi32, #tpu.memory_space<vmem>>
      %dma_wait3A_537 = tpu.memref_squeeze %dma_wait3A_536 : memref<1x64xi32, #tpu.memory_space<vmem>> -> memref<64xi32, #tpu.memory_space<vmem>>
      %dma_wait3A_538 = arith.constant 0 : i32
      %dma_wait3A_539 = arith.constant 0 : i32
      %dma_wait3A_540 = tpu.memref_slice %arg2[%dma_wait3A_538, %dma_wait3A_539] : memref<10240x128xf32, #tpu.memory_space<hbm>> -> memref<10240x128xf32, #tpu.memory_space<hbm>>
      tpu.wait_indirect_dma semaphore(%arg14 : memref<!tpu.dma_semaphore, #tpu.memory_space<semaphore_mem>>) src(%dma_wait3A_540 : memref<10240x128xf32, #tpu.memory_space<hbm>>) dst(%dma_wait3A_534 : memref<64x128xf32, #tpu.memory_space<vmem>>)
      %dma_wait3A_541 = arith.constant 0 : i32
      %dma_wait3A_542 = arith.constant 64 : i32
      %dma_wait3A_543 = arith.constant 0 : i32
      %dma_wait3A_544 = tpu.memref_slice %arg10[%dma_wait3A_542, %dma_wait3A_543] : memref<128x128xf32, #tpu.memory_space<vmem>> -> memref<64x128xf32, #tpu.memory_space<vmem>>
      %dma_wait3A_545 = arith.constant 64 : i32
      %dma_wait3A_546 = tpu.memref_slice %arg7[%dma_wait3A_541, %dma_wait3A_545] : memref<8x128xi32, #tpu.memory_space<vmem>> -> memref<1x64xi32, #tpu.memory_space<vmem>>
      %dma_wait3A_547 = tpu.memref_squeeze %dma_wait3A_546 : memref<1x64xi32, #tpu.memory_space<vmem>> -> memref<64xi32, #tpu.memory_space<vmem>>
      %dma_wait3A_548 = arith.constant 0 : i32
      %dma_wait3A_549 = arith.constant 0 : i32
      %dma_wait3A_550 = tpu.memref_slice %arg2[%dma_wait3A_548, %dma_wait3A_549] : memref<10240x128xf32, #tpu.memory_space<hbm>> -> memref<10240x128xf32, #tpu.memory_space<hbm>>
      tpu.wait_indirect_dma semaphore(%arg18 : memref<!tpu.dma_semaphore, #tpu.memory_space<semaphore_mem>>) src(%dma_wait3A_550 : memref<10240x128xf32, #tpu.memory_space<hbm>>) dst(%dma_wait3A_544 : memref<64x128xf32, #tpu.memory_space<vmem>>)
      %dma_start3A_551 = arith.constant 0 : i32
      %dma_start3A_552 = arith.constant 0 : i32
      %dma_start3A_553 = tpu.memref_slice %arg9[%dma_start3A_551, %dma_start3A_552] : memref<8x128xi32, #tpu.memory_space<vmem>> -> memref<1x128xi32, #tpu.memory_space<vmem>>
      %dma_start3A_554 = tpu.memref_squeeze %dma_start3A_553 : memref<1x128xi32, #tpu.memory_space<vmem>> -> memref<128xi32, #tpu.memory_space<vmem>>
      %dma_start3A_555 = arith.constant 0 : i32
      %dma_start3A_556 = arith.constant 0 : i32
      %dma_start3A_557 = tpu.memref_slice %arg13[%dma_start3A_555, %dma_start3A_556] : memref<10240x128xf32, #tpu.memory_space<vmem_shared>> -> memref<10240x128xf32, #tpu.memory_space<vmem_shared>>
      tpu.enqueue_indirect_dma source(%arg10 : memref<128x128xf32, #tpu.memory_space<vmem>>) target(%dma_start3A_557 : memref<10240x128xf32, #tpu.memory_space<vmem_shared>>) offsets(%dma_start3A_554 : memref<128xi32, #tpu.memory_space<vmem>>) semaphore(%arg16 : memref<!tpu.dma_semaphore, #tpu.memory_space<semaphore_mem>>) {add = true}
      %dma_wait3A_558 = arith.constant 1 : i32
      %dma_wait3A_559 = arith.constant 0 : i32
      %dma_wait3A_560 = arith.constant 0 : i32
      %dma_wait3A_561 = tpu.memref_slice %arg11[%dma_wait3A_559, %dma_wait3A_560] : memref<128x128xf32, #tpu.memory_space<vmem>> -> memref<64x128xf32, #tpu.memory_space<vmem>>
      %dma_wait3A_562 = arith.constant 0 : i32
      %dma_wait3A_563 = tpu.memref_slice %arg7[%dma_wait3A_558, %dma_wait3A_562] : memref<8x128xi32, #tpu.memory_space<vmem>> -> memref<1x64xi32, #tpu.memory_space<vmem>>
      %dma_wait3A_564 = tpu.memref_squeeze %dma_wait3A_563 : memref<1x64xi32, #tpu.memory_space<vmem>> -> memref<64xi32, #tpu.memory_space<vmem>>
      %dma_wait3A_565 = arith.constant 0 : i32
      %dma_wait3A_566 = arith.constant 0 : i32
      %dma_wait3A_567 = tpu.memref_slice %arg2[%dma_wait3A_565, %dma_wait3A_566] : memref<10240x128xf32, #tpu.memory_space<hbm>> -> memref<10240x128xf32, #tpu.memory_space<hbm>>
      tpu.wait_indirect_dma semaphore(%arg15 : memref<!tpu.dma_semaphore, #tpu.memory_space<semaphore_mem>>) src(%dma_wait3A_567 : memref<10240x128xf32, #tpu.memory_space<hbm>>) dst(%dma_wait3A_561 : memref<64x128xf32, #tpu.memory_space<vmem>>)
      %dma_wait3A_568 = arith.constant 1 : i32
      %dma_wait3A_569 = arith.constant 64 : i32
      %dma_wait3A_570 = arith.constant 0 : i32
      %dma_wait3A_571 = tpu.memref_slice %arg11[%dma_wait3A_569, %dma_wait3A_570] : memref<128x128xf32, #tpu.memory_space<vmem>> -> memref<64x128xf32, #tpu.memory_space<vmem>>
      %dma_wait3A_572 = arith.constant 64 : i32
      %dma_wait3A_573 = tpu.memref_slice %arg7[%dma_wait3A_568, %dma_wait3A_572] : memref<8x128xi32, #tpu.memory_space<vmem>> -> memref<1x64xi32, #tpu.memory_space<vmem>>
      %dma_wait3A_574 = tpu.memref_squeeze %dma_wait3A_573 : memref<1x64xi32, #tpu.memory_space<vmem>> -> memref<64xi32, #tpu.memory_space<vmem>>
      %dma_wait3A_575 = arith.constant 0 : i32
      %dma_wait3A_576 = arith.constant 0 : i32
      %dma_wait3A_577 = tpu.memref_slice %arg2[%dma_wait3A_575, %dma_wait3A_576] : memref<10240x128xf32, #tpu.memory_space<hbm>> -> memref<10240x128xf32, #tpu.memory_space<hbm>>
      tpu.wait_indirect_dma semaphore(%arg19 : memref<!tpu.dma_semaphore, #tpu.memory_space<semaphore_mem>>) src(%dma_wait3A_577 : memref<10240x128xf32, #tpu.memory_space<hbm>>) dst(%dma_wait3A_571 : memref<64x128xf32, #tpu.memory_space<vmem>>)
      %dma_start3A_578 = arith.constant 1 : i32
      %dma_start3A_579 = arith.constant 0 : i32
      %dma_start3A_580 = tpu.memref_slice %arg9[%dma_start3A_578, %dma_start3A_579] : memref<8x128xi32, #tpu.memory_space<vmem>> -> memref<1x128xi32, #tpu.memory_space<vmem>>
      %dma_start3A_581 = tpu.memref_squeeze %dma_start3A_580 : memref<1x128xi32, #tpu.memory_space<vmem>> -> memref<128xi32, #tpu.memory_space<vmem>>
      %dma_start3A_582 = arith.constant 0 : i32
      %dma_start3A_583 = arith.constant 0 : i32
      %dma_start3A_584 = tpu.memref_slice %arg13[%dma_start3A_582, %dma_start3A_583] : memref<10240x128xf32, #tpu.memory_space<vmem_shared>> -> memref<10240x128xf32, #tpu.memory_space<vmem_shared>>
      tpu.enqueue_indirect_dma source(%arg11 : memref<128x128xf32, #tpu.memory_space<vmem>>) target(%dma_start3A_584 : memref<10240x128xf32, #tpu.memory_space<vmem_shared>>) offsets(%dma_start3A_581 : memref<128xi32, #tpu.memory_space<vmem>>) semaphore(%arg17 : memref<!tpu.dma_semaphore, #tpu.memory_space<semaphore_mem>>) {add = true}
      %dma_wait3A_585 = arith.constant 2 : i32
      %dma_wait3A_586 = arith.constant 0 : i32
      %dma_wait3A_587 = tpu.memref_slice %arg9[%dma_wait3A_585, %dma_wait3A_586] : memref<8x128xi32, #tpu.memory_space<vmem>> -> memref<1x128xi32, #tpu.memory_space<vmem>>
      %dma_wait3A_588 = tpu.memref_squeeze %dma_wait3A_587 : memref<1x128xi32, #tpu.memory_space<vmem>> -> memref<128xi32, #tpu.memory_space<vmem>>
      %dma_wait3A_589 = arith.constant 0 : i32
      %dma_wait3A_590 = arith.constant 0 : i32
      %dma_wait3A_591 = tpu.memref_slice %arg13[%dma_wait3A_589, %dma_wait3A_590] : memref<10240x128xf32, #tpu.memory_space<vmem_shared>> -> memref<10240x128xf32, #tpu.memory_space<vmem_shared>>
      tpu.wait_indirect_dma semaphore(%arg16 : memref<!tpu.dma_semaphore, #tpu.memory_space<semaphore_mem>>) src(%arg10 : memref<128x128xf32, #tpu.memory_space<vmem>>) dst(%dma_wait3A_591 : memref<10240x128xf32, #tpu.memory_space<vmem_shared>>)
      %dma_start3A_592 = arith.constant 2 : i32
      %dma_start3A_593 = arith.constant 0 : i32
      %dma_start3A_594 = arith.constant 0 : i32
      %dma_start3A_595 = tpu.memref_slice %arg10[%dma_start3A_593, %dma_start3A_594] : memref<128x128xf32, #tpu.memory_space<vmem>> -> memref<64x128xf32, #tpu.memory_space<vmem>>
      %dma_start3A_596 = arith.constant 0 : i32
      %dma_start3A_597 = tpu.memref_slice %arg7[%dma_start3A_592, %dma_start3A_596] : memref<8x128xi32, #tpu.memory_space<vmem>> -> memref<1x64xi32, #tpu.memory_space<vmem>>
      %dma_start3A_598 = tpu.memref_squeeze %dma_start3A_597 : memref<1x64xi32, #tpu.memory_space<vmem>> -> memref<64xi32, #tpu.memory_space<vmem>>
      %dma_start3A_599 = arith.constant 0 : i32
      %dma_start3A_600 = arith.constant 0 : i32
      %dma_start3A_601 = tpu.memref_slice %arg2[%dma_start3A_599, %dma_start3A_600] : memref<10240x128xf32, #tpu.memory_space<hbm>> -> memref<10240x128xf32, #tpu.memory_space<hbm>>
      tpu.enqueue_indirect_dma source(%dma_start3A_601 : memref<10240x128xf32, #tpu.memory_space<hbm>>) target(%dma_start3A_595 : memref<64x128xf32, #tpu.memory_space<vmem>>) offsets(%dma_start3A_598 : memref<64xi32, #tpu.memory_space<vmem>>) semaphore(%arg14 : memref<!tpu.dma_semaphore, #tpu.memory_space<semaphore_mem>>)
      %dma_start3A_602 = arith.constant 2 : i32
      %dma_start3A_603 = arith.constant 64 : i32
      %dma_start3A_604 = arith.constant 0 : i32
      %dma_start3A_605 = tpu.memref_slice %arg10[%dma_start3A_603, %dma_start3A_604] : memref<128x128xf32, #tpu.memory_space<vmem>> -> memref<64x128xf32, #tpu.memory_space<vmem>>
      %dma_start3A_606 = arith.constant 64 : i32
      %dma_start3A_607 = tpu.memref_slice %arg7[%dma_start3A_602, %dma_start3A_606] : memref<8x128xi32, #tpu.memory_space<vmem>> -> memref<1x64xi32, #tpu.memory_space<vmem>>
      %dma_start3A_608 = tpu.memref_squeeze %dma_start3A_607 : memref<1x64xi32, #tpu.memory_space<vmem>> -> memref<64xi32, #tpu.memory_space<vmem>>
      %dma_start3A_609 = arith.constant 0 : i32
      %dma_start3A_610 = arith.constant 0 : i32
      %dma_start3A_611 = tpu.memref_slice %arg2[%dma_start3A_609, %dma_start3A_610] : memref<10240x128xf32, #tpu.memory_space<hbm>> -> memref<10240x128xf32, #tpu.memory_space<hbm>>
      tpu.enqueue_indirect_dma source(%dma_start3A_611 : memref<10240x128xf32, #tpu.memory_space<hbm>>) target(%dma_start3A_605 : memref<64x128xf32, #tpu.memory_space<vmem>>) offsets(%dma_start3A_608 : memref<64xi32, #tpu.memory_space<vmem>>) semaphore(%arg18 : memref<!tpu.dma_semaphore, #tpu.memory_space<semaphore_mem>>)
      %dma_wait3A_612 = arith.constant 3 : i32
      %dma_wait3A_613 = arith.constant 0 : i32
      %dma_wait3A_614 = tpu.memref_slice %arg9[%dma_wait3A_612, %dma_wait3A_613] : memref<8x128xi32, #tpu.memory_space<vmem>> -> memref<1x128xi32, #tpu.memory_space<vmem>>
      %dma_wait3A_615 = tpu.memref_squeeze %dma_wait3A_614 : memref<1x128xi32, #tpu.memory_space<vmem>> -> memref<128xi32, #tpu.memory_space<vmem>>
      %dma_wait3A_616 = arith.constant 0 : i32
      %dma_wait3A_617 = arith.constant 0 : i32
      %dma_wait3A_618 = tpu.memref_slice %arg13[%dma_wait3A_616, %dma_wait3A_617] : memref<10240x128xf32, #tpu.memory_space<vmem_shared>> -> memref<10240x128xf32, #tpu.memory_space<vmem_shared>>
      tpu.wait_indirect_dma semaphore(%arg17 : memref<!tpu.dma_semaphore, #tpu.memory_space<semaphore_mem>>) src(%arg11 : memref<128x128xf32, #tpu.memory_space<vmem>>) dst(%dma_wait3A_618 : memref<10240x128xf32, #tpu.memory_space<vmem_shared>>)
      %dma_start3A_619 = arith.constant 3 : i32
      %dma_start3A_620 = arith.constant 0 : i32
      %dma_start3A_621 = arith.constant 0 : i32
      %dma_start3A_622 = tpu.memref_slice %arg11[%dma_start3A_620, %dma_start3A_621] : memref<128x128xf32, #tpu.memory_space<vmem>> -> memref<64x128xf32, #tpu.memory_space<vmem>>
      %dma_start3A_623 = arith.constant 0 : i32
      %dma_start3A_624 = tpu.memref_slice %arg7[%dma_start3A_619, %dma_start3A_623] : memref<8x128xi32, #tpu.memory_space<vmem>> -> memref<1x64xi32, #tpu.memory_space<vmem>>
      %dma_start3A_625 = tpu.memref_squeeze %dma_start3A_624 : memref<1x64xi32, #tpu.memory_space<vmem>> -> memref<64xi32, #tpu.memory_space<vmem>>
      %dma_start3A_626 = arith.constant 0 : i32
      %dma_start3A_627 = arith.constant 0 : i32
      %dma_start3A_628 = tpu.memref_slice %arg2[%dma_start3A_626, %dma_start3A_627] : memref<10240x128xf32, #tpu.memory_space<hbm>> -> memref<10240x128xf32, #tpu.memory_space<hbm>>
      tpu.enqueue_indirect_dma source(%dma_start3A_628 : memref<10240x128xf32, #tpu.memory_space<hbm>>) target(%dma_start3A_622 : memref<64x128xf32, #tpu.memory_space<vmem>>) offsets(%dma_start3A_625 : memref<64xi32, #tpu.memory_space<vmem>>) semaphore(%arg15 : memref<!tpu.dma_semaphore, #tpu.memory_space<semaphore_mem>>)
      %dma_start3A_629 = arith.constant 3 : i32
      %dma_start3A_630 = arith.constant 64 : i32
      %dma_start3A_631 = arith.constant 0 : i32
      %dma_start3A_632 = tpu.memref_slice %arg11[%dma_start3A_630, %dma_start3A_631] : memref<128x128xf32, #tpu.memory_space<vmem>> -> memref<64x128xf32, #tpu.memory_space<vmem>>
      %dma_start3A_633 = arith.constant 64 : i32
      %dma_start3A_634 = tpu.memref_slice %arg7[%dma_start3A_629, %dma_start3A_633] : memref<8x128xi32, #tpu.memory_space<vmem>> -> memref<1x64xi32, #tpu.memory_space<vmem>>
      %dma_start3A_635 = tpu.memref_squeeze %dma_start3A_634 : memref<1x64xi32, #tpu.memory_space<vmem>> -> memref<64xi32, #tpu.memory_space<vmem>>
      %dma_start3A_636 = arith.constant 0 : i32
      %dma_start3A_637 = arith.constant 0 : i32
      %dma_start3A_638 = tpu.memref_slice %arg2[%dma_start3A_636, %dma_start3A_637] : memref<10240x128xf32, #tpu.memory_space<hbm>> -> memref<10240x128xf32, #tpu.memory_space<hbm>>
      tpu.enqueue_indirect_dma source(%dma_start3A_638 : memref<10240x128xf32, #tpu.memory_space<hbm>>) target(%dma_start3A_632 : memref<64x128xf32, #tpu.memory_space<vmem>>) offsets(%dma_start3A_635 : memref<64xi32, #tpu.memory_space<vmem>>) semaphore(%arg19 : memref<!tpu.dma_semaphore, #tpu.memory_space<semaphore_mem>>)
      %dma_wait3A_639 = arith.constant 2 : i32
      %dma_wait3A_640 = arith.constant 0 : i32
      %dma_wait3A_641 = arith.constant 0 : i32
      %dma_wait3A_642 = tpu.memref_slice %arg10[%dma_wait3A_640, %dma_wait3A_641] : memref<128x128xf32, #tpu.memory_space<vmem>> -> memref<64x128xf32, #tpu.memory_space<vmem>>
      %dma_wait3A_643 = arith.constant 0 : i32
      %dma_wait3A_644 = tpu.memref_slice %arg7[%dma_wait3A_639, %dma_wait3A_643] : memref<8x128xi32, #tpu.memory_space<vmem>> -> memref<1x64xi32, #tpu.memory_space<vmem>>
      %dma_wait3A_645 = tpu.memref_squeeze %dma_wait3A_644 : memref<1x64xi32, #tpu.memory_space<vmem>> -> memref<64xi32, #tpu.memory_space<vmem>>
      %dma_wait3A_646 = arith.constant 0 : i32
      %dma_wait3A_647 = arith.constant 0 : i32
      %dma_wait3A_648 = tpu.memref_slice %arg2[%dma_wait3A_646, %dma_wait3A_647] : memref<10240x128xf32, #tpu.memory_space<hbm>> -> memref<10240x128xf32, #tpu.memory_space<hbm>>
      tpu.wait_indirect_dma semaphore(%arg14 : memref<!tpu.dma_semaphore, #tpu.memory_space<semaphore_mem>>) src(%dma_wait3A_648 : memref<10240x128xf32, #tpu.memory_space<hbm>>) dst(%dma_wait3A_642 : memref<64x128xf32, #tpu.memory_space<vmem>>)
      %dma_wait3A_649 = arith.constant 2 : i32
      %dma_wait3A_650 = arith.constant 64 : i32
      %dma_wait3A_651 = arith.constant 0 : i32
      %dma_wait3A_652 = tpu.memref_slice %arg10[%dma_wait3A_650, %dma_wait3A_651] : memref<128x128xf32, #tpu.memory_space<vmem>> -> memref<64x128xf32, #tpu.memory_space<vmem>>
      %dma_wait3A_653 = arith.constant 64 : i32
      %dma_wait3A_654 = tpu.memref_slice %arg7[%dma_wait3A_649, %dma_wait3A_653] : memref<8x128xi32, #tpu.memory_space<vmem>> -> memref<1x64xi32, #tpu.memory_space<vmem>>
      %dma_wait3A_655 = tpu.memref_squeeze %dma_wait3A_654 : memref<1x64xi32, #tpu.memory_space<vmem>> -> memref<64xi32, #tpu.memory_space<vmem>>
      %dma_wait3A_656 = arith.constant 0 : i32
      %dma_wait3A_657 = arith.constant 0 : i32
      %dma_wait3A_658 = tpu.memref_slice %arg2[%dma_wait3A_656, %dma_wait3A_657] : memref<10240x128xf32, #tpu.memory_space<hbm>> -> memref<10240x128xf32, #tpu.memory_space<hbm>>
      tpu.wait_indirect_dma semaphore(%arg18 : memref<!tpu.dma_semaphore, #tpu.memory_space<semaphore_mem>>) src(%dma_wait3A_658 : memref<10240x128xf32, #tpu.memory_space<hbm>>) dst(%dma_wait3A_652 : memref<64x128xf32, #tpu.memory_space<vmem>>)
      %dma_start3A_659 = arith.constant 2 : i32
      %dma_start3A_660 = arith.constant 0 : i32
      %dma_start3A_661 = tpu.memref_slice %arg9[%dma_start3A_659, %dma_start3A_660] : memref<8x128xi32, #tpu.memory_space<vmem>> -> memref<1x128xi32, #tpu.memory_space<vmem>>
      %dma_start3A_662 = tpu.memref_squeeze %dma_start3A_661 : memref<1x128xi32, #tpu.memory_space<vmem>> -> memref<128xi32, #tpu.memory_space<vmem>>
      %dma_start3A_663 = arith.constant 0 : i32
      %dma_start3A_664 = arith.constant 0 : i32
      %dma_start3A_665 = tpu.memref_slice %arg13[%dma_start3A_663, %dma_start3A_664] : memref<10240x128xf32, #tpu.memory_space<vmem_shared>> -> memref<10240x128xf32, #tpu.memory_space<vmem_shared>>
      tpu.enqueue_indirect_dma source(%arg10 : memref<128x128xf32, #tpu.memory_space<vmem>>) target(%dma_start3A_665 : memref<10240x128xf32, #tpu.memory_space<vmem_shared>>) offsets(%dma_start3A_662 : memref<128xi32, #tpu.memory_space<vmem>>) semaphore(%arg16 : memref<!tpu.dma_semaphore, #tpu.memory_space<semaphore_mem>>) {add = true}
      %dma_wait3A_666 = arith.constant 3 : i32
      %dma_wait3A_667 = arith.constant 0 : i32
      %dma_wait3A_668 = arith.constant 0 : i32
      %dma_wait3A_669 = tpu.memref_slice %arg11[%dma_wait3A_667, %dma_wait3A_668] : memref<128x128xf32, #tpu.memory_space<vmem>> -> memref<64x128xf32, #tpu.memory_space<vmem>>
      %dma_wait3A_670 = arith.constant 0 : i32
      %dma_wait3A_671 = tpu.memref_slice %arg7[%dma_wait3A_666, %dma_wait3A_670] : memref<8x128xi32, #tpu.memory_space<vmem>> -> memref<1x64xi32, #tpu.memory_space<vmem>>
      %dma_wait3A_672 = tpu.memref_squeeze %dma_wait3A_671 : memref<1x64xi32, #tpu.memory_space<vmem>> -> memref<64xi32, #tpu.memory_space<vmem>>
      %dma_wait3A_673 = arith.constant 0 : i32
      %dma_wait3A_674 = arith.constant 0 : i32
      %dma_wait3A_675 = tpu.memref_slice %arg2[%dma_wait3A_673, %dma_wait3A_674] : memref<10240x128xf32, #tpu.memory_space<hbm>> -> memref<10240x128xf32, #tpu.memory_space<hbm>>
      tpu.wait_indirect_dma semaphore(%arg15 : memref<!tpu.dma_semaphore, #tpu.memory_space<semaphore_mem>>) src(%dma_wait3A_675 : memref<10240x128xf32, #tpu.memory_space<hbm>>) dst(%dma_wait3A_669 : memref<64x128xf32, #tpu.memory_space<vmem>>)
      %dma_wait3A_676 = arith.constant 3 : i32
      %dma_wait3A_677 = arith.constant 64 : i32
      %dma_wait3A_678 = arith.constant 0 : i32
      %dma_wait3A_679 = tpu.memref_slice %arg11[%dma_wait3A_677, %dma_wait3A_678] : memref<128x128xf32, #tpu.memory_space<vmem>> -> memref<64x128xf32, #tpu.memory_space<vmem>>
      %dma_wait3A_680 = arith.constant 64 : i32
      %dma_wait3A_681 = tpu.memref_slice %arg7[%dma_wait3A_676, %dma_wait3A_680] : memref<8x128xi32, #tpu.memory_space<vmem>> -> memref<1x64xi32, #tpu.memory_space<vmem>>
      %dma_wait3A_682 = tpu.memref_squeeze %dma_wait3A_681 : memref<1x64xi32, #tpu.memory_space<vmem>> -> memref<64xi32, #tpu.memory_space<vmem>>
      %dma_wait3A_683 = arith.constant 0 : i32
      %dma_wait3A_684 = arith.constant 0 : i32
      %dma_wait3A_685 = tpu.memref_slice %arg2[%dma_wait3A_683, %dma_wait3A_684] : memref<10240x128xf32, #tpu.memory_space<hbm>> -> memref<10240x128xf32, #tpu.memory_space<hbm>>
      tpu.wait_indirect_dma semaphore(%arg19 : memref<!tpu.dma_semaphore, #tpu.memory_space<semaphore_mem>>) src(%dma_wait3A_685 : memref<10240x128xf32, #tpu.memory_space<hbm>>) dst(%dma_wait3A_679 : memref<64x128xf32, #tpu.memory_space<vmem>>)
      %dma_start3A_686 = arith.constant 3 : i32
      %dma_start3A_687 = arith.constant 0 : i32
      %dma_start3A_688 = tpu.memref_slice %arg9[%dma_start3A_686, %dma_start3A_687] : memref<8x128xi32, #tpu.memory_space<vmem>> -> memref<1x128xi32, #tpu.memory_space<vmem>>
      %dma_start3A_689 = tpu.memref_squeeze %dma_start3A_688 : memref<1x128xi32, #tpu.memory_space<vmem>> -> memref<128xi32, #tpu.memory_space<vmem>>
      %dma_start3A_690 = arith.constant 0 : i32
      %dma_start3A_691 = arith.constant 0 : i32
      %dma_start3A_692 = tpu.memref_slice %arg13[%dma_start3A_690, %dma_start3A_691] : memref<10240x128xf32, #tpu.memory_space<vmem_shared>> -> memref<10240x128xf32, #tpu.memory_space<vmem_shared>>
      tpu.enqueue_indirect_dma source(%arg11 : memref<128x128xf32, #tpu.memory_space<vmem>>) target(%dma_start3A_692 : memref<10240x128xf32, #tpu.memory_space<vmem_shared>>) offsets(%dma_start3A_689 : memref<128xi32, #tpu.memory_space<vmem>>) semaphore(%arg17 : memref<!tpu.dma_semaphore, #tpu.memory_space<semaphore_mem>>) {add = true}
      %dma_wait3A_693 = arith.constant 4 : i32
      %dma_wait3A_694 = arith.constant 0 : i32
      %dma_wait3A_695 = tpu.memref_slice %arg9[%dma_wait3A_693, %dma_wait3A_694] : memref<8x128xi32, #tpu.memory_space<vmem>> -> memref<1x128xi32, #tpu.memory_space<vmem>>
      %dma_wait3A_696 = tpu.memref_squeeze %dma_wait3A_695 : memref<1x128xi32, #tpu.memory_space<vmem>> -> memref<128xi32, #tpu.memory_space<vmem>>
      %dma_wait3A_697 = arith.constant 0 : i32
      %dma_wait3A_698 = arith.constant 0 : i32
      %dma_wait3A_699 = tpu.memref_slice %arg13[%dma_wait3A_697, %dma_wait3A_698] : memref<10240x128xf32, #tpu.memory_space<vmem_shared>> -> memref<10240x128xf32, #tpu.memory_space<vmem_shared>>
      tpu.wait_indirect_dma semaphore(%arg16 : memref<!tpu.dma_semaphore, #tpu.memory_space<semaphore_mem>>) src(%arg10 : memref<128x128xf32, #tpu.memory_space<vmem>>) dst(%dma_wait3A_699 : memref<10240x128xf32, #tpu.memory_space<vmem_shared>>)
      %dma_start3A_700 = arith.constant 4 : i32
      %dma_start3A_701 = arith.constant 0 : i32
      %dma_start3A_702 = arith.constant 0 : i32
      %dma_start3A_703 = tpu.memref_slice %arg10[%dma_start3A_701, %dma_start3A_702] : memref<128x128xf32, #tpu.memory_space<vmem>> -> memref<64x128xf32, #tpu.memory_space<vmem>>
      %dma_start3A_704 = arith.constant 0 : i32
      %dma_start3A_705 = tpu.memref_slice %arg7[%dma_start3A_700, %dma_start3A_704] : memref<8x128xi32, #tpu.memory_space<vmem>> -> memref<1x64xi32, #tpu.memory_space<vmem>>
      %dma_start3A_706 = tpu.memref_squeeze %dma_start3A_705 : memref<1x64xi32, #tpu.memory_space<vmem>> -> memref<64xi32, #tpu.memory_space<vmem>>
      %dma_start3A_707 = arith.constant 0 : i32
      %dma_start3A_708 = arith.constant 0 : i32
      %dma_start3A_709 = tpu.memref_slice %arg2[%dma_start3A_707, %dma_start3A_708] : memref<10240x128xf32, #tpu.memory_space<hbm>> -> memref<10240x128xf32, #tpu.memory_space<hbm>>
      tpu.enqueue_indirect_dma source(%dma_start3A_709 : memref<10240x128xf32, #tpu.memory_space<hbm>>) target(%dma_start3A_703 : memref<64x128xf32, #tpu.memory_space<vmem>>) offsets(%dma_start3A_706 : memref<64xi32, #tpu.memory_space<vmem>>) semaphore(%arg14 : memref<!tpu.dma_semaphore, #tpu.memory_space<semaphore_mem>>)
      %dma_start3A_710 = arith.constant 4 : i32
      %dma_start3A_711 = arith.constant 64 : i32
      %dma_start3A_712 = arith.constant 0 : i32
      %dma_start3A_713 = tpu.memref_slice %arg10[%dma_start3A_711, %dma_start3A_712] : memref<128x128xf32, #tpu.memory_space<vmem>> -> memref<64x128xf32, #tpu.memory_space<vmem>>
      %dma_start3A_714 = arith.constant 64 : i32
      %dma_start3A_715 = tpu.memref_slice %arg7[%dma_start3A_710, %dma_start3A_714] : memref<8x128xi32, #tpu.memory_space<vmem>> -> memref<1x64xi32, #tpu.memory_space<vmem>>
      %dma_start3A_716 = tpu.memref_squeeze %dma_start3A_715 : memref<1x64xi32, #tpu.memory_space<vmem>> -> memref<64xi32, #tpu.memory_space<vmem>>
      %dma_start3A_717 = arith.constant 0 : i32
      %dma_start3A_718 = arith.constant 0 : i32
      %dma_start3A_719 = tpu.memref_slice %arg2[%dma_start3A_717, %dma_start3A_718] : memref<10240x128xf32, #tpu.memory_space<hbm>> -> memref<10240x128xf32, #tpu.memory_space<hbm>>
      tpu.enqueue_indirect_dma source(%dma_start3A_719 : memref<10240x128xf32, #tpu.memory_space<hbm>>) target(%dma_start3A_713 : memref<64x128xf32, #tpu.memory_space<vmem>>) offsets(%dma_start3A_716 : memref<64xi32, #tpu.memory_space<vmem>>) semaphore(%arg18 : memref<!tpu.dma_semaphore, #tpu.memory_space<semaphore_mem>>)
      %dma_wait3A_720 = arith.constant 5 : i32
      %dma_wait3A_721 = arith.constant 0 : i32
      %dma_wait3A_722 = tpu.memref_slice %arg9[%dma_wait3A_720, %dma_wait3A_721] : memref<8x128xi32, #tpu.memory_space<vmem>> -> memref<1x128xi32, #tpu.memory_space<vmem>>
      %dma_wait3A_723 = tpu.memref_squeeze %dma_wait3A_722 : memref<1x128xi32, #tpu.memory_space<vmem>> -> memref<128xi32, #tpu.memory_space<vmem>>
      %dma_wait3A_724 = arith.constant 0 : i32
      %dma_wait3A_725 = arith.constant 0 : i32
      %dma_wait3A_726 = tpu.memref_slice %arg13[%dma_wait3A_724, %dma_wait3A_725] : memref<10240x128xf32, #tpu.memory_space<vmem_shared>> -> memref<10240x128xf32, #tpu.memory_space<vmem_shared>>
      tpu.wait_indirect_dma semaphore(%arg17 : memref<!tpu.dma_semaphore, #tpu.memory_space<semaphore_mem>>) src(%arg11 : memref<128x128xf32, #tpu.memory_space<vmem>>) dst(%dma_wait3A_726 : memref<10240x128xf32, #tpu.memory_space<vmem_shared>>)
      %dma_start3A_727 = arith.constant 5 : i32
      %dma_start3A_728 = arith.constant 0 : i32
      %dma_start3A_729 = arith.constant 0 : i32
      %dma_start3A_730 = tpu.memref_slice %arg11[%dma_start3A_728, %dma_start3A_729] : memref<128x128xf32, #tpu.memory_space<vmem>> -> memref<64x128xf32, #tpu.memory_space<vmem>>
      %dma_start3A_731 = arith.constant 0 : i32
      %dma_start3A_732 = tpu.memref_slice %arg7[%dma_start3A_727, %dma_start3A_731] : memref<8x128xi32, #tpu.memory_space<vmem>> -> memref<1x64xi32, #tpu.memory_space<vmem>>
      %dma_start3A_733 = tpu.memref_squeeze %dma_start3A_732 : memref<1x64xi32, #tpu.memory_space<vmem>> -> memref<64xi32, #tpu.memory_space<vmem>>
      %dma_start3A_734 = arith.constant 0 : i32
      %dma_start3A_735 = arith.constant 0 : i32
      %dma_start3A_736 = tpu.memref_slice %arg2[%dma_start3A_734, %dma_start3A_735] : memref<10240x128xf32, #tpu.memory_space<hbm>> -> memref<10240x128xf32, #tpu.memory_space<hbm>>
      tpu.enqueue_indirect_dma source(%dma_start3A_736 : memref<10240x128xf32, #tpu.memory_space<hbm>>) target(%dma_start3A_730 : memref<64x128xf32, #tpu.memory_space<vmem>>) offsets(%dma_start3A_733 : memref<64xi32, #tpu.memory_space<vmem>>) semaphore(%arg15 : memref<!tpu.dma_semaphore, #tpu.memory_space<semaphore_mem>>)
      %dma_start3A_737 = arith.constant 5 : i32
      %dma_start3A_738 = arith.constant 64 : i32
      %dma_start3A_739 = arith.constant 0 : i32
      %dma_start3A_740 = tpu.memref_slice %arg11[%dma_start3A_738, %dma_start3A_739] : memref<128x128xf32, #tpu.memory_space<vmem>> -> memref<64x128xf32, #tpu.memory_space<vmem>>
      %dma_start3A_741 = arith.constant 64 : i32
      %dma_start3A_742 = tpu.memref_slice %arg7[%dma_start3A_737, %dma_start3A_741] : memref<8x128xi32, #tpu.memory_space<vmem>> -> memref<1x64xi32, #tpu.memory_space<vmem>>
      %dma_start3A_743 = tpu.memref_squeeze %dma_start3A_742 : memref<1x64xi32, #tpu.memory_space<vmem>> -> memref<64xi32, #tpu.memory_space<vmem>>
      %dma_start3A_744 = arith.constant 0 : i32
      %dma_start3A_745 = arith.constant 0 : i32
      %dma_start3A_746 = tpu.memref_slice %arg2[%dma_start3A_744, %dma_start3A_745] : memref<10240x128xf32, #tpu.memory_space<hbm>> -> memref<10240x128xf32, #tpu.memory_space<hbm>>
      tpu.enqueue_indirect_dma source(%dma_start3A_746 : memref<10240x128xf32, #tpu.memory_space<hbm>>) target(%dma_start3A_740 : memref<64x128xf32, #tpu.memory_space<vmem>>) offsets(%dma_start3A_743 : memref<64xi32, #tpu.memory_space<vmem>>) semaphore(%arg19 : memref<!tpu.dma_semaphore, #tpu.memory_space<semaphore_mem>>)
      %dma_wait3A_747 = arith.constant 4 : i32
      %dma_wait3A_748 = arith.constant 0 : i32
      %dma_wait3A_749 = arith.constant 0 : i32
      %dma_wait3A_750 = tpu.memref_slice %arg10[%dma_wait3A_748, %dma_wait3A_749] : memref<128x128xf32, #tpu.memory_space<vmem>> -> memref<64x128xf32, #tpu.memory_space<vmem>>
      %dma_wait3A_751 = arith.constant 0 : i32
      %dma_wait3A_752 = tpu.memref_slice %arg7[%dma_wait3A_747, %dma_wait3A_751] : memref<8x128xi32, #tpu.memory_space<vmem>> -> memref<1x64xi32, #tpu.memory_space<vmem>>
      %dma_wait3A_753 = tpu.memref_squeeze %dma_wait3A_752 : memref<1x64xi32, #tpu.memory_space<vmem>> -> memref<64xi32, #tpu.memory_space<vmem>>
      %dma_wait3A_754 = arith.constant 0 : i32
      %dma_wait3A_755 = arith.constant 0 : i32
      %dma_wait3A_756 = tpu.memref_slice %arg2[%dma_wait3A_754, %dma_wait3A_755] : memref<10240x128xf32, #tpu.memory_space<hbm>> -> memref<10240x128xf32, #tpu.memory_space<hbm>>
      tpu.wait_indirect_dma semaphore(%arg14 : memref<!tpu.dma_semaphore, #tpu.memory_space<semaphore_mem>>) src(%dma_wait3A_756 : memref<10240x128xf32, #tpu.memory_space<hbm>>) dst(%dma_wait3A_750 : memref<64x128xf32, #tpu.memory_space<vmem>>)
      %dma_wait3A_757 = arith.constant 4 : i32
      %dma_wait3A_758 = arith.constant 64 : i32
      %dma_wait3A_759 = arith.constant 0 : i32
      %dma_wait3A_760 = tpu.memref_slice %arg10[%dma_wait3A_758, %dma_wait3A_759] : memref<128x128xf32, #tpu.memory_space<vmem>> -> memref<64x128xf32, #tpu.memory_space<vmem>>
      %dma_wait3A_761 = arith.constant 64 : i32
      %dma_wait3A_762 = tpu.memref_slice %arg7[%dma_wait3A_757, %dma_wait3A_761] : memref<8x128xi32, #tpu.memory_space<vmem>> -> memref<1x64xi32, #tpu.memory_space<vmem>>
      %dma_wait3A_763 = tpu.memref_squeeze %dma_wait3A_762 : memref<1x64xi32, #tpu.memory_space<vmem>> -> memref<64xi32, #tpu.memory_space<vmem>>
      %dma_wait3A_764 = arith.constant 0 : i32
      %dma_wait3A_765 = arith.constant 0 : i32
      %dma_wait3A_766 = tpu.memref_slice %arg2[%dma_wait3A_764, %dma_wait3A_765] : memref<10240x128xf32, #tpu.memory_space<hbm>> -> memref<10240x128xf32, #tpu.memory_space<hbm>>
      tpu.wait_indirect_dma semaphore(%arg18 : memref<!tpu.dma_semaphore, #tpu.memory_space<semaphore_mem>>) src(%dma_wait3A_766 : memref<10240x128xf32, #tpu.memory_space<hbm>>) dst(%dma_wait3A_760 : memref<64x128xf32, #tpu.memory_space<vmem>>)
      %dma_start3A_767 = arith.constant 4 : i32
      %dma_start3A_768 = arith.constant 0 : i32
      %dma_start3A_769 = tpu.memref_slice %arg9[%dma_start3A_767, %dma_start3A_768] : memref<8x128xi32, #tpu.memory_space<vmem>> -> memref<1x128xi32, #tpu.memory_space<vmem>>
      %dma_start3A_770 = tpu.memref_squeeze %dma_start3A_769 : memref<1x128xi32, #tpu.memory_space<vmem>> -> memref<128xi32, #tpu.memory_space<vmem>>
      %dma_start3A_771 = arith.constant 0 : i32
      %dma_start3A_772 = arith.constant 0 : i32
      %dma_start3A_773 = tpu.memref_slice %arg13[%dma_start3A_771, %dma_start3A_772] : memref<10240x128xf32, #tpu.memory_space<vmem_shared>> -> memref<10240x128xf32, #tpu.memory_space<vmem_shared>>
      tpu.enqueue_indirect_dma source(%arg10 : memref<128x128xf32, #tpu.memory_space<vmem>>) target(%dma_start3A_773 : memref<10240x128xf32, #tpu.memory_space<vmem_shared>>) offsets(%dma_start3A_770 : memref<128xi32, #tpu.memory_space<vmem>>) semaphore(%arg16 : memref<!tpu.dma_semaphore, #tpu.memory_space<semaphore_mem>>) {add = true}
      %dma_wait3A_774 = arith.constant 5 : i32
      %dma_wait3A_775 = arith.constant 0 : i32
      %dma_wait3A_776 = arith.constant 0 : i32
      %dma_wait3A_777 = tpu.memref_slice %arg11[%dma_wait3A_775, %dma_wait3A_776] : memref<128x128xf32, #tpu.memory_space<vmem>> -> memref<64x128xf32, #tpu.memory_space<vmem>>
      %dma_wait3A_778 = arith.constant 0 : i32
      %dma_wait3A_779 = tpu.memref_slice %arg7[%dma_wait3A_774, %dma_wait3A_778] : memref<8x128xi32, #tpu.memory_space<vmem>> -> memref<1x64xi32, #tpu.memory_space<vmem>>
      %dma_wait3A_780 = tpu.memref_squeeze %dma_wait3A_779 : memref<1x64xi32, #tpu.memory_space<vmem>> -> memref<64xi32, #tpu.memory_space<vmem>>
      %dma_wait3A_781 = arith.constant 0 : i32
      %dma_wait3A_782 = arith.constant 0 : i32
      %dma_wait3A_783 = tpu.memref_slice %arg2[%dma_wait3A_781, %dma_wait3A_782] : memref<10240x128xf32, #tpu.memory_space<hbm>> -> memref<10240x128xf32, #tpu.memory_space<hbm>>
      tpu.wait_indirect_dma semaphore(%arg15 : memref<!tpu.dma_semaphore, #tpu.memory_space<semaphore_mem>>) src(%dma_wait3A_783 : memref<10240x128xf32, #tpu.memory_space<hbm>>) dst(%dma_wait3A_777 : memref<64x128xf32, #tpu.memory_space<vmem>>)
      %dma_wait3A_784 = arith.constant 5 : i32
      %dma_wait3A_785 = arith.constant 64 : i32
      %dma_wait3A_786 = arith.constant 0 : i32
      %dma_wait3A_787 = tpu.memref_slice %arg11[%dma_wait3A_785, %dma_wait3A_786] : memref<128x128xf32, #tpu.memory_space<vmem>> -> memref<64x128xf32, #tpu.memory_space<vmem>>
      %dma_wait3A_788 = arith.constant 64 : i32
      %dma_wait3A_789 = tpu.memref_slice %arg7[%dma_wait3A_784, %dma_wait3A_788] : memref<8x128xi32, #tpu.memory_space<vmem>> -> memref<1x64xi32, #tpu.memory_space<vmem>>
      %dma_wait3A_790 = tpu.memref_squeeze %dma_wait3A_789 : memref<1x64xi32, #tpu.memory_space<vmem>> -> memref<64xi32, #tpu.memory_space<vmem>>
      %dma_wait3A_791 = arith.constant 0 : i32
      %dma_wait3A_792 = arith.constant 0 : i32
      %dma_wait3A_793 = tpu.memref_slice %arg2[%dma_wait3A_791, %dma_wait3A_792] : memref<10240x128xf32, #tpu.memory_space<hbm>> -> memref<10240x128xf32, #tpu.memory_space<hbm>>
      tpu.wait_indirect_dma semaphore(%arg19 : memref<!tpu.dma_semaphore, #tpu.memory_space<semaphore_mem>>) src(%dma_wait3A_793 : memref<10240x128xf32, #tpu.memory_space<hbm>>) dst(%dma_wait3A_787 : memref<64x128xf32, #tpu.memory_space<vmem>>)
      %dma_start3A_794 = arith.constant 5 : i32
      %dma_start3A_795 = arith.constant 0 : i32
      %dma_start3A_796 = tpu.memref_slice %arg9[%dma_start3A_794, %dma_start3A_795] : memref<8x128xi32, #tpu.memory_space<vmem>> -> memref<1x128xi32, #tpu.memory_space<vmem>>
      %dma_start3A_797 = tpu.memref_squeeze %dma_start3A_796 : memref<1x128xi32, #tpu.memory_space<vmem>> -> memref<128xi32, #tpu.memory_space<vmem>>
      %dma_start3A_798 = arith.constant 0 : i32
      %dma_start3A_799 = arith.constant 0 : i32
      %dma_start3A_800 = tpu.memref_slice %arg13[%dma_start3A_798, %dma_start3A_799] : memref<10240x128xf32, #tpu.memory_space<vmem_shared>> -> memref<10240x128xf32, #tpu.memory_space<vmem_shared>>
      tpu.enqueue_indirect_dma source(%arg11 : memref<128x128xf32, #tpu.memory_space<vmem>>) target(%dma_start3A_800 : memref<10240x128xf32, #tpu.memory_space<vmem_shared>>) offsets(%dma_start3A_797 : memref<128xi32, #tpu.memory_space<vmem>>) semaphore(%arg17 : memref<!tpu.dma_semaphore, #tpu.memory_space<semaphore_mem>>) {add = true}
      %dma_wait3A_801 = arith.constant 6 : i32
      %dma_wait3A_802 = arith.constant 0 : i32
      %dma_wait3A_803 = tpu.memref_slice %arg9[%dma_wait3A_801, %dma_wait3A_802] : memref<8x128xi32, #tpu.memory_space<vmem>> -> memref<1x128xi32, #tpu.memory_space<vmem>>
      %dma_wait3A_804 = tpu.memref_squeeze %dma_wait3A_803 : memref<1x128xi32, #tpu.memory_space<vmem>> -> memref<128xi32, #tpu.memory_space<vmem>>
      %dma_wait3A_805 = arith.constant 0 : i32
      %dma_wait3A_806 = arith.constant 0 : i32
      %dma_wait3A_807 = tpu.memref_slice %arg13[%dma_wait3A_805, %dma_wait3A_806] : memref<10240x128xf32, #tpu.memory_space<vmem_shared>> -> memref<10240x128xf32, #tpu.memory_space<vmem_shared>>
      tpu.wait_indirect_dma semaphore(%arg16 : memref<!tpu.dma_semaphore, #tpu.memory_space<semaphore_mem>>) src(%arg10 : memref<128x128xf32, #tpu.memory_space<vmem>>) dst(%dma_wait3A_807 : memref<10240x128xf32, #tpu.memory_space<vmem_shared>>)
      %dma_start3A_808 = arith.constant 6 : i32
      %dma_start3A_809 = arith.constant 0 : i32
      %dma_start3A_810 = arith.constant 0 : i32
      %dma_start3A_811 = tpu.memref_slice %arg10[%dma_start3A_809, %dma_start3A_810] : memref<128x128xf32, #tpu.memory_space<vmem>> -> memref<64x128xf32, #tpu.memory_space<vmem>>
      %dma_start3A_812 = arith.constant 0 : i32
      %dma_start3A_813 = tpu.memref_slice %arg7[%dma_start3A_808, %dma_start3A_812] : memref<8x128xi32, #tpu.memory_space<vmem>> -> memref<1x64xi32, #tpu.memory_space<vmem>>
      %dma_start3A_814 = tpu.memref_squeeze %dma_start3A_813 : memref<1x64xi32, #tpu.memory_space<vmem>> -> memref<64xi32, #tpu.memory_space<vmem>>
      %dma_start3A_815 = arith.constant 0 : i32
      %dma_start3A_816 = arith.constant 0 : i32
      %dma_start3A_817 = tpu.memref_slice %arg2[%dma_start3A_815, %dma_start3A_816] : memref<10240x128xf32, #tpu.memory_space<hbm>> -> memref<10240x128xf32, #tpu.memory_space<hbm>>
      tpu.enqueue_indirect_dma source(%dma_start3A_817 : memref<10240x128xf32, #tpu.memory_space<hbm>>) target(%dma_start3A_811 : memref<64x128xf32, #tpu.memory_space<vmem>>) offsets(%dma_start3A_814 : memref<64xi32, #tpu.memory_space<vmem>>) semaphore(%arg14 : memref<!tpu.dma_semaphore, #tpu.memory_space<semaphore_mem>>)
      %dma_start3A_818 = arith.constant 6 : i32
      %dma_start3A_819 = arith.constant 64 : i32
      %dma_start3A_820 = arith.constant 0 : i32
      %dma_start3A_821 = tpu.memref_slice %arg10[%dma_start3A_819, %dma_start3A_820] : memref<128x128xf32, #tpu.memory_space<vmem>> -> memref<64x128xf32, #tpu.memory_space<vmem>>
      %dma_start3A_822 = arith.constant 64 : i32
      %dma_start3A_823 = tpu.memref_slice %arg7[%dma_start3A_818, %dma_start3A_822] : memref<8x128xi32, #tpu.memory_space<vmem>> -> memref<1x64xi32, #tpu.memory_space<vmem>>
      %dma_start3A_824 = tpu.memref_squeeze %dma_start3A_823 : memref<1x64xi32, #tpu.memory_space<vmem>> -> memref<64xi32, #tpu.memory_space<vmem>>
      %dma_start3A_825 = arith.constant 0 : i32
      %dma_start3A_826 = arith.constant 0 : i32
      %dma_start3A_827 = tpu.memref_slice %arg2[%dma_start3A_825, %dma_start3A_826] : memref<10240x128xf32, #tpu.memory_space<hbm>> -> memref<10240x128xf32, #tpu.memory_space<hbm>>
      tpu.enqueue_indirect_dma source(%dma_start3A_827 : memref<10240x128xf32, #tpu.memory_space<hbm>>) target(%dma_start3A_821 : memref<64x128xf32, #tpu.memory_space<vmem>>) offsets(%dma_start3A_824 : memref<64xi32, #tpu.memory_space<vmem>>) semaphore(%arg18 : memref<!tpu.dma_semaphore, #tpu.memory_space<semaphore_mem>>)
      %dma_wait3A_828 = arith.constant 7 : i32
      %dma_wait3A_829 = arith.constant 0 : i32
      %dma_wait3A_830 = tpu.memref_slice %arg9[%dma_wait3A_828, %dma_wait3A_829] : memref<8x128xi32, #tpu.memory_space<vmem>> -> memref<1x128xi32, #tpu.memory_space<vmem>>
      %dma_wait3A_831 = tpu.memref_squeeze %dma_wait3A_830 : memref<1x128xi32, #tpu.memory_space<vmem>> -> memref<128xi32, #tpu.memory_space<vmem>>
      %dma_wait3A_832 = arith.constant 0 : i32
      %dma_wait3A_833 = arith.constant 0 : i32
      %dma_wait3A_834 = tpu.memref_slice %arg13[%dma_wait3A_832, %dma_wait3A_833] : memref<10240x128xf32, #tpu.memory_space<vmem_shared>> -> memref<10240x128xf32, #tpu.memory_space<vmem_shared>>
      tpu.wait_indirect_dma semaphore(%arg17 : memref<!tpu.dma_semaphore, #tpu.memory_space<semaphore_mem>>) src(%arg11 : memref<128x128xf32, #tpu.memory_space<vmem>>) dst(%dma_wait3A_834 : memref<10240x128xf32, #tpu.memory_space<vmem_shared>>)
      %dma_start3A_835 = arith.constant 7 : i32
      %dma_start3A_836 = arith.constant 0 : i32
      %dma_start3A_837 = arith.constant 0 : i32
      %dma_start3A_838 = tpu.memref_slice %arg11[%dma_start3A_836, %dma_start3A_837] : memref<128x128xf32, #tpu.memory_space<vmem>> -> memref<64x128xf32, #tpu.memory_space<vmem>>
      %dma_start3A_839 = arith.constant 0 : i32
      %dma_start3A_840 = tpu.memref_slice %arg7[%dma_start3A_835, %dma_start3A_839] : memref<8x128xi32, #tpu.memory_space<vmem>> -> memref<1x64xi32, #tpu.memory_space<vmem>>
      %dma_start3A_841 = tpu.memref_squeeze %dma_start3A_840 : memref<1x64xi32, #tpu.memory_space<vmem>> -> memref<64xi32, #tpu.memory_space<vmem>>
      %dma_start3A_842 = arith.constant 0 : i32
      %dma_start3A_843 = arith.constant 0 : i32
      %dma_start3A_844 = tpu.memref_slice %arg2[%dma_start3A_842, %dma_start3A_843] : memref<10240x128xf32, #tpu.memory_space<hbm>> -> memref<10240x128xf32, #tpu.memory_space<hbm>>
      tpu.enqueue_indirect_dma source(%dma_start3A_844 : memref<10240x128xf32, #tpu.memory_space<hbm>>) target(%dma_start3A_838 : memref<64x128xf32, #tpu.memory_space<vmem>>) offsets(%dma_start3A_841 : memref<64xi32, #tpu.memory_space<vmem>>) semaphore(%arg15 : memref<!tpu.dma_semaphore, #tpu.memory_space<semaphore_mem>>)
      %dma_start3A_845 = arith.constant 7 : i32
      %dma_start3A_846 = arith.constant 64 : i32
      %dma_start3A_847 = arith.constant 0 : i32
      %dma_start3A_848 = tpu.memref_slice %arg11[%dma_start3A_846, %dma_start3A_847] : memref<128x128xf32, #tpu.memory_space<vmem>> -> memref<64x128xf32, #tpu.memory_space<vmem>>
      %dma_start3A_849 = arith.constant 64 : i32
      %dma_start3A_850 = tpu.memref_slice %arg7[%dma_start3A_845, %dma_start3A_849] : memref<8x128xi32, #tpu.memory_space<vmem>> -> memref<1x64xi32, #tpu.memory_space<vmem>>
      %dma_start3A_851 = tpu.memref_squeeze %dma_start3A_850 : memref<1x64xi32, #tpu.memory_space<vmem>> -> memref<64xi32, #tpu.memory_space<vmem>>
      %dma_start3A_852 = arith.constant 0 : i32
      %dma_start3A_853 = arith.constant 0 : i32
      %dma_start3A_854 = tpu.memref_slice %arg2[%dma_start3A_852, %dma_start3A_853] : memref<10240x128xf32, #tpu.memory_space<hbm>> -> memref<10240x128xf32, #tpu.memory_space<hbm>>
      tpu.enqueue_indirect_dma source(%dma_start3A_854 : memref<10240x128xf32, #tpu.memory_space<hbm>>) target(%dma_start3A_848 : memref<64x128xf32, #tpu.memory_space<vmem>>) offsets(%dma_start3A_851 : memref<64xi32, #tpu.memory_space<vmem>>) semaphore(%arg19 : memref<!tpu.dma_semaphore, #tpu.memory_space<semaphore_mem>>)
      %dma_wait3A_855 = arith.constant 6 : i32
      %dma_wait3A_856 = arith.constant 0 : i32
      %dma_wait3A_857 = arith.constant 0 : i32
      %dma_wait3A_858 = tpu.memref_slice %arg10[%dma_wait3A_856, %dma_wait3A_857] : memref<128x128xf32, #tpu.memory_space<vmem>> -> memref<64x128xf32, #tpu.memory_space<vmem>>
      %dma_wait3A_859 = arith.constant 0 : i32
      %dma_wait3A_860 = tpu.memref_slice %arg7[%dma_wait3A_855, %dma_wait3A_859] : memref<8x128xi32, #tpu.memory_space<vmem>> -> memref<1x64xi32, #tpu.memory_space<vmem>>
      %dma_wait3A_861 = tpu.memref_squeeze %dma_wait3A_860 : memref<1x64xi32, #tpu.memory_space<vmem>> -> memref<64xi32, #tpu.memory_space<vmem>>
      %dma_wait3A_862 = arith.constant 0 : i32
      %dma_wait3A_863 = arith.constant 0 : i32
      %dma_wait3A_864 = tpu.memref_slice %arg2[%dma_wait3A_862, %dma_wait3A_863] : memref<10240x128xf32, #tpu.memory_space<hbm>> -> memref<10240x128xf32, #tpu.memory_space<hbm>>
      tpu.wait_indirect_dma semaphore(%arg14 : memref<!tpu.dma_semaphore, #tpu.memory_space<semaphore_mem>>) src(%dma_wait3A_864 : memref<10240x128xf32, #tpu.memory_space<hbm>>) dst(%dma_wait3A_858 : memref<64x128xf32, #tpu.memory_space<vmem>>)
      %dma_wait3A_865 = arith.constant 6 : i32
      %dma_wait3A_866 = arith.constant 64 : i32
      %dma_wait3A_867 = arith.constant 0 : i32
      %dma_wait3A_868 = tpu.memref_slice %arg10[%dma_wait3A_866, %dma_wait3A_867] : memref<128x128xf32, #tpu.memory_space<vmem>> -> memref<64x128xf32, #tpu.memory_space<vmem>>
      %dma_wait3A_869 = arith.constant 64 : i32
      %dma_wait3A_870 = tpu.memref_slice %arg7[%dma_wait3A_865, %dma_wait3A_869] : memref<8x128xi32, #tpu.memory_space<vmem>> -> memref<1x64xi32, #tpu.memory_space<vmem>>
      %dma_wait3A_871 = tpu.memref_squeeze %dma_wait3A_870 : memref<1x64xi32, #tpu.memory_space<vmem>> -> memref<64xi32, #tpu.memory_space<vmem>>
      %dma_wait3A_872 = arith.constant 0 : i32
      %dma_wait3A_873 = arith.constant 0 : i32
      %dma_wait3A_874 = tpu.memref_slice %arg2[%dma_wait3A_872, %dma_wait3A_873] : memref<10240x128xf32, #tpu.memory_space<hbm>> -> memref<10240x128xf32, #tpu.memory_space<hbm>>
      tpu.wait_indirect_dma semaphore(%arg18 : memref<!tpu.dma_semaphore, #tpu.memory_space<semaphore_mem>>) src(%dma_wait3A_874 : memref<10240x128xf32, #tpu.memory_space<hbm>>) dst(%dma_wait3A_868 : memref<64x128xf32, #tpu.memory_space<vmem>>)
      %dma_start3A_875 = arith.constant 6 : i32
      %dma_start3A_876 = arith.constant 0 : i32
      %dma_start3A_877 = tpu.memref_slice %arg9[%dma_start3A_875, %dma_start3A_876] : memref<8x128xi32, #tpu.memory_space<vmem>> -> memref<1x128xi32, #tpu.memory_space<vmem>>
      %dma_start3A_878 = tpu.memref_squeeze %dma_start3A_877 : memref<1x128xi32, #tpu.memory_space<vmem>> -> memref<128xi32, #tpu.memory_space<vmem>>
      %dma_start3A_879 = arith.constant 0 : i32
      %dma_start3A_880 = arith.constant 0 : i32
      %dma_start3A_881 = tpu.memref_slice %arg13[%dma_start3A_879, %dma_start3A_880] : memref<10240x128xf32, #tpu.memory_space<vmem_shared>> -> memref<10240x128xf32, #tpu.memory_space<vmem_shared>>
      tpu.enqueue_indirect_dma source(%arg10 : memref<128x128xf32, #tpu.memory_space<vmem>>) target(%dma_start3A_881 : memref<10240x128xf32, #tpu.memory_space<vmem_shared>>) offsets(%dma_start3A_878 : memref<128xi32, #tpu.memory_space<vmem>>) semaphore(%arg16 : memref<!tpu.dma_semaphore, #tpu.memory_space<semaphore_mem>>) {add = true}
      %dma_wait3A_882 = arith.constant 7 : i32
      %dma_wait3A_883 = arith.constant 0 : i32
      %dma_wait3A_884 = arith.constant 0 : i32
      %dma_wait3A_885 = tpu.memref_slice %arg11[%dma_wait3A_883, %dma_wait3A_884] : memref<128x128xf32, #tpu.memory_space<vmem>> -> memref<64x128xf32, #tpu.memory_space<vmem>>
      %dma_wait3A_886 = arith.constant 0 : i32
      %dma_wait3A_887 = tpu.memref_slice %arg7[%dma_wait3A_882, %dma_wait3A_886] : memref<8x128xi32, #tpu.memory_space<vmem>> -> memref<1x64xi32, #tpu.memory_space<vmem>>
      %dma_wait3A_888 = tpu.memref_squeeze %dma_wait3A_887 : memref<1x64xi32, #tpu.memory_space<vmem>> -> memref<64xi32, #tpu.memory_space<vmem>>
      %dma_wait3A_889 = arith.constant 0 : i32
      %dma_wait3A_890 = arith.constant 0 : i32
      %dma_wait3A_891 = tpu.memref_slice %arg2[%dma_wait3A_889, %dma_wait3A_890] : memref<10240x128xf32, #tpu.memory_space<hbm>> -> memref<10240x128xf32, #tpu.memory_space<hbm>>
      tpu.wait_indirect_dma semaphore(%arg15 : memref<!tpu.dma_semaphore, #tpu.memory_space<semaphore_mem>>) src(%dma_wait3A_891 : memref<10240x128xf32, #tpu.memory_space<hbm>>) dst(%dma_wait3A_885 : memref<64x128xf32, #tpu.memory_space<vmem>>)
      %dma_wait3A_892 = arith.constant 7 : i32
      %dma_wait3A_893 = arith.constant 64 : i32
      %dma_wait3A_894 = arith.constant 0 : i32
      %dma_wait3A_895 = tpu.memref_slice %arg11[%dma_wait3A_893, %dma_wait3A_894] : memref<128x128xf32, #tpu.memory_space<vmem>> -> memref<64x128xf32, #tpu.memory_space<vmem>>
      %dma_wait3A_896 = arith.constant 64 : i32
      %dma_wait3A_897 = tpu.memref_slice %arg7[%dma_wait3A_892, %dma_wait3A_896] : memref<8x128xi32, #tpu.memory_space<vmem>> -> memref<1x64xi32, #tpu.memory_space<vmem>>
      %dma_wait3A_898 = tpu.memref_squeeze %dma_wait3A_897 : memref<1x64xi32, #tpu.memory_space<vmem>> -> memref<64xi32, #tpu.memory_space<vmem>>
      %dma_wait3A_899 = arith.constant 0 : i32
      %dma_wait3A_900 = arith.constant 0 : i32
      %dma_wait3A_901 = tpu.memref_slice %arg2[%dma_wait3A_899, %dma_wait3A_900] : memref<10240x128xf32, #tpu.memory_space<hbm>> -> memref<10240x128xf32, #tpu.memory_space<hbm>>
      tpu.wait_indirect_dma semaphore(%arg19 : memref<!tpu.dma_semaphore, #tpu.memory_space<semaphore_mem>>) src(%dma_wait3A_901 : memref<10240x128xf32, #tpu.memory_space<hbm>>) dst(%dma_wait3A_895 : memref<64x128xf32, #tpu.memory_space<vmem>>)
      %dma_start3A_902 = arith.constant 7 : i32
      %dma_start3A_903 = arith.constant 0 : i32
      %dma_start3A_904 = tpu.memref_slice %arg9[%dma_start3A_902, %dma_start3A_903] : memref<8x128xi32, #tpu.memory_space<vmem>> -> memref<1x128xi32, #tpu.memory_space<vmem>>
      %dma_start3A_905 = tpu.memref_squeeze %dma_start3A_904 : memref<1x128xi32, #tpu.memory_space<vmem>> -> memref<128xi32, #tpu.memory_space<vmem>>
      %dma_start3A_906 = arith.constant 0 : i32
      %dma_start3A_907 = arith.constant 0 : i32
      %dma_start3A_908 = tpu.memref_slice %arg13[%dma_start3A_906, %dma_start3A_907] : memref<10240x128xf32, #tpu.memory_space<vmem_shared>> -> memref<10240x128xf32, #tpu.memory_space<vmem_shared>>
      tpu.enqueue_indirect_dma source(%arg11 : memref<128x128xf32, #tpu.memory_space<vmem>>) target(%dma_start3A_908 : memref<10240x128xf32, #tpu.memory_space<vmem_shared>>) offsets(%dma_start3A_905 : memref<128xi32, #tpu.memory_space<vmem>>) semaphore(%arg17 : memref<!tpu.dma_semaphore, #tpu.memory_space<semaphore_mem>>) {add = true}
    }
    %scan3A_17 = arith.constant 5 : i32
    %dma_wait3A = arith.constant 6 : i32
    %dma_wait3A_18 = arith.constant 0 : i32
    %dma_wait3A_19 = tpu.memref_slice %arg9[%dma_wait3A, %dma_wait3A_18] : memref<8x128xi32, #tpu.memory_space<vmem>> -> memref<1x128xi32, #tpu.memory_space<vmem>>
    %dma_wait3A_20 = tpu.memref_squeeze %dma_wait3A_19 : memref<1x128xi32, #tpu.memory_space<vmem>> -> memref<128xi32, #tpu.memory_space<vmem>>
    %dma_wait3A_21 = arith.constant 0 : i32
    %dma_wait3A_22 = arith.constant 0 : i32
    %dma_wait3A_23 = tpu.memref_slice %arg13[%dma_wait3A_21, %dma_wait3A_22] : memref<10240x128xf32, #tpu.memory_space<vmem_shared>> -> memref<10240x128xf32, #tpu.memory_space<vmem_shared>>
    tpu.wait_indirect_dma semaphore(%arg16 : memref<!tpu.dma_semaphore, #tpu.memory_space<semaphore_mem>>) src(%arg10 : memref<128x128xf32, #tpu.memory_space<vmem>>) dst(%dma_wait3A_23 : memref<10240x128xf32, #tpu.memory_space<vmem_shared>>)
    %dma_wait3A_24 = arith.constant 7 : i32
    %dma_wait3A_25 = arith.constant 0 : i32
    %dma_wait3A_26 = tpu.memref_slice %arg9[%dma_wait3A_24, %dma_wait3A_25] : memref<8x128xi32, #tpu.memory_space<vmem>> -> memref<1x128xi32, #tpu.memory_space<vmem>>
    %dma_wait3A_27 = tpu.memref_squeeze %dma_wait3A_26 : memref<1x128xi32, #tpu.memory_space<vmem>> -> memref<128xi32, #tpu.memory_space<vmem>>
    %dma_wait3A_28 = arith.constant 0 : i32
    %dma_wait3A_29 = arith.constant 0 : i32
    %dma_wait3A_30 = tpu.memref_slice %arg13[%dma_wait3A_28, %dma_wait3A_29] : memref<10240x128xf32, #tpu.memory_space<vmem_shared>> -> memref<10240x128xf32, #tpu.memory_space<vmem_shared>>
    tpu.wait_indirect_dma semaphore(%arg17 : memref<!tpu.dma_semaphore, #tpu.memory_space<semaphore_mem>>) src(%arg11 : memref<128x128xf32, #tpu.memory_space<vmem>>) dst(%dma_wait3A_30 : memref<10240x128xf32, #tpu.memory_space<vmem_shared>>)
    %barrier3A_31 = arith.constant 0 : index
    tpu.barrier barrier_id(%barrier3A_31)
    %mul3A_32 = arith.constant 640 : i32
    %mul3A_33 = arith.muli %arg1, %mul3A_32 : i32
    %mul3A_34 = arith.constant 640 : i32
    %mul3A_35 = arith.muli %arg1, %mul3A_34 : i32
    "tpu.region"() ({
      %run_scoped3A = tpu.sem_alloc : memref<!tpu.dma_semaphore, #tpu.memory_space<semaphore_mem>>
      %dma_start3A = arith.constant 0 : i32
      %dma_start3A_36 = tpu.memref_slice %arg5[%arg0, %mul3A_35, %dma_start3A] : memref<2x10240x128xf32, #tpu.memory_space<hbm>> -> memref<1x640x128xf32, #tpu.memory_space<hbm>>
      %dma_start3A_37 = tpu.memref_squeeze %dma_start3A_36 : memref<1x640x128xf32, #tpu.memory_space<hbm>> -> memref<640x128xf32, #tpu.memory_space<hbm>>
      %dma_start3A_38 = arith.constant 0 : i32
      %dma_start3A_39 = tpu.memref_slice %arg13[%mul3A_33, %dma_start3A_38] : memref<10240x128xf32, #tpu.memory_space<vmem_shared>> -> memref<640x128xf32, #tpu.memory_space<vmem_shared>>
      tpu.enqueue_dma source(%dma_start3A_39 : memref<640x128xf32, #tpu.memory_space<vmem_shared>>) target(%dma_start3A_37 : memref<640x128xf32, #tpu.memory_space<hbm>>) target_semaphore(%run_scoped3A : memref<!tpu.dma_semaphore, #tpu.memory_space<semaphore_mem>>)
      %dma_wait3A_40 = arith.constant 0 : i32
      %dma_wait3A_41 = tpu.memref_slice %arg5[%arg0, %mul3A_35, %dma_wait3A_40] : memref<2x10240x128xf32, #tpu.memory_space<hbm>> -> memref<1x640x128xf32, #tpu.memory_space<hbm>>
      %dma_wait3A_42 = tpu.memref_squeeze %dma_wait3A_41 : memref<1x640x128xf32, #tpu.memory_space<hbm>> -> memref<640x128xf32, #tpu.memory_space<hbm>>
      %dma_wait3A_43 = arith.constant 0 : i32
      %dma_wait3A_44 = tpu.memref_slice %arg13[%mul3A_33, %dma_wait3A_43] : memref<10240x128xf32, #tpu.memory_space<vmem_shared>> -> memref<640x128xf32, #tpu.memory_space<vmem_shared>>
      tpu.wait_dma2 semaphore(%run_scoped3A : memref<!tpu.dma_semaphore, #tpu.memory_space<semaphore_mem>>) src(%dma_wait3A_44 : memref<640x128xf32, #tpu.memory_space<vmem_shared>>) dst(%dma_wait3A_42 : memref<640x128xf32, #tpu.memory_space<hbm>>)
      tpu.yield
    }) : () -> ()
    return
  }
}

module attributes {stable_mosaic.version = 14 : i64} {
  func.func @gcn_scale_tc(%arg0: i32, %arg1: memref<1x1024x128xf32, #tpu.memory_space<vmem>>, %arg2: memref<1x1024x128xf32, #tpu.memory_space<vmem>>, %arg3: memref<1024x128xf32, #tpu.memory_space<vmem>>, %arg4: memref<1024x1xf32, #tpu.memory_space<vmem>>, %arg5: memref<1024x128xf32, #tpu.memory_space<vmem>>) attributes {dimension_semantics = [#tpu.dimension_semantics<arbitrary>], iteration_bounds = array<i64: 10>, scalar_prefetch = 0 : i64, scratch_operands = 0 : i64, tpu.core_type = #tpu.core_type<tc>, window_params = [{transform_indices = @transform_0, window_bounds = array<i64: 1, 1024, 128>}, {transform_indices = @transform_1, window_bounds = array<i64: 1, 1024, 128>}, {transform_indices = @transform_2, window_bounds = array<i64: 1024, 128>}, {transform_indices = @transform_3, window_bounds = array<i64: 1024, 1>}, {transform_indices = @transform_4, window_bounds = array<i64: 1024, 128>}]} {
    %get3A = arith.constant 0 : index
    %get3A_0 = arith.constant 0 : index
    %get3A_1 = arith.constant 0 : index
    %get3A_2 = vector.load %arg1[%get3A, %get3A_0, %get3A_1] : memref<1x1024x128xf32, #tpu.memory_space<vmem>>, vector<1x1024x1xf32>
    %get3A_3 = vector.shape_cast %get3A_2 : vector<1x1024x1xf32> to vector<1024x1xf32>
    %get3A_4 = arith.constant 0 : index
    %get3A_5 = arith.constant 0 : index
    %get3A_6 = arith.constant 0 : index
    %get3A_7 = vector.load %arg2[%get3A_4, %get3A_5, %get3A_6] : memref<1x1024x128xf32, #tpu.memory_space<vmem>>, vector<1x1024x1xf32>
    %get3A_8 = vector.shape_cast %get3A_7 : vector<1x1024x1xf32> to vector<1024x1xf32>
    %add3A = arith.addf %get3A_3, %get3A_8 : vector<1024x1xf32>
    %add3A_9 = arith.constant 1.000000e+00 : f32
    %add3A_10 = vector.broadcast %add3A_9 : f32 to vector<1024x1xf32>
    %add3A_11 = arith.addf %add3A, %add3A_10 : vector<1024x1xf32>
    %rsqrt3A = math.rsqrt %add3A_11 : vector<1024x1xf32>
    %swap3A = arith.constant 0 : index
    %swap3A_12 = arith.constant 0 : index
    %swap3A_13 = vector.load %arg4[%swap3A, %swap3A_12] : memref<1024x1xf32, #tpu.memory_space<vmem>>, vector<1024x1xf32>
    tpu.vector_store %arg4[%swap3A, %swap3A_12], %rsqrt3A {strides = array<i32>} : memref<1024x1xf32, #tpu.memory_space<vmem>>, vector<1024x1xf32>,
    %get3A_14 = arith.constant 0 : index
    %get3A_15 = arith.constant 0 : index
    %get3A_16 = vector.load %arg3[%get3A_14, %get3A_15] : memref<1024x128xf32, #tpu.memory_space<vmem>>, vector<1024x128xf32>
    %mul3A = vector.broadcast %rsqrt3A : vector<1024x1xf32> to vector<1024x128xf32>
    %mul3A_17 = arith.mulf %get3A_16, %mul3A : vector<1024x128xf32>
    %swap3A_18 = arith.constant 0 : index
    %swap3A_19 = arith.constant 0 : index
    %swap3A_20 = vector.load %arg5[%swap3A_18, %swap3A_19] : memref<1024x128xf32, #tpu.memory_space<vmem>>, vector<1024x128xf32>
    tpu.vector_store %arg5[%swap3A_18, %swap3A_19], %mul3A_17 {strides = array<i32>} : memref<1024x128xf32, #tpu.memory_space<vmem>>, vector<1024x128xf32>,
    return
  }
  func.func @transform_0(%arg0: i32) -> (i32, i32, i32) {
    %c0_i32 = arith.constant 0 : i32
    %c0_i32_0 = arith.constant 0 : i32
    %c0_i32_1 = arith.constant 0 : i32
    return %c0_i32, %arg0, %c0_i32_0 : i32, i32, i32
  }
  func.func @transform_1(%arg0: i32) -> (i32, i32, i32) {
    %c1_i32 = arith.constant 1 : i32
    %c0_i32 = arith.constant 0 : i32
    %c0_i32_0 = arith.constant 0 : i32
    return %c1_i32, %arg0, %c0_i32 : i32, i32, i32
  }
  func.func @transform_2(%arg0: i32) -> (i32, i32) {
    %c0_i32 = arith.constant 0 : i32
    %c0_i32_0 = arith.constant 0 : i32
    return %arg0, %c0_i32 : i32, i32
  }
  func.func @transform_3(%arg0: i32) -> (i32, i32) {
    %c0_i32 = arith.constant 0 : i32
    %c0_i32_0 = arith.constant 0 : i32
    return %arg0, %c0_i32 : i32, i32
  }
  func.func @transform_4(%arg0: i32) -> (i32, i32) {
    %c0_i32 = arith.constant 0 : i32
    %c0_i32_0 = arith.constant 0 : i32
    return %arg0, %c0_i32 : i32, i32
  }
}

module attributes {stable_mosaic.version = 14 : i64} {
  func.func @gcn_heads_tc(%arg0: i32, %arg1: memref<1x2000x128xf32, #tpu.memory_space<vmem>>, %arg2: memref<1x2000x128xf32, #tpu.memory_space<vmem>>, %arg3: memref<2000x128xf32, #tpu.memory_space<vmem>>, %arg4: memref<2000x1xf32, #tpu.memory_space<vmem>>, %arg5: memref<128x128xf32, #tpu.memory_space<vmem>>, %arg6: memref<1x128xf32, #tpu.memory_space<vmem>>, %arg7: memref<128x128xf32, #tpu.memory_space<vmem>>, %arg8: memref<1x128xf32, #tpu.memory_space<vmem>>, %arg9: memref<2000x128xf32, #tpu.memory_space<vmem>>, %arg10: memref<2000x128xf32, #tpu.memory_space<vmem>>) attributes {dimension_semantics = [#tpu.dimension_semantics<arbitrary>], iteration_bounds = array<i64: 5>, scalar_prefetch = 0 : i64, scratch_operands = 0 : i64, tpu.core_type = #tpu.core_type<tc>, window_params = [{transform_indices = @transform_0, window_bounds = array<i64: 1, 2000, 128>}, {transform_indices = @transform_1, window_bounds = array<i64: 1, 2000, 128>}, {transform_indices = @transform_2, window_bounds = array<i64: 2000, 128>}, {transform_indices = @transform_3, window_bounds = array<i64: 2000, 1>}, {pipeline_mode = #tpu.pipeline_mode<synchronous>, transform_indices = @transform_4, window_bounds = array<i64: 128, 128>}, {pipeline_mode = #tpu.pipeline_mode<synchronous>, transform_indices = @transform_5, window_bounds = array<i64: 1, 128>}, {pipeline_mode = #tpu.pipeline_mode<synchronous>, transform_indices = @transform_6, window_bounds = array<i64: 128, 128>}, {pipeline_mode = #tpu.pipeline_mode<synchronous>, transform_indices = @transform_7, window_bounds = array<i64: 1, 128>}, {transform_indices = @transform_8, window_bounds = array<i64: 2000, 128>}, {transform_indices = @transform_9, window_bounds = array<i64: 2000, 128>}]} {
    %get3A = arith.constant 0 : index
    %get3A_0 = arith.constant 0 : index
    %get3A_1 = arith.constant 0 : index
    %get3A_2 = vector.load %arg1[%get3A, %get3A_0, %get3A_1] : memref<1x2000x128xf32, #tpu.memory_space<vmem>>, vector<1x2000x128xf32>
    %get3A_3 = vector.shape_cast %get3A_2 : vector<1x2000x128xf32> to vector<2000x128xf32>
    %get3A_4 = arith.constant 0 : index
    %get3A_5 = arith.constant 0 : index
    %get3A_6 = arith.constant 0 : index
    %get3A_7 = vector.load %arg2[%get3A_4, %get3A_5, %get3A_6] : memref<1x2000x128xf32, #tpu.memory_space<vmem>>, vector<1x2000x128xf32>
    %get3A_8 = vector.shape_cast %get3A_7 : vector<1x2000x128xf32> to vector<2000x128xf32>
    %add3A = arith.addf %get3A_3, %get3A_8 : vector<2000x128xf32>
    %get3A_9 = arith.constant 0 : index
    %get3A_10 = arith.constant 0 : index
    %get3A_11 = vector.load %arg3[%get3A_9, %get3A_10] : memref<2000x128xf32, #tpu.memory_space<vmem>>, vector<2000x128xf32>
    %add3A_12 = arith.addf %add3A, %get3A_11 : vector<2000x128xf32>
    %get3A_13 = arith.constant 0 : index
    %get3A_14 = arith.constant 0 : index
    %get3A_15 = vector.load %arg4[%get3A_13, %get3A_14] : memref<2000x1xf32, #tpu.memory_space<vmem>>, vector<2000x1xf32>
    %mul3A = vector.broadcast %get3A_15 : vector<2000x1xf32> to vector<2000x128xf32>
    %mul3A_16 = arith.mulf %add3A_12, %mul3A : vector<2000x128xf32>
    %get3A_17 = arith.constant 0 : index
    %get3A_18 = arith.constant 0 : index
    %get3A_19 = vector.load %arg5[%get3A_17, %get3A_18] : memref<128x128xf32, #tpu.memory_space<vmem>>, vector<128x128xf32>
    %dot_general3A = arith.constant dense<0.000000e+00> : vector<2000x128xf32>
    %dot_general3A_20 = tpu.matmul %mul3A_16, %get3A_19, %dot_general3A {dimension_numbers = #tpu.dot_dimension_numbers<[1], [0], [0], [1], [0, 0, 1, 1], [], []>, transpose_lhs_hint = false} : vector<2000x128xf32>, vector<128x128xf32>, vector<2000x128xf32> -> vector<2000x128xf32>
    %get3A_21 = arith.constant 0 : index
    %get3A_22 = arith.constant 0 : index
    %get3A_23 = vector.load %arg6[%get3A_21, %get3A_22] : memref<1x128xf32, #tpu.memory_space<vmem>>, vector<1x128xf32>
    %add3A_24 = vector.broadcast %get3A_23 : vector<1x128xf32> to vector<2000x128xf32>
    %add3A_25 = arith.addf %dot_general3A_20, %add3A_24 : vector<2000x128xf32>
    %swap3A = arith.constant 0 : index
    %swap3A_26 = arith.constant 0 : index
    %swap3A_27 = vector.load %arg9[%swap3A, %swap3A_26] : memref<2000x128xf32, #tpu.memory_space<vmem>>, vector<2000x128xf32>
    tpu.vector_store %arg9[%swap3A, %swap3A_26], %add3A_25 {strides = array<i32>} : memref<2000x128xf32, #tpu.memory_space<vmem>>, vector<2000x128xf32>,
    %get3A_28 = arith.constant 0 : index
    %get3A_29 = arith.constant 0 : index
    %get3A_30 = vector.load %arg7[%get3A_28, %get3A_29] : memref<128x128xf32, #tpu.memory_space<vmem>>, vector<128x128xf32>
    %dot_general3A_31 = arith.constant dense<0.000000e+00> : vector<2000x128xf32>
    %dot_general3A_32 = tpu.matmul %mul3A_16, %get3A_30, %dot_general3A_31 {dimension_numbers = #tpu.dot_dimension_numbers<[1], [0], [0], [1], [0, 0, 1, 1], [], []>, transpose_lhs_hint = false} : vector<2000x128xf32>, vector<128x128xf32>, vector<2000x128xf32> -> vector<2000x128xf32>
    %get3A_33 = arith.constant 0 : index
    %get3A_34 = arith.constant 0 : index
    %get3A_35 = vector.load %arg8[%get3A_33, %get3A_34] : memref<1x128xf32, #tpu.memory_space<vmem>>, vector<1x128xf32>
    %add3A_36 = vector.broadcast %get3A_35 : vector<1x128xf32> to vector<2000x128xf32>
    %add3A_37 = arith.addf %dot_general3A_32, %add3A_36 : vector<2000x128xf32>
    %swap3A_38 = arith.constant 0 : index
    %swap3A_39 = arith.constant 0 : index
    %swap3A_40 = vector.load %arg10[%swap3A_38, %swap3A_39] : memref<2000x128xf32, #tpu.memory_space<vmem>>, vector<2000x128xf32>
    tpu.vector_store %arg10[%swap3A_38, %swap3A_39], %add3A_37 {strides = array<i32>} : memref<2000x128xf32, #tpu.memory_space<vmem>>, vector<2000x128xf32>,
    return
  }
  func.func @transform_0(%arg0: i32) -> (i32, i32, i32) {
    %c0_i32 = arith.constant 0 : i32
    %c0_i32_0 = arith.constant 0 : i32
    %c0_i32_1 = arith.constant 0 : i32
    return %c0_i32, %arg0, %c0_i32_0 : i32, i32, i32
  }
  func.func @transform_1(%arg0: i32) -> (i32, i32, i32) {
    %c1_i32 = arith.constant 1 : i32
    %c0_i32 = arith.constant 0 : i32
    %c0_i32_0 = arith.constant 0 : i32
    return %c1_i32, %arg0, %c0_i32 : i32, i32, i32
  }
  func.func @transform_2(%arg0: i32) -> (i32, i32) {
    %c0_i32 = arith.constant 0 : i32
    %c0_i32_0 = arith.constant 0 : i32
    return %arg0, %c0_i32 : i32, i32
  }
  func.func @transform_3(%arg0: i32) -> (i32, i32) {
    %c0_i32 = arith.constant 0 : i32
    %c0_i32_0 = arith.constant 0 : i32
    return %arg0, %c0_i32 : i32, i32
  }
  func.func @transform_4(%arg0: i32) -> (i32, i32) {
    %c0_i32 = arith.constant 0 : i32
    %c0_i32_0 = arith.constant 0 : i32
    %c0_i32_1 = arith.constant 0 : i32
    return %c0_i32, %c0_i32_0 : i32, i32
  }
  func.func @transform_5(%arg0: i32) -> (i32, i32) {
    %c0_i32 = arith.constant 0 : i32
    %c0_i32_0 = arith.constant 0 : i32
    %c0_i32_1 = arith.constant 0 : i32
    return %c0_i32, %c0_i32_0 : i32, i32
  }
  func.func @transform_6(%arg0: i32) -> (i32, i32) {
    %c0_i32 = arith.constant 0 : i32
    %c0_i32_0 = arith.constant 0 : i32
    %c0_i32_1 = arith.constant 0 : i32
    return %c0_i32, %c0_i32_0 : i32, i32
  }
  func.func @transform_7(%arg0: i32) -> (i32, i32) {
    %c0_i32 = arith.constant 0 : i32
    %c0_i32_0 = arith.constant 0 : i32
    %c0_i32_1 = arith.constant 0 : i32
    return %c0_i32, %c0_i32_0 : i32, i32
  }
  func.func @transform_8(%arg0: i32) -> (i32, i32) {
    %c0_i32 = arith.constant 0 : i32
    %c0_i32_0 = arith.constant 0 : i32
    return %arg0, %c0_i32 : i32, i32
  }
  func.func @transform_9(%arg0: i32) -> (i32, i32) {
    %c0_i32 = arith.constant 0 : i32
    %c0_i32_0 = arith.constant 0 : i32
    return %arg0, %c0_i32 : i32, i32
  }
}

</mosaic_0001>

<sc_bundles>
// kernel: gcn_aggregate_sc.3.cloned.1.call-start
scs
__scs_entry_jumppad:
0x0: {  	(pc) =	sbr.rel $0x88, $3  }
0x1: {  	(tag) =	ssettag $0x0;
	lr =	simm.s32 $0x1  }
0x2: {  	[smem:$0x3F9B] =	sst lr;
	_ =	strace $0xD0000000  }
0x3: {  	_ = 	snop  }
0x4: {  	_ = 	snop  }
0x5: {  	_ = 	snop  }
0x6: {  	_ = 	snop  }
0x7: {  	_ = 	snop  }
__scs_overlays_trampoline_lowered:
0x8: {  	[smem:$0x3FAA] =	sst s0  }
0x9: {  	[smem:$0x3FAB] =	sst s1  }
0xa: {  	[smem:$0x3FAC] =	sst s2  }
0xb: {  	[smem:$0x3FAD] =	sst s3  }
0xc: {  	[smem:$0x3FAE] =	sst s4  }
0xd: {  	[smem:$0x3FAF] =	sst s5  }
0xe: {  	[smem:$0x3FB0] =	sst s6  }
0xf: {  	[smem:$0x3FB1] =	sst s7  }
0x10: {  	[smem:$0x3FB2] =	sst s8  }
0x11: {  	[smem:$0x3FB3] =	sst s9;
	s0 =	simm.s32 @!p0 $0x0  }
0x12: {  	s1 =	sld [smem:$0x3F99];
	s0 =	simm.s32 @p0 $0x1  }
0x13: {  	[smem:$0x3FB4] =	sst s0;
	s0 =	simm.s32 @!p1 $0x0  }
0x14: {  	s2 =	sld [smem:$0x3F98];
	s0 =	simm.s32 @p1 $0x1  }
0x15: {  	[smem:$0x3FB5] =	sst s0;
	s0 =	simm.s32 @!p2 $0x0  }
0x16: {  	s3 =	sld [smem:$0x3FDB];
	s0 =	simm.s32 @p2 $0x1  }
0x17: {  	s4 =	simm.s32 $0x1BF5;
	[smem:$0x3FB7] =	sst s0  }
0x18: {  	s0 =	sld [smem:$0x3F9A];
	_ =	swait.ge [sflag:s4], $0x0  }
0x19: {  	s7 =	sld [smem:$0x3F9B]  }
0x1a: {  	s8 =	sadd.s32 $0xFFFFE003, lr  }
0x1b: {  	s9 =	sadd.s32 $0xFFFFFEF7, lr;
	s5 =	simm.s32 $0xFFFFFFFF;
	p2 =	slt.u32 s8, $0xFFFFF086  }
0x1c: {  	p1 =	slt.u32 s9, $0xF7A;
	s5 =	simm.s32 @!p2 $0x0  }
0x1d: {  	s5 =	simm.s32 @p1 $0x1;
	p0 =	seq.s32 s7, s2  }
0x1e: {  	s7 =	smul.u32 @!p0 $0xF7A, s2;
	p2 =	seq.s32 @!p0 s5, $0x0  }
0x1f: {  	s9 =	smul.u32 $0xF7A, s1;
	s8 =	simm.s32 @!p0 $0x1BF5;
	p2 =	por !p2, p0  }
0x20: {  	[sflag:s8] =	ssyncset.s32 @!p0 $0xFFFFF086;
	s6 =	sadd.s32 @!p0 s3, s7;
	s7 =	simm.s32 @!p0 $0x108  }
0x21: {  	s3 =	sadd.s32 s3, s9;
	s6 =	sadd.s32 @!p0 $0x88, s6;
	s7 =	simm.s32 @p2 $0x1082  }
0x22: {  	[simem:s7], [sflag:s8] =	dma.local @!p0 [hbm:s6], $0xF7A  }
0x23: {  	s9 =	sor.u32 $0xD0000000, s2;
	s6 =	simm.s32 $0x108;
	_ =	swait.ge @!p0 [sflag:s8], $0x0  }
0x24: {  	s3 =	sadd.s32 $0x88, s3;
	s6 =	simm.s32 @!p1 $0x1082;
	[sflag:s4] =	ssyncset.s32 $0xFFFFF086  }
0x25: {  	[simem:s6], [sflag:s4] =	dma.local [hbm:s3], $0xF7A  }
0x26: {  	[smem:$0x3F9B] =	sst s1;
	(tag) =	ssettag s2;
	_ =	strace s9  }
0x27: {  	s1 =	sld [smem:$0x3FAB]  }
0x28: {  	s2 =	sld [smem:$0x3FAC]  }
0x29: {  	s4 =	sld [smem:$0x3FAE]  }
0x2a: {  	p0 =	seq.s32 s5, $0x0;
	s5 =	sld [smem:$0x3FAF]  }
0x2b: {  	s6 =	sld [smem:$0x3FB0]  }
0x2c: {  	s7 =	sld [smem:$0x3FB1]  }
0x2d: {  	s3 =	simm.s32 $0x108;
	s8 =	sld [smem:$0x3FB2]  }
0x2e: {  	s3 =	simm.s32 @!p0 $0x1082;
	s9 =	sld [smem:$0x3FB3]  }
0x2f: {  	lr =	sadd.s32 s0, s3;
	s0 =	sld [smem:$0x3FAA]  }
0x30: {  	s3 =	sld [smem:$0x3FAD]  }
0x31: {  	[smem:$0x3FB6] =	sst s10  }
0x32: {  	s10 =	sld [smem:$0x3FB4];
	_ =	sdelay $0x3  }
0x33: {  	p0 =	seq.s32 s10, $0x1;
	s10 =	sld [smem:$0x3FB6];
	_ =	sdelay $0x3  }
0x34: {  	[smem:$0x3FB6] =	sst s10  }
0x35: {  	s10 =	sld [smem:$0x3FB5];
	_ =	sdelay $0x3  }
0x36: {  	p1 =	seq.s32 s10, $0x1;
	s10 =	sld [smem:$0x3FB6];
	_ =	sdelay $0x3  }
0x37: {  	[smem:$0x3FB6] =	sst s10  }
0x38: {  	s10 =	sld [smem:$0x3FB7]  }
0x39: {  	_ = 	snop;
	(pc) =	sbr.ind lr, $3  }
0x3a: {  	_ = 	snop  }
0x3b: {  	_ = 	snop  }
0x3c: {  	p2 =	seq.s32 s10, $0x1;
	s10 =	sld [smem:$0x3FB6]  }
0x3d: {  	_ =	shalt  }
0x3e: {  	_ =	shalt  }
0x3f: {  	_ =	shalt  }
0x40: {  	_ =	shalt  }
0x41: {  	_ =	shalt  }
0x42: {  	_ =	shalt  }
0x43: {  	_ =	shalt  }
0x44: {  	_ =	shalt  }
0x45: {  	_ =	shalt  }
0x46: {  	_ =	shalt  }
0x47: {  	_ =	shalt  }
0x48: {  	_ =	shalt  }
0x49: {  	_ =	shalt  }
0x4a: {  	_ =	shalt  }
0x4b: {  	_ =	shalt  }
0x4c: {  	_ =	shalt  }
0x4d: {  	_ =	shalt  }
0x4e: {  	_ =	shalt  }
0x4f: {  	_ =	shalt  }
0x50: {  	_ =	shalt  }
0x51: {  	_ =	shalt  }
0x52: {  	_ =	shalt  }
0x53: {  	_ =	shalt  }
0x54: {  	_ =	shalt  }
0x55: {  	_ =	shalt  }
0x56: {  	_ =	shalt  }
0x57: {  	_ =	shalt  }
0x58: {  	_ =	shalt  }
0x59: {  	_ =	shalt  }
0x5a: {  	_ =	shalt  }
0x5b: {  	_ =	shalt  }
0x5c: {  	_ =	shalt  }
0x5d: {  	_ =	shalt  }
0x5e: {  	_ =	shalt  }
0x5f: {  	_ =	shalt  }
0x60: {  	_ =	shalt  }
0x61: {  	_ =	shalt  }
0x62: {  	_ =	shalt  }
0x63: {  	_ =	shalt  }
0x64: {  	_ =	shalt  }
0x65: {  	_ =	shalt  }
0x66: {  	_ =	shalt  }
0x67: {  	_ =	shalt  }
0x68: {  	_ =	shalt  }
0x69: {  	_ =	shalt  }
0x6a: {  	_ =	shalt  }
0x6b: {  	_ =	shalt  }
0x6c: {  	_ =	shalt  }
0x6d: {  	_ =	shalt  }
0x6e: {  	_ =	shalt  }
0x6f: {  	_ =	shalt  }
0x70: {  	_ =	shalt  }
0x71: {  	_ =	shalt  }
0x72: {  	_ =	shalt  }
0x73: {  	_ =	shalt  }
0x74: {  	_ =	shalt  }
0x75: {  	_ =	shalt  }
0x76: {  	_ =	shalt  }
0x77: {  	_ =	shalt  }
0x78: {  	_ =	shalt  }
0x79: {  	_ =	shalt  }
0x7a: {  	_ =	shalt  }
0x7b: {  	_ =	shalt  }
0x7c: {  	_ =	shalt  }
0x7d: {  	_ =	shalt  }
0x7e: {  	_ =	shalt  }
0x7f: {  	_ =	shalt  }
0x80: {  	_ =	shalt  }
0x81: {  	_ =	shalt  }
0x82: {  	_ =	shalt  }
0x83: {  	_ =	shalt  }
0x84: {  	_ =	shalt  }
0x85: {  	_ =	shalt  }
0x86: {  	_ =	shalt  }
0x87: {  	_ =	shalt  }
.Lfunc_end0:
.L_simem_size_0:
called_computation.1_lowered:
.L_overlay_start_0:
0x88: {  	s2 =	sld [smem:$0x3FD9]  }
0x89: {  	s3 =	sld [smem:$0x3FFE];
	_ =	sdelay $0x1  }
0x8a: {  	s1 =	srdreg.scid  }
0x8b: {  	s0 =	sand.u32 $0x1, s1  }
0x8c: {  	s14 =	sshll.u32 s0, $0xA;
	s2 =	sadd.s32 s3, s2  }
0x8d: {  	s2 =	sadd.s32 s2, s14  }
0x8e: {  	[smem:$0x3FC2] =	sst s2  }
0x8f: {  	_ = 	snop  }
0x90: {  	s2 =	sld [smem:$0x3FD0];
	_ =	sdelay $0x2  }
0x91: {  	s15 =	simm.s32 $0xA;
	s4 =	simm.s32 $0x10  }
0x92: {  	[smem:s4], [sflag:s15] =	dma.local [hbm:s2], $0x1  }
0x93: {  	_ =	swait.eq [sflag:s15], $0x1  }
0x94: {  	[sflag:s15] =	ssyncset.done $0x0  }
0x95: {  	s16 =	sld [smem:$0x10];
	[sflag:s15] =	ssyncadd.s32 $0xFFFFFFFF  }
0x96: {  	s17 =	sld [smem:$0x11];
	(tm) =	ssettm $0x1  }
0x97: {  	s18 =	sld [smem:$0x3FFB];
	_ =	sdelay $0x3  }
0x98: {  	_ =	strace s18  }
0x99: {  	s4 =	sld [smem:$0x3FFC];
	_ =	sdelay $0x3  }
0x9a: {  	_ =	strace s4  }
0x9b: {  	s4 =	sld [smem:$0x3FFD];
	_ =	sdelay $0x3  }
0x9c: {  	_ =	strace s4  }
0x9d: {  	_ =	strace $0x8FFFFFFF  }
0x9e: {  	s19 =	sld [smem:$0x3FDB];
	_ =	sdelay $0x1  }
0x9f: {  	s5 =	simm.s32 $_scs_section_size  }
0xa0: {  	s6 =	simm.s32 $_size__tile_overlayer_lowered;
	s7 =	simm.s32 $_tile_overlayer_lowered  }
0xa1: {  	s22 =	simm.s32 $0x1BFF;
	s21 =	sshll.u32 s7, $0x1;
	s4 =	sadd.s32 s5, s19  }
0xa2: {  	s8 =	simm.s32 $0x0;
	s20 =	sshll.u32 s6, $0x1;
	s6 =	sadd.s32 s21, s4  }
0xa3: {  	[timem:s8], [sflag:s22] =	dma.local [hbm:s6], s20  }
0xa4: {  	_ =	swait.ge [sflag:s22], s20  }
0xa5: {  	s5 =	ssub.s32 $0x0, s20;
	[sflag:s22] =	ssyncset.done $0x0  }
0xa6: {  	[sflag:s22] =	ssyncadd.s32 s5;
	_ =	sdelay $0x1  }
0xa7: {  	s23 =	simm.s32 $0x1B8B  }
0xa8: {  	_ =	swait.ge [sflag:s23], $0x1  }
0xa9: {  	[sflag:s23] =	ssyncset.done $0x0  }
0xaa: {  	s25 =	simm.s32 $0x1B8E;
	s24 =	sld [smem:$0x3FFE];
	[sflag:s23] =	ssyncadd.s32 $0xFFFFFFFF  }
0xab: {  	s26 =	simm.s32 $execute0_lowered;
	[smem:$0x3FD2] =	sst s25  }
0xac: {  	s6 =	sshll.u32 s26, $0x1;
	_ =	strace $0x80000049;
	[dreg:$0x1] =	wrdreg $0xFFFFFFFF  }
0xad: {  	s28 =	simm.s32 $_size_execute0_lowered;
	s4 =	sadd.s32 s4, s6;
	[dreg:$0x0] =	wrdreg $0x0  }
0xae: {  	s6 =	sshll.u32 s28, $0x1;
	[dreg:$0x2] =	wrdreg s4  }
0xaf: {  	[dreg:$0x3] =	wrdreg s6  }
0xb0: {  	[dreg:$0x4] =	wrdreg $0xC0  }
0xb1: {  	_ =	task [dreg:s8], $0x5FFFF  }
0xb2: {  	[dreg:$0x1] =	wrdreg $0xFFFFFFFF  }
0xb3: {  	[dreg:$0x0] =	wrdreg $0x60  }
0xb4: {  	[dreg:$0x2] =	wrdreg s24  }
0xb5: {  	[dreg:$0x3] =	wrdreg s16  }
0xb6: {  	[dreg:$0x4] =	wrdreg s17  }
0xb7: {  	[dreg:$0x5] =	wrdreg $0x98000  }
0xb8: {  	[dreg:$0x6] =	wrdreg $0x9  }
0xb9: {  	_ =	task.clear_ibuf [dreg:s8], $0x7FFFF;
	_ =	strace $0x90000049  }
0xba: {  	s29 =	simm.s32 $0x9;
	_ =	strace $0x8000004B  }
0xbb: {  	_ =	swait.ge [sflag:s29], $0x1  }
0xbc: {  	[sflag:s29] =	ssyncadd.s32 $0xFFFFFFFF  }
0xbd: {  	_ =	strace $0x9000004B  }
0xbe: {  	_ =	sfence  }
0xbf: {  	s30 =	sld [smem:$0x0];
	_ =	sdelay $0x2  }
0xc0: {  	s31 =	sshll.u32 s1, $0xD;
	s1 =	sshrl.u32 s1, $0x2  }
0xc1: {  	s3 =	sand.u32 $0x4000, s31;
	s1 =	sadd.s32 s1, s30  }
0xc2: {  	s0 =	sor.u32 s3, s0;
	s1 =	sshll.u32 s1, $0x11  }
0xc3: {  	s0 =	sor.u32 s1, s0  }
0xc4: {  	s0 =	sadd.s32 $0x8F2B, s0  }
0xc5: {  	[sflag:s0] =	ssyncadd.remote.s32 $0x1  }
0xc6: {  	_ =	sfence.sel $0xFFFF  }
0xc7: {  	[dreg:$0x0] =	wrdreg $0xFFFFFFFF;
	(pc) =	sbr.abs _section_cstart, $3  }
0xc8: {  	[dreg:$0x1] =	wrdreg $0xFFFFFFFF  }
0xc9: {  	_ =	task.clear_ibuf [dreg:s8], $0x2FFFF;
	_ =	strace $0x9FFFFFFF  }
0xca: {  	(tm) =	ssettm $0x7FFFFFFF  }
0xcb: {  	_ =	shalt  }
tec
execute0_lowered:
.L_overlay_start_1:
0x0: {  	(tag) =	ssettag $0x1  }
0x1: {  	s0 =	srdreg.scid  }
0x2: {  	s6 =	rddreg [dreg:$0x0];
	s5 =	sand.u32 $0x1, s0  }
0x3: {  	s0 =	stileid.u32;
	s1 =	smul.u32 $0x28000, s5  }
0x4: {  	s4 =	rddreg [dreg:$0x1];
	s3 =	smul.u32 $0x2800, s0  }
0x5: {  	s7 =	rddreg [dreg:$0x2]  }
0x6: {  	s2 =	rddreg [dreg:$0x3];
	s8 =	sadd.s32 s3, s1;
	s3 =	simm.s32 $0x0  }
0x7: {  	s24 =	simm.s32 $0xC0;
	[smem:$0x7FF] =	sst s3  }
0x8: {  	s25 =	simm.s32 $0x880;
	_ =	strace $0x8000004A;
	[dreg:$0x9] =	wrdreg s24  }
0x9: {  	s26 =	simm.s32 $0x100;
	[dreg:$0xa] =	wrdreg s25  }
0xa: {  	s28 =	simm.s32 $0x140;
	[dreg:$0xb] =	wrdreg s26  }
0xb: {  	s29 =	simm.s32 $0x180;
	[dreg:$0xc] =	wrdreg s28  }
0xc: {  	s30 =	simm.s32 $0x1C0;
	[dreg:$0xd] =	wrdreg s29  }
0xd: {  	s31 =	simm.s32 $0x900;
	[dreg:$0xe] =	wrdreg s30  }
0xe: {  	s1 =	simm.s32 $0x980;
	[dreg:$0xf] =	wrdreg s31  }
0xf: {  	s12 =	simm.s32 $0xA00;
	[dreg:$0x10] =	wrdreg s1  }
0x10: {  	s14 =	simm.s32 $0xA80;
	[dreg:$0x15] =	wrdreg s12  }
0x11: {  	s15 =	simm.s32 $0x300;
	[dreg:$0x16] =	wrdreg s14  }
0x12: {  	s16 =	simm.s32 $0x340;
	[dreg:$0x17] =	wrdreg s15  }
0x13: {  	s17 =	simm.s32 $0x380;
	[dreg:$0x18] =	wrdreg s16  }
0x14: {  	s18 =	simm.s32 $0x3C0;
	[dreg:$0x19] =	wrdreg s17  }
0x15: {  	s19 =	simm.s32 $0xB00;
	[dreg:$0x1a] =	wrdreg s18  }
0x16: {  	s21 =	simm.s32 $0xB80;
	[dreg:$0x1b] =	wrdreg s19  }
0x17: {  	s23 =	simm.s32 $0x440;
	[dreg:$0x1c] =	wrdreg s21  }
0x18: {  	[dreg:$0x1d] =	wrdreg s23;
	s24 =	simm.s32 $0x480  }
0x19: {  	s26 =	simm.s32 $0x4C0;
	[dreg:$0x1e] =	wrdreg s24  }
0x1a: {  	s11 =	smul.u32 $0x140000, s5;
	s28 =	simm.s32 $0xC80;
	[dreg:$0x1f] =	wrdreg s26  }
0x1b: {  	s13 =	smul.u32 $0x14000, s0;
	s29 =	simm.s32 $0x500;
	[smem:$0x7EB] =	sst s28  }
0x1c: {  	s5 =	ssub.s32 $0x2, s5;
	s30 =	simm.s32 $0x540;
	[smem:$0x7EC] =	sst s29  }
0x1d: {  	s22 =	smul.u32 $0x50000, s0;
	s31 =	simm.s32 $0x580;
	[smem:$0x7ED] =	sst s30  }
0x1e: {  	s20 =	sshrl.u32 s5, $0x1;
	s12 =	simm.s32 $0xD00;
	[smem:$0x7EE] =	sst s31  }
0x1f: {  	s9 =	sor.u32 $0x400, s8;
	s14 =	simm.s32 $0x600;
	[smem:$0x7F0] =	sst s12  }
0x20: {  	s8 =	sshrl.u32 s8, $0x3;
	s15 =	simm.s32 $0x640;
	[smem:$0x7F2] =	sst s14  }
0x21: {  	s9 =	sshrl.u32 s9, $0x3;
	s16 =	simm.s32 $0x680;
	[smem:$0x7F3] =	sst s15  }
0x22: {  	s25 =	sshrl.u32 s22, $0x2;
	s17 =	simm.s32 $0x6C0;
	[smem:$0x7F4] =	sst s16  }
0x23: {  	s18 =	simm.s32 $0xE00;
	s19 =	simm.s32 $0xE80;
	[smem:$0x7F5] =	sst s17  }
0x24: {  	s21 =	simm.s32 $0x740;
	s22 =	simm.s32 $0x780;
	[smem:$0x7F6] =	sst s18  }
0x25: {  	s23 =	simm.s32 $0x7C0;
	s10 =	sadd.s32 s9, s7;
	[smem:$0x7F7] =	sst s19  }
0x26: {  	s9 =	sadd.s32 s9, s4;
	s7 =	sadd.s32 s8, s7;
	[smem:$0x7F9] =	sst s21  }
0x27: {  	s4 =	sadd.s32 s8, s4;
	s8 =	simm.s32 $0x240;
	[smem:$0x7FA] =	sst s22  }
0x28: {  	s12 =	simm.s32 $0x80;
	s14 =	simm.s32 $0x7000;
	[smem:$0x7FB] =	sst s23  }
0x29: {  	s15 =	simm.s32 $0x1;
	s16 =	simm.s32 $0x5;
	[dreg:$0x5] =	wrdreg s10  }
0x2a: {  	s17 =	simm.s32 $0x1000;
	s18 =	simm.s32 $0x2;
	[dreg:$0x6] =	wrdreg s9  }
0x2b: {  	s19 =	simm.s32 $0x6;
	s21 =	simm.s32 $0x3000;
	[dreg:$0x7] =	wrdreg s7  }
0x2c: {  	s22 =	simm.s32 $0x4;
	s24 =	simm.s32 $0xF00;
	[dreg:$0x8] =	wrdreg s4  }
0x2d: {  	s23 =	simm.s32 $0x400;
	s7 =	simm.s32 $0x200;
	[dreg:$0x12] =	wrdreg s8  }
0x2e: {  	s9 =	simm.s32 $0x280;
	s10 =	simm.s32 $0x2C0;
	[smem:$0x7FC] =	sst s24  }
0x2f: {  	s4 =	sadd.s32 $0x1E00, s6;
	s8 =	ssub.s32 s5, s20;
	[dreg:$0x11] =	wrdreg s7  }
0x30: {  	s5 =	sadd.s32 s25, s2;
	s20 =	simm.s32 $0x700;
	[dreg:$0x13] =	wrdreg s9  }
0x31: {  	s25 =	simm.s32 $0xF80;
	s24 =	simm.s32 $0xC00;
	[dreg:$0x14] =	wrdreg s10  }
0x32: {  	s7 =	sadd.s32 s13, s11;
	s9 =	simm.s32 $0x7;
	s11 =	simm.s32 $0x5C0  }
0x33: {  	s10 =	simm.s32 $0x800;
	s13 =	simm.s32 $0xD80;
	[smem:$0x7F8] =	sst s20  }
0x34: {  	s20 =	simm.s32 $0x3;
	[smem:$0x7FD] =	sst s25;
	s25 =	simm.s32 $0x0  }
0x35: {  	s7 =	sshrl.u32 s7, $0x3;
	[smem:$0x7EF] =	sst s11;
	s11 =	simm.s32 $0x40  }
0x36: {  	[smem:$0x7F1] =	sst s13;
	s13 =	simm.s32 $0x5000;
	s6 =	sadd.s32 s7, s6  }
0x37: {  	v0 =	vimm.f32 $0.0e+00;
	s7 =	smax.u32 s8, $0x1;
	s8 =	simm.s32 $0x9000;
	s6 =	sadd.s32 $0x29E00, s6  }
.LBB2_1:
0x38: {  	s26 =	simm.s32 $0x0;
	s28 =	simm.s32 $0x0  }
.LBB2_2:
0x39: {  	p0 =	sne.s32 s28, $0x1FC0  }
.Ltmp0:
0x3a: {  	_ = 	snop;
	(pc) =	sbr.rel @p0 .LBB2_2-.Ltmp0, $4  }
0x3b: {  	s29 =	sand.u32 $0x1E00, s28  }
0x3c: {  	s30 =	sand.u32 $0x70, s26;
	s29 =	sshrl.u32 s29, $0x2  }
0x3d: {  	s29 =	sor.u32 s30, s29  }
0x3e: {  	s26 =	sadd.s32 $0x10, s26;
	s28 =	sadd.s32 $0x40, s28;
	[tilespmem:s29+$0x9000] =	vst v0  }
0x3f: {  	s26 =	sadd.s32 $0x0, s5  }
0x40: {  	[spmem:s26] =	stream.linear.scatter [tilespmem:s8], [sflag:$0x7], $0x800, $0x38;
	[tilespmem:$0x1D800] =	vst v63  }
0x41: {  	s26 =	simm.s32 $0x2000;
	_ =	swait.ge [sflag:s9], $0x800  }
.LBB2_4:
0x42: {  	s28 =	sshra.s32 s26, $0x2;
	[sflag:s9] =	ssyncset.done $0x0;
	p0 =	sne.s32 s26, $0x4E000  }
.Ltmp1:
0x43: {  	s28 =	sadd.s32 s28, s5;
	[sflag:s9] =	ssyncadd.s32 $0xFFFFF800;
	(pc) =	sbr.rel @p0 .LBB2_4-.Ltmp1, $3  }
0x44: {  	[spmem:s28] =	stream.linear.scatter [tilespmem:s8], [sflag:$0x7], $0x800, $0x38;
	[tilespmem:$0x1D800] =	vst v63  }
0x45: {  	s26 =	sadd.s32 $0x2000, s26;
	_ =	sdelay $0x1  }
0x46: {  	_ =	swait.ge [sflag:s9], $0x800  }
0x47: {  	[sflag:s9] =	ssyncset.done $0x0  }
0x48: {  	[sflag:s9] =	ssyncadd.s32 $0xFFFFF800  }
0x49: {  	[bflag:$0x0] =	sbarrier.arrive $0xFFFF  }
0x4a: {  	s26 =	rddreg [dreg:$0x8]  }
0x4b: {  	s26 =	sadd.s32 $0x0, s26  }
0x4c: {  	[tilespmem:s3], [sflag:$0x7] =	stream.linear.gather [hbm4b:s26+s3], $0x400, $0x38;
	[tilespmem:$0x1D800] =	vst v63  }
0x4d: {  	_ =	swait.ge [sflag:s9], $0x400  }
0x4e: {  	s31 =	rddreg [dreg:$0x7];
	[sflag:s9] =	ssyncset.done $0x0  }
0x4f: {  	[sflag:s9] =	ssyncadd.s32 $0xFFFFFC00;
	s26 =	sadd.s32 $0x0, s31  }
0x50: {  	[tilespmem:s10], [sflag:$0x7] =	stream.linear.gather [hbm4b:s26+s3], $0x400, $0x38;
	[tilespmem:$0x1D800] =	vst v63  }
0x51: {  	_ =	swait.ge [sflag:s9], $0x400  }
0x52: {  	p0 =	por $0x0, $0x0;
	[sflag:s9] =	ssyncset.done $0x0  }
0x53: {  	s26 =	simm.s32 @p0 $0x3;
	[sflag:s9] =	ssyncadd.s32 $0xFFFFFC00  }
0x54: {  	_ =	swait.ge @p0 [sflag:s26], $0x4000  }
0x55: {  	s28 =	simm.s32 @p0 $0x1000;
	[sflag:s26] =	ssyncset.done @p0 $0x0  }
0x56: {  	s29 =	simm.s32 @p0 $0x0;
	[sflag:s26] =	ssyncadd.s32 @p0 $0xFFFFC000;
	s26 =	simm.s32 @p0 $0x40  }
0x57: {  	[tilespmem:s28], [sflag:$0x1] =	stream.indirect.gather @p0 [hbm4b:s4+s26], $0x80, s29, s26, $0xb8;
	[tilespmem:$0x1D800] =	vst v63  }
0x58: {  	s28 =	simm.s32 @p0 $0x3000;
	s29 =	simm.s32 @p0 $0x4  }
0x59: {  	[tilespmem:s28], [sflag:$0x5] =	stream.indirect.gather @p0 [hbm4b:s4+s26], $0x80, s26, s26, $0xb8;
	[tilespmem:$0x1D800] =	vst v63  }
0x5a: {  	_ =	swait.ge @p0 [sflag:s29], $0x4000  }
0x5b: {  	s26 =	simm.s32 @!p0 $0x1000;
	[sflag:s29] =	ssyncset.done @p0 $0x0  }
0x5c: {  	s28 =	simm.s32 @!p0 $0x40;
	[sflag:s29] =	ssyncadd.s32 @p0 $0xFFFFC000;
	s29 =	simm.s32 @!p0 $0x0  }
0x5d: {  	[tilespmem:s26], [sflag:$0x1] =	stream.indirect.gather @!p0 [hbm4b:s4+s28], $0x80, s29, s28, $0xb8;
	[tilespmem:$0x1D800] =	vst v63  }
0x5e: {  	s26 =	simm.s32 @!p0 $0x3000  }
0x5f: {  	[tilespmem:s26], [sflag:$0x5] =	stream.indirect.gather @!p0 [hbm4b:s4+s28], $0x80, s28, s28, $0xb8;
	[tilespmem:$0x1D800] =	vst v63  }
0x60: {  	_ = 	snop  }
0x61: {  	[tilespmem:s13], [sflag:$0x2] =	stream.indirect.gather [hbm4b:s4+s11], $0x80, s12, s11, $0xb8;
	[tilespmem:$0x1D800] =	vst v63  }
0x62: {  	s1 =	rddreg [dreg:$0x9]  }
0x63: {  	[tilespmem:s14], [sflag:$0x6] =	stream.indirect.gather [hbm4b:s4+s11], $0x80, s1, s11, $0xb8;
	[tilespmem:$0x1D800] =	vst v63  }
0x64: {  	_ =	swait.ge [sflag:s15], $0x2000  }
0x65: {  	[sflag:s15] =	ssyncset.done $0x0  }
0x66: {  	[sflag:s15] =	ssyncadd.s32 $0xFFFFE000  }
0x67: {  	_ =	swait.ge [sflag:s16], $0x2000  }
0x68: {  	[sflag:s16] =	ssyncset.done $0x0  }
0x69: {  	[sflag:s16] =	ssyncadd.s32 $0xFFFFE000  }
0x6a: {  	[spmem:s2] =	stream.indirect.scatter.add.f32 [tilespmem:s17], [sflag:$0x3], $0x80, s10, s12, $0xb8;
	[tilespmem:$0x1D800] =	vst v63  }
0x6b: {  	_ =	swait.ge [sflag:s18], $0x2000  }
0x6c: {  	[sflag:s18] =	ssyncset.done $0x0  }
0x6d: {  	[sflag:s18] =	ssyncadd.s32 $0xFFFFE000  }
0x6e: {  	_ =	swait.ge [sflag:s19], $0x2000  }
0x6f: {  	[sflag:s19] =	ssyncset.done $0x0  }
0x70: {  	s31 =	rddreg [dreg:$0xa];
	[sflag:s19] =	ssyncadd.s32 $0xFFFFE000  }
0x71: {  	[spmem:s2] =	stream.indirect.scatter.add.f32 [tilespmem:s13], [sflag:$0x4], $0x80, s31, s12, $0xb8;
	[tilespmem:$0x1D800] =	vst v63  }
0x72: {  	_ =	swait.ge [sflag:s20], $0x4000  }
0x73: {  	[sflag:s20] =	ssyncset.done $0x0  }
0x74: {  	s1 =	rddreg [dreg:$0xb];
	[sflag:s20] =	ssyncadd.s32 $0xFFFFC000  }
0x75: {  	[tilespmem:s17], [sflag:$0x1] =	stream.indirect.gather [hbm4b:s4+s11], $0x80, s1, s11, $0xb8;
	[tilespmem:$0x1D800] =	vst v63  }
0x76: {  	s28 =	rddreg [dreg:$0xc]  }
0x77: {  	[tilespmem:s21], [sflag:$0x5] =	stream.indirect.gather [hbm4b:s4+s11], $0x80, s28, s11, $0xb8;
	[tilespmem:$0x1D800] =	vst v63  }
0x78: {  	_ =	swait.ge [sflag:s22], $0x4000  }
0x79: {  	[sflag:s22] =	ssyncset.done $0x0  }
0x7a: {  	s31 =	rddreg [dreg:$0xd];
	[sflag:s22] =	ssyncadd.s32 $0xFFFFC000  }
0x7b: {  	[tilespmem:s13], [sflag:$0x2] =	stream.indirect.gather [hbm4b:s4+s11], $0x80, s31, s11, $0xb8;
	[tilespmem:$0x1D800] =	vst v63  }
0x7c: {  	s28 =	rddreg [dreg:$0xe]  }
0x7d: {  	[tilespmem:s14], [sflag:$0x6] =	stream.indirect.gather [hbm4b:s4+s11], $0x80, s28, s11, $0xb8;
	[tilespmem:$0x1D800] =	vst v63  }
0x7e: {  	_ =	swait.ge [sflag:s15], $0x2000  }
0x7f: {  	[sflag:s15] =	ssyncset.done $0x0  }
0x80: {  	[sflag:s15] =	ssyncadd.s32 $0xFFFFE000  }
0x81: {  	_ =	swait.ge [sflag:s16], $0x2000  }
0x82: {  	[sflag:s16] =	ssyncset.done $0x0  }
0x83: {  	s1 =	rddreg [dreg:$0xf];
	[sflag:s16] =	ssyncadd.s32 $0xFFFFE000  }
0x84: {  	[spmem:s2] =	stream.indirect.scatter.add.f32 [tilespmem:s17], [sflag:$0x3], $0x80, s1, s12, $0xb8;
	[tilespmem:$0x1D800] =	vst v63  }
0x85: {  	_ =	swait.ge [sflag:s18], $0x2000  }
0x86: {  	[sflag:s18] =	ssyncset.done $0x0  }
0x87: {  	[sflag:s18] =	ssyncadd.s32 $0xFFFFE000  }
0x88: {  	_ =	swait.ge [sflag:s19], $0x2000  }
0x89: {  	[sflag:s19] =	ssyncset.done $0x0  }
0x8a: {  	s31 =	rddreg [dreg:$0x10];
	[sflag:s19] =	ssyncadd.s32 $0xFFFFE000  }
0x8b: {  	[spmem:s2] =	stream.indirect.scatter.add.f32 [tilespmem:s13], [sflag:$0x4], $0x80, s31, s12, $0xb8;
	[tilespmem:$0x1D800] =	vst v63  }
0x8c: {  	_ =	swait.ge [sflag:s20], $0x4000  }
0x8d: {  	[sflag:s20] =	ssyncset.done $0x0  }
0x8e: {  	s1 =	rddreg [dreg:$0x11];
	[sflag:s20] =	ssyncadd.s32 $0xFFFFC000  }
0x8f: {  	[tilespmem:s17], [sflag:$0x1] =	stream.indirect.gather [hbm4b:s4+s11], $0x80, s1, s11, $0xb8;
	[tilespmem:$0x1D800] =	vst v63  }
0x90: {  	s28 =	rddreg [dreg:$0x12]  }
0x91: {  	[tilespmem:s21], [sflag:$0x5] =	stream.indirect.gather [hbm4b:s4+s11], $0x80, s28, s11, $0xb8;
	[tilespmem:$0x1D800] =	vst v63  }
0x92: {  	_ =	swait.ge [sflag:s22], $0x4000  }
0x93: {  	[sflag:s22] =	ssyncset.done $0x0  }
0x94: {  	s31 =	rddreg [dreg:$0x13];
	[sflag:s22] =	ssyncadd.s32 $0xFFFFC000  }
0x95: {  	[tilespmem:s13], [sflag:$0x2] =	stream.indirect.gather [hbm4b:s4+s11], $0x80, s31, s11, $0xb8;
	[tilespmem:$0x1D800] =	vst v63  }
0x96: {  	s28 =	rddreg [dreg:$0x14]  }
0x97: {  	[tilespmem:s14], [sflag:$0x6] =	stream.indirect.gather [hbm4b:s4+s11], $0x80, s28, s11, $0xb8;
	[tilespmem:$0x1D800] =	vst v63  }
0x98: {  	_ =	swait.ge [sflag:s15], $0x2000  }
0x99: {  	[sflag:s15] =	ssyncset.done $0x0  }
0x9a: {  	[sflag:s15] =	ssyncadd.s32 $0xFFFFE000  }
0x9b: {  	_ =	swait.ge [sflag:s16], $0x2000  }
0x9c: {  	[sflag:s16] =	ssyncset.done $0x0  }
0x9d: {  	s1 =	rddreg [dreg:$0x15];
	[sflag:s16] =	ssyncadd.s32 $0xFFFFE000  }
0x9e: {  	[spmem:s2] =	stream.indirect.scatter.add.f32 [tilespmem:s17], [sflag:$0x3], $0x80, s1, s12, $0xb8;
	[tilespmem:$0x1D800] =	vst v63  }
0x9f: {  	_ =	swait.ge [sflag:s18], $0x2000  }
0xa0: {  	[sflag:s18] =	ssyncset.done $0x0  }
0xa1: {  	[sflag:s18] =	ssyncadd.s32 $0xFFFFE000  }
0xa2: {  	_ =	swait.ge [sflag:s19], $0x2000  }
0xa3: {  	[sflag:s19] =	ssyncset.done $0x0  }
0xa4: {  	s31 =	rddreg [dreg:$0x16];
	[sflag:s19] =	ssyncadd.s32 $0xFFFFE000  }
0xa5: {  	[spmem:s2] =	stream.indirect.scatter.add.f32 [tilespmem:s13], [sflag:$0x4], $0x80, s31, s12, $0xb8;
	[tilespmem:$0x1D800] =	vst v63  }
0xa6: {  	_ =	swait.ge [sflag:s20], $0x4000  }
0xa7: {  	[sflag:s20] =	ssyncset.done $0x0  }
0xa8: {  	s1 =	rddreg [dreg:$0x17];
	[sflag:s20] =	ssyncadd.s32 $0xFFFFC000  }
0xa9: {  	[tilespmem:s17], [sflag:$0x1] =	stream.indirect.gather [hbm4b:s4+s11], $0x80, s1, s11, $0xb8;
	[tilespmem:$0x1D800] =	vst v63  }
0xaa: {  	s28 =	rddreg [dreg:$0x18]  }
0xab: {  	[tilespmem:s21], [sflag:$0x5] =	stream.indirect.gather [hbm4b:s4+s11], $0x80, s28, s11, $0xb8;
	[tilespmem:$0x1D800] =	vst v63  }
0xac: {  	_ =	swait.ge [sflag:s22], $0x4000  }
0xad: {  	[sflag:s22] =	ssyncset.done $0x0  }
0xae: {  	s31 =	rddreg [dreg:$0x19];
	[sflag:s22] =	ssyncadd.s32 $0xFFFFC000  }
0xaf: {  	[tilespmem:s13], [sflag:$0x2] =	stream.indirect.gather [hbm4b:s4+s11], $0x80, s31, s11, $0xb8;
	[tilespmem:$0x1D800] =	vst v63  }
0xb0: {  	s28 =	rddreg [dreg:$0x1a]  }
0xb1: {  	[tilespmem:s14], [sflag:$0x6] =	stream.indirect.gather [hbm4b:s4+s11], $0x80, s28, s11, $0xb8;
	[tilespmem:$0x1D800] =	vst v63  }
0xb2: {  	_ =	swait.ge [sflag:s15], $0x2000  }
0xb3: {  	[sflag:s15] =	ssyncset.done $0x0  }
0xb4: {  	[sflag:s15] =	ssyncadd.s32 $0xFFFFE000  }
0xb5: {  	_ =	swait.ge [sflag:s16], $0x2000  }
0xb6: {  	[sflag:s16] =	ssyncset.done $0x0  }
0xb7: {  	s1 =	rddreg [dreg:$0x1b];
	[sflag:s16] =	ssyncadd.s32 $0xFFFFE000  }
0xb8: {  	[spmem:s2] =	stream.indirect.scatter.add.f32 [tilespmem:s17], [sflag:$0x3], $0x80, s1, s12, $0xb8;
	[tilespmem:$0x1D800] =	vst v63  }
0xb9: {  	_ =	swait.ge [sflag:s18], $0x2000  }
0xba: {  	[sflag:s18] =	ssyncset.done $0x0  }
0xbb: {  	[sflag:s18] =	ssyncadd.s32 $0xFFFFE000  }
0xbc: {  	_ =	swait.ge [sflag:s19], $0x2000  }
0xbd: {  	s31 =	rddreg [dreg:$0x1c];
	[sflag:s19] =	ssyncset.done $0x0  }
0xbe: {  	s28 =	rddreg [dreg:$0x6];
	[sflag:s19] =	ssyncadd.s32 $0xFFFFE000  }
0xbf: {  	[spmem:s2] =	stream.indirect.scatter.add.f32 [tilespmem:s13], [sflag:$0x4], $0x80, s31, s12, $0xb8;
	[tilespmem:$0x1D800] =	vst v63  }
0xc0: {  	s1 =	sadd.s32 $0x0, s28  }
0xc1: {  	[tilespmem:s23], [sflag:$0x7] =	stream.linear.gather [hbm4b:s1+s3], $0x400, $0x38;
	[tilespmem:$0x1D800] =	vst v63  }
0xc2: {  	_ =	swait.ge [sflag:s9], $0x400  }
0xc3: {  	s31 =	rddreg [dreg:$0x5];
	[sflag:s9] =	ssyncset.done $0x0  }
0xc4: {  	[sflag:s9] =	ssyncadd.s32 $0xFFFFFC00;
	s26 =	sadd.s32 $0x0, s31  }
0xc5: {  	[tilespmem:s24], [sflag:$0x7] =	stream.linear.gather [hbm4b:s26+s3], $0x400, $0x38;
	[tilespmem:$0x1D800] =	vst v63  }
0xc6: {  	_ =	swait.ge [sflag:s9], $0x400  }
0xc7: {  	[sflag:s9] =	ssyncset.done $0x0  }
0xc8: {  	[sflag:s9] =	ssyncadd.s32 $0xFFFFFC00  }
0xc9: {  	_ =	swait.ge [sflag:s20], $0x4000  }
0xca: {  	[sflag:s20] =	ssyncset.done $0x0  }
0xcb: {  	[sflag:s20] =	ssyncadd.s32 $0xFFFFC000  }
0xcc: {  	[tilespmem:s17], [sflag:$0x1] =	stream.indirect.gather [hbm4b:s4+s11], $0x80, s23, s11, $0xb8;
	[tilespmem:$0x1D800] =	vst v63  }
0xcd: {  	s1 =	rddreg [dreg:$0x1d]  }
0xce: {  	[tilespmem:s21], [sflag:$0x5] =	stream.indirect.gather [hbm4b:s4+s11], $0x80, s1, s11, $0xb8;
	[tilespmem:$0x1D800] =	vst v63  }
0xcf: {  	_ =	swait.ge [sflag:s22], $0x4000  }
0xd0: {  	[sflag:s22] =	ssyncset.done $0x0  }
0xd1: {  	s31 =	rddreg [dreg:$0x1e];
	[sflag:s22] =	ssyncadd.s32 $0xFFFFC000  }
0xd2: {  	[tilespmem:s13], [sflag:$0x2] =	stream.indirect.gather [hbm4b:s4+s11], $0x80, s31, s11, $0xb8;
	[tilespmem:$0x1D800] =	vst v63  }
0xd3: {  	s28 =	rddreg [dreg:$0x1f]  }
0xd4: {  	[tilespmem:s14], [sflag:$0x6] =	stream.indirect.gather [hbm4b:s4+s11], $0x80, s28, s11, $0xb8;
	[tilespmem:$0x1D800] =	vst v63  }
0xd5: {  	_ =	swait.ge [sflag:s15], $0x2000  }
0xd6: {  	[sflag:s15] =	ssyncset.done $0x0  }
0xd7: {  	[sflag:s15] =	ssyncadd.s32 $0xFFFFE000  }
0xd8: {  	_ =	swait.ge [sflag:s16], $0x2000  }
0xd9: {  	[sflag:s16] =	ssyncset.done $0x0  }
0xda: {  	[sflag:s16] =	ssyncadd.s32 $0xFFFFE000  }
0xdb: {  	[spmem:s2] =	stream.indirect.scatter.add.f32 [tilespmem:s17], [sflag:$0x3], $0x80, s24, s12, $0xb8;
	[tilespmem:$0x1D800] =	vst v63  }
0xdc: {  	_ =	swait.ge [sflag:s18], $0x2000  }
0xdd: {  	[sflag:s18] =	ssyncset.done $0x0  }
0xde: {  	[sflag:s18] =	ssyncadd.s32 $0xFFFFE000  }
0xdf: {  	_ =	swait.ge [sflag:s19], $0x2000  }
0xe0: {  	s1 =	sld [smem:$0x7EB]  }
0xe1: {  	[sflag:s19] =	ssyncset.done $0x0  }
0xe2: {  	[sflag:s19] =	ssyncadd.s32 $0xFFFFE000  }
0xe3: {  	[spmem:s2] =	stream.indirect.scatter.add.f32 [tilespmem:s13], [sflag:$0x4], $0x80, s1, s12, $0xb8;
	[tilespmem:$0x1D800] =	vst v63  }
0xe4: {  	_ =	swait.ge [sflag:s20], $0x4000  }
0xe5: {  	s31 =	sld [smem:$0x7EC]  }
0xe6: {  	[sflag:s20] =	ssyncset.done $0x0  }
0xe7: {  	s28 =	sld [smem:$0x7ED];
	[sflag:s20] =	ssyncadd.s32 $0xFFFFC000  }
0xe8: {  	[tilespmem:s17], [sflag:$0x1] =	stream.indirect.gather [hbm4b:s4+s11], $0x80, s31, s11, $0xb8;
	[tilespmem:$0x1D800] =	vst v63  }
0xe9: {  	_ = 	snop  }
0xea: {  	[tilespmem:s21], [sflag:$0x5] =	stream.indirect.gather [hbm4b:s4+s11], $0x80, s28, s11, $0xb8;
	[tilespmem:$0x1D800] =	vst v63  }
0xeb: {  	_ =	swait.ge [sflag:s22], $0x4000  }
0xec: {  	s1 =	sld [smem:$0x7EE]  }
0xed: {  	[sflag:s22] =	ssyncset.done $0x0  }
0xee: {  	s28 =	sld [smem:$0x7EF];
	[sflag:s22] =	ssyncadd.s32 $0xFFFFC000  }
0xef: {  	[tilespmem:s13], [sflag:$0x2] =	stream.indirect.gather [hbm4b:s4+s11], $0x80, s1, s11, $0xb8;
	[tilespmem:$0x1D800] =	vst v63  }
0xf0: {  	_ = 	snop  }
0xf1: {  	[tilespmem:s14], [sflag:$0x6] =	stream.indirect.gather [hbm4b:s4+s11], $0x80, s28, s11, $0xb8;
	[tilespmem:$0x1D800] =	vst v63  }
0xf2: {  	_ =	swait.ge [sflag:s15], $0x2000  }
0xf3: {  	[sflag:s15] =	ssyncset.done $0x0  }
0xf4: {  	[sflag:s15] =	ssyncadd.s32 $0xFFFFE000  }
0xf5: {  	_ =	swait.ge [sflag:s16], $0x2000  }
0xf6: {  	s31 =	sld [smem:$0x7F0]  }
0xf7: {  	[sflag:s16] =	ssyncset.done $0x0  }
0xf8: {  	[sflag:s16] =	ssyncadd.s32 $0xFFFFE000  }
0xf9: {  	[spmem:s2] =	stream.indirect.scatter.add.f32 [tilespmem:s17], [sflag:$0x3], $0x80, s31, s12, $0xb8;
	[tilespmem:$0x1D800] =	vst v63  }
0xfa: {  	_ =	swait.ge [sflag:s18], $0x2000  }
0xfb: {  	[sflag:s18] =	ssyncset.done $0x0  }
0xfc: {  	[sflag:s18] =	ssyncadd.s32 $0xFFFFE000  }
0xfd: {  	_ =	swait.ge [sflag:s19], $0x2000  }
0xfe: {  	s1 =	sld [smem:$0x7F1]  }
0xff: {  	[sflag:s19] =	ssyncset.done $0x0  }
0x100: {  	[sflag:s19] =	ssyncadd.s32 $0xFFFFE000  }
0x101: {  	[spmem:s2] =	stream.indirect.scatter.add.f32 [tilespmem:s13], [sflag:$0x4], $0x80, s1, s12, $0xb8;
	[tilespmem:$0x1D800] =	vst v63  }
0x102: {  	_ =	swait.ge [sflag:s20], $0x4000  }
0x103: {  	s31 =	sld [smem:$0x7F2]  }
0x104: {  	[sflag:s20] =	ssyncset.done $0x0  }
0x105: {  	s28 =	sld [smem:$0x7F3];
	[sflag:s20] =	ssyncadd.s32 $0xFFFFC000  }
0x106: {  	[tilespmem:s17], [sflag:$0x1] =	stream.indirect.gather [hbm4b:s4+s11], $0x80, s31, s11, $0xb8;
	[tilespmem:$0x1D800] =	vst v63  }
0x107: {  	_ = 	snop  }
0x108: {  	[tilespmem:s21], [sflag:$0x5] =	stream.indirect.gather [hbm4b:s4+s11], $0x80, s28, s11, $0xb8;
	[tilespmem:$0x1D800] =	vst v63  }
0x109: {  	_ =	swait.ge [sflag:s22], $0x4000  }
0x10a: {  	s1 =	sld [smem:$0x7F4]  }
0x10b: {  	[sflag:s22] =	ssyncset.done $0x0  }
0x10c: {  	s28 =	sld [smem:$0x7F5];
	[sflag:s22] =	ssyncadd.s32 $0xFFFFC000  }
0x10d: {  	[tilespmem:s13], [sflag:$0x2] =	stream.indirect.gather [hbm4b:s4+s11], $0x80, s1, s11, $0xb8;
	[tilespmem:$0x1D800] =	vst v63  }
0x10e: {  	_ = 	snop  }
0x10f: {  	[tilespmem:s14], [sflag:$0x6] =	stream.indirect.gather [hbm4b:s4+s11], $0x80, s28, s11, $0xb8;
	[tilespmem:$0x1D800] =	vst v63  }
0x110: {  	_ =	swait.ge [sflag:s15], $0x2000  }
0x111: {  	[sflag:s15] =	ssyncset.done $0x0  }
0x112: {  	[sflag:s15] =	ssyncadd.s32 $0xFFFFE000  }
0x113: {  	_ =	swait.ge [sflag:s16], $0x2000  }
0x114: {  	s31 =	sld [smem:$0x7F6]  }
0x115: {  	[sflag:s16] =	ssyncset.done $0x0  }
0x116: {  	[sflag:s16] =	ssyncadd.s32 $0xFFFFE000  }
0x117: {  	[spmem:s2] =	stream.indirect.scatter.add.f32 [tilespmem:s17], [sflag:$0x3], $0x80, s31, s12, $0xb8;
	[tilespmem:$0x1D800] =	vst v63  }
0x118: {  	_ =	swait.ge [sflag:s18], $0x2000  }
0x119: {  	[sflag:s18] =	ssyncset.done $0x0  }
0x11a: {  	[sflag:s18] =	ssyncadd.s32 $0xFFFFE000  }
0x11b: {  	_ =	swait.ge [sflag:s19], $0x2000  }
0x11c: {  	s1 =	sld [smem:$0x7F7]  }
0x11d: {  	[sflag:s19] =	ssyncset.done $0x0  }
0x11e: {  	[sflag:s19] =	ssyncadd.s32 $0xFFFFE000  }
0x11f: {  	[spmem:s2] =	stream.indirect.scatter.add.f32 [tilespmem:s13], [sflag:$0x4], $0x80, s1, s12, $0xb8;
	[tilespmem:$0x1D800] =	vst v63  }
0x120: {  	_ =	swait.ge [sflag:s20], $0x4000  }
0x121: {  	s31 =	sld [smem:$0x7F8]  }
0x122: {  	[sflag:s20] =	ssyncset.done $0x0  }
0x123: {  	s28 =	sld [smem:$0x7F9];
	[sflag:s20] =	ssyncadd.s32 $0xFFFFC000  }
0x124: {  	[tilespmem:s17], [sflag:$0x1] =	stream.indirect.gather [hbm4b:s4+s11], $0x80, s31, s11, $0xb8;
	[tilespmem:$0x1D800] =	vst v63  }
0x125: {  	_ = 	snop  }
0x126: {  	[tilespmem:s21], [sflag:$0x5] =	stream.indirect.gather [hbm4b:s4+s11], $0x80, s28, s11, $0xb8;
	[tilespmem:$0x1D800] =	vst v63  }
0x127: {  	_ =	swait.ge [sflag:s22], $0x4000  }
0x128: {  	s1 =	sld [smem:$0x7FA]  }
0x129: {  	[sflag:s22] =	ssyncset.done $0x0  }
0x12a: {  	s28 =	sld [smem:$0x7FB];
	[sflag:s22] =	ssyncadd.s32 $0xFFFFC000  }
0x12b: {  	[tilespmem:s13], [sflag:$0x2] =	stream.indirect.gather [hbm4b:s4+s11], $0x80, s1, s11, $0xb8;
	[tilespmem:$0x1D800] =	vst v63  }
0x12c: {  	_ = 	snop  }
0x12d: {  	[tilespmem:s14], [sflag:$0x6] =	stream.indirect.gather [hbm4b:s4+s11], $0x80, s28, s11, $0xb8;
	[tilespmem:$0x1D800] =	vst v63  }
0x12e: {  	_ =	swait.ge [sflag:s15], $0x2000  }
0x12f: {  	[sflag:s15] =	ssyncset.done $0x0  }
0x130: {  	[sflag:s15] =	ssyncadd.s32 $0xFFFFE000  }
0x131: {  	_ =	swait.ge [sflag:s16], $0x2000  }
0x132: {  	s31 =	sld [smem:$0x7FC]  }
0x133: {  	[sflag:s16] =	ssyncset.done $0x0  }
0x134: {  	[sflag:s16] =	ssyncadd.s32 $0xFFFFE000  }
0x135: {  	[spmem:s2] =	stream.indirect.scatter.add.f32 [tilespmem:s17], [sflag:$0x3], $0x80, s31, s12, $0xb8;
	[tilespmem:$0x1D800] =	vst v63  }
0x136: {  	_ =	swait.ge [sflag:s18], $0x2000  }
0x137: {  	[sflag:s18] =	ssyncset.done $0x0  }
0x138: {  	[sflag:s18] =	ssyncadd.s32 $0xFFFFE000  }
0x139: {  	_ =	swait.ge [sflag:s19], $0x2000  }
0x13a: {  	s26 =	simm.s32 $0x100;
	[sflag:s19] =	ssyncset.done $0x0;
	s29 =	sld [smem:$0x7FD]  }
0x13b: {  	s28 =	simm.s32 $0x200;
	s30 =	rddreg [dreg:$0x8];
	[sflag:s19] =	ssyncadd.s32 $0xFFFFE000  }
.LBB2_6:
0x13c: {  	_ = 	snop  }
0x13d: {  	[spmem:s2] =	stream.indirect.scatter.add.f32 [tilespmem:s13], [sflag:$0x4], $0x80, s29, s12, $0xb8;
	[tilespmem:$0x1D800] =	vst v63  }
0x13e: {  	s30 =	sadd.s32 s26, s30  }
0x13f: {  	[tilespmem:s3], [sflag:$0x7] =	stream.linear.gather [hbm4b:s30+s3], $0x400, $0x38;
	[tilespmem:$0x1D800] =	vst v63  }
0x140: {  	_ =	swait.ge [sflag:s9], $0x400  }
0x141: {  	s30 =	rddreg [dreg:$0x7];
	[sflag:s9] =	ssyncset.done $0x0  }
0x142: {  	[sflag:s9] =	ssyncadd.s32 $0xFFFFFC00;
	s30 =	sadd.s32 s26, s30  }
0x143: {  	[tilespmem:s10], [sflag:$0x7] =	stream.linear.gather [hbm4b:s30+s3], $0x400, $0x38;
	[tilespmem:$0x1D800] =	vst v63  }
0x144: {  	_ =	swait.ge [sflag:s9], $0x400  }
0x145: {  	p1 =	sne.s32 s26, $0x0;
	[sflag:s9] =	ssyncset.done $0x0  }
0x146: {  	s30 =	simm.s32 @p1 $0x3;
	[sflag:s9] =	ssyncadd.s32 $0xFFFFFC00  }
0x147: {  	_ =	swait.ge @p1 [sflag:s30], $0x4000  }
0x148: {  	s31 =	simm.s32 @p1 $0x1000;
	[sflag:s30] =	ssyncset.done @p1 $0x0  }
0x149: {  	s1 =	simm.s32 @p1 $0x0;
	[sflag:s30] =	ssyncadd.s32 @p1 $0xFFFFC000;
	s30 =	simm.s32 @p1 $0x40  }
0x14a: {  	[tilespmem:s31], [sflag:$0x1] =	stream.indirect.gather @p1 [hbm4b:s4+s30], $0x80, s1, s30, $0xb8;
	[tilespmem:$0x1D800] =	vst v63  }
0x14b: {  	s1 =	simm.s32 @p1 $0x3000;
	s31 =	simm.s32 @p1 $0x4  }
0x14c: {  	[tilespmem:s1], [sflag:$0x5] =	stream.indirect.gather @p1 [hbm4b:s4+s30], $0x80, s30, s30, $0xb8;
	[tilespmem:$0x1D800] =	vst v63  }
0x14d: {  	_ =	swait.ge @p1 [sflag:s31], $0x4000  }
0x14e: {  	s1 =	simm.s32 @!p1 $0x1000;
	[sflag:s31] =	ssyncset.done @p1 $0x0  }
0x14f: {  	s30 =	simm.s32 @!p1 $0x40;
	[sflag:s31] =	ssyncadd.s32 @p1 $0xFFFFC000;
	s31 =	simm.s32 @!p1 $0x0  }
0x150: {  	[tilespmem:s1], [sflag:$0x1] =	stream.indirect.gather @!p1 [hbm4b:s4+s30], $0x80, s31, s30, $0xb8;
	[tilespmem:$0x1D800] =	vst v63  }
0x151: {  	s1 =	simm.s32 @!p1 $0x3000  }
0x152: {  	[tilespmem:s1], [sflag:$0x5] =	stream.indirect.gather @!p1 [hbm4b:s4+s30], $0x80, s30, s30, $0xb8;
	[tilespmem:$0x1D800] =	vst v63  }
0x153: {  	_ = 	snop  }
0x154: {  	[tilespmem:s13], [sflag:$0x2] =	stream.indirect.gather [hbm4b:s4+s11], $0x80, s12, s11, $0xb8;
	[tilespmem:$0x1D800] =	vst v63  }
0x155: {  	s31 =	rddreg [dreg:$0x9]  }
0x156: {  	[tilespmem:s14], [sflag:$0x6] =	stream.indirect.gather [hbm4b:s4+s11], $0x80, s31, s11, $0xb8;
	[tilespmem:$0x1D800] =	vst v63  }
0x157: {  	_ =	swait.ge [sflag:s15], $0x2000  }
0x158: {  	[sflag:s15] =	ssyncset.done $0x0  }
0x159: {  	[sflag:s15] =	ssyncadd.s32 $0xFFFFE000  }
0x15a: {  	_ =	swait.ge [sflag:s16], $0x2000  }
0x15b: {  	[sflag:s16] =	ssyncset.done $0x0  }
0x15c: {  	[sflag:s16] =	ssyncadd.s32 $0xFFFFE000  }
0x15d: {  	[spmem:s2] =	stream.indirect.scatter.add.f32 [tilespmem:s17], [sflag:$0x3], $0x80, s10, s12, $0xb8;
	[tilespmem:$0x1D800] =	vst v63  }
0x15e: {  	_ =	swait.ge [sflag:s18], $0x2000  }
0x15f: {  	[sflag:s18] =	ssyncset.done $0x0  }
0x160: {  	[sflag:s18] =	ssyncadd.s32 $0xFFFFE000  }
0x161: {  	_ =	swait.ge [sflag:s19], $0x2000  }
0x162: {  	[sflag:s19] =	ssyncset.done $0x0  }
0x163: {  	s31 =	rddreg [dreg:$0xa];
	[sflag:s19] =	ssyncadd.s32 $0xFFFFE000  }
0x164: {  	[spmem:s2] =	stream.indirect.scatter.add.f32 [tilespmem:s13], [sflag:$0x4], $0x80, s31, s12, $0xb8;
	[tilespmem:$0x1D800] =	vst v63  }
0x165: {  	_ =	swait.ge [sflag:s20], $0x4000  }
0x166: {  	[sflag:s20] =	ssyncset.done $0x0  }
0x167: {  	s31 =	rddreg [dreg:$0xb];
	[sflag:s20] =	ssyncadd.s32 $0xFFFFC000  }
0x168: {  	[tilespmem:s17], [sflag:$0x1] =	stream.indirect.gather [hbm4b:s4+s11], $0x80, s31, s11, $0xb8;
	[tilespmem:$0x1D800] =	vst v63  }
0x169: {  	s30 =	rddreg [dreg:$0xc]  }
0x16a: {  	[tilespmem:s21], [sflag:$0x5] =	stream.indirect.gather [hbm4b:s4+s11], $0x80, s30, s11, $0xb8;
	[tilespmem:$0x1D800] =	vst v63  }
0x16b: {  	_ =	swait.ge [sflag:s22], $0x4000  }
0x16c: {  	[sflag:s22] =	ssyncset.done $0x0  }
0x16d: {  	s31 =	rddreg [dreg:$0xd];
	[sflag:s22] =	ssyncadd.s32 $0xFFFFC000  }
0x16e: {  	[tilespmem:s13], [sflag:$0x2] =	stream.indirect.gather [hbm4b:s4+s11], $0x80, s31, s11, $0xb8;
	[tilespmem:$0x1D800] =	vst v63  }
0x16f: {  	s30 =	rddreg [dreg:$0xe]  }
0x170: {  	[tilespmem:s14], [sflag:$0x6] =	stream.indirect.gather [hbm4b:s4+s11], $0x80, s30, s11, $0xb8;
	[tilespmem:$0x1D800] =	vst v63  }
0x171: {  	_ =	swait.ge [sflag:s15], $0x2000  }
0x172: {  	[sflag:s15] =	ssyncset.done $0x0  }
0x173: {  	[sflag:s15] =	ssyncadd.s32 $0xFFFFE000  }
0x174: {  	_ =	swait.ge [sflag:s16], $0x2000  }
0x175: {  	[sflag:s16] =	ssyncset.done $0x0  }
0x176: {  	s31 =	rddreg [dreg:$0xf];
	[sflag:s16] =	ssyncadd.s32 $0xFFFFE000  }
0x177: {  	[spmem:s2] =	stream.indirect.scatter.add.f32 [tilespmem:s17], [sflag:$0x3], $0x80, s31, s12, $0xb8;
	[tilespmem:$0x1D800] =	vst v63  }
0x178: {  	_ =	swait.ge [sflag:s18], $0x2000  }
0x179: {  	[sflag:s18] =	ssyncset.done $0x0  }
0x17a: {  	[sflag:s18] =	ssyncadd.s32 $0xFFFFE000  }
0x17b: {  	_ =	swait.ge [sflag:s19], $0x2000  }
0x17c: {  	[sflag:s19] =	ssyncset.done $0x0  }
0x17d: {  	s31 =	rddreg [dreg:$0x10];
	[sflag:s19] =	ssyncadd.s32 $0xFFFFE000  }
0x17e: {  	[spmem:s2] =	stream.indirect.scatter.add.f32 [tilespmem:s13], [sflag:$0x4], $0x80, s31, s12, $0xb8;
	[tilespmem:$0x1D800] =	vst v63  }
0x17f: {  	_ =	swait.ge [sflag:s20], $0x4000  }
0x180: {  	[sflag:s20] =	ssyncset.done $0x0  }
0x181: {  	s31 =	rddreg [dreg:$0x11];
	[sflag:s20] =	ssyncadd.s32 $0xFFFFC000  }
0x182: {  	[tilespmem:s17], [sflag:$0x1] =	stream.indirect.gather [hbm4b:s4+s11], $0x80, s31, s11, $0xb8;
	[tilespmem:$0x1D800] =	vst v63  }
0x183: {  	s30 =	rddreg [dreg:$0x12]  }
0x184: {  	[tilespmem:s21], [sflag:$0x5] =	stream.indirect.gather [hbm4b:s4+s11], $0x80, s30, s11, $0xb8;
	[tilespmem:$0x1D800] =	vst v63  }
0x185: {  	_ =	swait.ge [sflag:s22], $0x4000  }
0x186: {  	[sflag:s22] =	ssyncset.done $0x0  }
0x187: {  	s31 =	rddreg [dreg:$0x13];
	[sflag:s22] =	ssyncadd.s32 $0xFFFFC000  }
0x188: {  	[tilespmem:s13], [sflag:$0x2] =	stream.indirect.gather [hbm4b:s4+s11], $0x80, s31, s11, $0xb8;
	[tilespmem:$0x1D800] =	vst v63  }
0x189: {  	s30 =	rddreg [dreg:$0x14]  }
0x18a: {  	[tilespmem:s14], [sflag:$0x6] =	stream.indirect.gather [hbm4b:s4+s11], $0x80, s30, s11, $0xb8;
	[tilespmem:$0x1D800] =	vst v63  }
0x18b: {  	_ =	swait.ge [sflag:s15], $0x2000  }
0x18c: {  	[sflag:s15] =	ssyncset.done $0x0  }
0x18d: {  	[sflag:s15] =	ssyncadd.s32 $0xFFFFE000  }
0x18e: {  	_ =	swait.ge [sflag:s16], $0x2000  }
0x18f: {  	[sflag:s16] =	ssyncset.done $0x0  }
0x190: {  	s31 =	rddreg [dreg:$0x15];
	[sflag:s16] =	ssyncadd.s32 $0xFFFFE000  }
0x191: {  	[spmem:s2] =	stream.indirect.scatter.add.f32 [tilespmem:s17], [sflag:$0x3], $0x80, s31, s12, $0xb8;
	[tilespmem:$0x1D800] =	vst v63  }
0x192: {  	_ =	swait.ge [sflag:s18], $0x2000  }
0x193: {  	[sflag:s18] =	ssyncset.done $0x0  }
0x194: {  	[sflag:s18] =	ssyncadd.s32 $0xFFFFE000  }
0x195: {  	_ =	swait.ge [sflag:s19], $0x2000  }
0x196: {  	[sflag:s19] =	ssyncset.done $0x0  }
0x197: {  	s31 =	rddreg [dreg:$0x16];
	[sflag:s19] =	ssyncadd.s32 $0xFFFFE000  }
0x198: {  	[spmem:s2] =	stream.indirect.scatter.add.f32 [tilespmem:s13], [sflag:$0x4], $0x80, s31, s12, $0xb8;
	[tilespmem:$0x1D800] =	vst v63  }
0x199: {  	_ =	swait.ge [sflag:s20], $0x4000  }
0x19a: {  	[sflag:s20] =	ssyncset.done $0x0  }
0x19b: {  	s31 =	rddreg [dreg:$0x17];
	[sflag:s20] =	ssyncadd.s32 $0xFFFFC000  }
0x19c: {  	[tilespmem:s17], [sflag:$0x1] =	stream.indirect.gather [hbm4b:s4+s11], $0x80, s31, s11, $0xb8;
	[tilespmem:$0x1D800] =	vst v63  }
0x19d: {  	s30 =	rddreg [dreg:$0x18]  }
0x19e: {  	[tilespmem:s21], [sflag:$0x5] =	stream.indirect.gather [hbm4b:s4+s11], $0x80, s30, s11, $0xb8;
	[tilespmem:$0x1D800] =	vst v63  }
0x19f: {  	_ =	swait.ge [sflag:s22], $0x4000  }
0x1a0: {  	[sflag:s22] =	ssyncset.done $0x0  }
0x1a1: {  	s31 =	rddreg [dreg:$0x19];
	[sflag:s22] =	ssyncadd.s32 $0xFFFFC000  }
0x1a2: {  	[tilespmem:s13], [sflag:$0x2] =	stream.indirect.gather [hbm4b:s4+s11], $0x80, s31, s11, $0xb8;
	[tilespmem:$0x1D800] =	vst v63  }
0x1a3: {  	s30 =	rddreg [dreg:$0x1a]  }
0x1a4: {  	[tilespmem:s14], [sflag:$0x6] =	stream.indirect.gather [hbm4b:s4+s11], $0x80, s30, s11, $0xb8;
	[tilespmem:$0x1D800] =	vst v63  }
0x1a5: {  	_ =	swait.ge [sflag:s15], $0x2000  }
0x1a6: {  	[sflag:s15] =	ssyncset.done $0x0  }
0x1a7: {  	[sflag:s15] =	ssyncadd.s32 $0xFFFFE000  }
0x1a8: {  	_ =	swait.ge [sflag:s16], $0x2000  }
0x1a9: {  	[sflag:s16] =	ssyncset.done $0x0  }
0x1aa: {  	s31 =	rddreg [dreg:$0x1b];
	[sflag:s16] =	ssyncadd.s32 $0xFFFFE000  }
0x1ab: {  	[spmem:s2] =	stream.indirect.scatter.add.f32 [tilespmem:s17], [sflag:$0x3], $0x80, s31, s12, $0xb8;
	[tilespmem:$0x1D800] =	vst v63  }
0x1ac: {  	_ =	swait.ge [sflag:s18], $0x2000  }
0x1ad: {  	[sflag:s18] =	ssyncset.done $0x0  }
0x1ae: {  	[sflag:s18] =	ssyncadd.s32 $0xFFFFE000  }
0x1af: {  	_ =	swait.ge [sflag:s19], $0x2000  }
0x1b0: {  	s31 =	rddreg [dreg:$0x1c];
	[sflag:s19] =	ssyncset.done $0x0  }
0x1b1: {  	s30 =	rddreg [dreg:$0x6];
	[sflag:s19] =	ssyncadd.s32 $0xFFFFE000  }
0x1b2: {  	[spmem:s2] =	stream.indirect.scatter.add.f32 [tilespmem:s13], [sflag:$0x4], $0x80, s31, s12, $0xb8;
	[tilespmem:$0x1D800] =	vst v63  }
0x1b3: {  	s31 =	sadd.s32 s26, s30  }
0x1b4: {  	[tilespmem:s23], [sflag:$0x7] =	stream.linear.gather [hbm4b:s31+s3], $0x400, $0x38;
	[tilespmem:$0x1D800] =	vst v63  }
0x1b5: {  	_ =	swait.ge [sflag:s9], $0x400  }
0x1b6: {  	s31 =	rddreg [dreg:$0x5];
	[sflag:s9] =	ssyncset.done $0x0  }
0x1b7: {  	[sflag:s9] =	ssyncadd.s32 $0xFFFFFC00;
	s1 =	sadd.s32 s26, s31  }
0x1b8: {  	[tilespmem:s24], [sflag:$0x7] =	stream.linear.gather [hbm4b:s1+s3], $0x400, $0x38;
	[tilespmem:$0x1D800] =	vst v63  }
0x1b9: {  	_ =	swait.ge [sflag:s9], $0x400  }
0x1ba: {  	[sflag:s9] =	ssyncset.done $0x0  }
0x1bb: {  	[sflag:s9] =	ssyncadd.s32 $0xFFFFFC00  }
0x1bc: {  	_ =	swait.ge [sflag:s20], $0x4000  }
0x1bd: {  	[sflag:s20] =	ssyncset.done $0x0  }
0x1be: {  	[sflag:s20] =	ssyncadd.s32 $0xFFFFC000  }
0x1bf: {  	[tilespmem:s17], [sflag:$0x1] =	stream.indirect.gather [hbm4b:s4+s11], $0x80, s23, s11, $0xb8;
	[tilespmem:$0x1D800] =	vst v63  }
0x1c0: {  	s31 =	rddreg [dreg:$0x1d]  }
0x1c1: {  	[tilespmem:s21], [sflag:$0x5] =	stream.indirect.gather [hbm4b:s4+s11], $0x80, s31, s11, $0xb8;
	[tilespmem:$0x1D800] =	vst v63  }
0x1c2: {  	_ =	swait.ge [sflag:s22], $0x4000  }
0x1c3: {  	[sflag:s22] =	ssyncset.done $0x0  }
0x1c4: {  	s29 =	smov.u32 s28;
	s31 =	rddreg [dreg:$0x1e];
	[sflag:s22] =	ssyncadd.s32 $0xFFFFC000  }
0x1c5: {  	[tilespmem:s13], [sflag:$0x2] =	stream.indirect.gather [hbm4b:s4+s11], $0x80, s31, s11, $0xb8;
	[tilespmem:$0x1D800] =	vst v63  }
0x1c6: {  	s26 =	smov.u32 s29;
	s29 =	rddreg [dreg:$0x1f]  }
0x1c7: {  	[tilespmem:s14], [sflag:$0x6] =	stream.indirect.gather [hbm4b:s4+s11], $0x80, s29, s11, $0xb8;
	[tilespmem:$0x1D800] =	vst v63  }
0x1c8: {  	_ =	swait.ge [sflag:s15], $0x2000  }
0x1c9: {  	[sflag:s15] =	ssyncset.done $0x0  }
0x1ca: {  	[sflag:s15] =	ssyncadd.s32 $0xFFFFE000  }
0x1cb: {  	_ =	swait.ge [sflag:s16], $0x2000  }
0x1cc: {  	[sflag:s16] =	ssyncset.done $0x0  }
0x1cd: {  	[sflag:s16] =	ssyncadd.s32 $0xFFFFE000  }
0x1ce: {  	[spmem:s2] =	stream.indirect.scatter.add.f32 [tilespmem:s17], [sflag:$0x3], $0x80, s24, s12, $0xb8;
	[tilespmem:$0x1D800] =	vst v63  }
0x1cf: {  	_ =	swait.ge [sflag:s18], $0x2000  }
0x1d0: {  	[sflag:s18] =	ssyncset.done $0x0  }
0x1d1: {  	[sflag:s18] =	ssyncadd.s32 $0xFFFFE000  }
0x1d2: {  	_ =	swait.ge [sflag:s19], $0x2000  }
0x1d3: {  	s31 =	sld [smem:$0x7EB]  }
0x1d4: {  	[sflag:s19] =	ssyncset.done $0x0  }
0x1d5: {  	[sflag:s19] =	ssyncadd.s32 $0xFFFFE000  }
0x1d6: {  	[spmem:s2] =	stream.indirect.scatter.add.f32 [tilespmem:s13], [sflag:$0x4], $0x80, s31, s12, $0xb8;
	[tilespmem:$0x1D800] =	vst v63  }
0x1d7: {  	_ =	swait.ge [sflag:s20], $0x4000  }
0x1d8: {  	s31 =	sld [smem:$0x7EC]  }
0x1d9: {  	[sflag:s20] =	ssyncset.done $0x0  }
0x1da: {  	s29 =	sld [smem:$0x7ED];
	[sflag:s20] =	ssyncadd.s32 $0xFFFFC000  }
0x1db: {  	[tilespmem:s17], [sflag:$0x1] =	stream.indirect.gather [hbm4b:s4+s11], $0x80, s31, s11, $0xb8;
	[tilespmem:$0x1D800] =	vst v63  }
0x1dc: {  	_ = 	snop  }
0x1dd: {  	[tilespmem:s21], [sflag:$0x5] =	stream.indirect.gather [hbm4b:s4+s11], $0x80, s29, s11, $0xb8;
	[tilespmem:$0x1D800] =	vst v63  }
0x1de: {  	_ =	swait.ge [sflag:s22], $0x4000  }
0x1df: {  	s31 =	sld [smem:$0x7EE]  }
0x1e0: {  	[sflag:s22] =	ssyncset.done $0x0  }
0x1e1: {  	s29 =	sld [smem:$0x7EF];
	[sflag:s22] =	ssyncadd.s32 $0xFFFFC000  }
0x1e2: {  	[tilespmem:s13], [sflag:$0x2] =	stream.indirect.gather [hbm4b:s4+s11], $0x80, s31, s11, $0xb8;
	[tilespmem:$0x1D800] =	vst v63  }
0x1e3: {  	_ = 	snop  }
0x1e4: {  	[tilespmem:s14], [sflag:$0x6] =	stream.indirect.gather [hbm4b:s4+s11], $0x80, s29, s11, $0xb8;
	[tilespmem:$0x1D800] =	vst v63  }
0x1e5: {  	_ =	swait.ge [sflag:s15], $0x2000  }
0x1e6: {  	[sflag:s15] =	ssyncset.done $0x0  }
0x1e7: {  	[sflag:s15] =	ssyncadd.s32 $0xFFFFE000  }
0x1e8: {  	_ =	swait.ge [sflag:s16], $0x2000  }
0x1e9: {  	s31 =	sld [smem:$0x7F0]  }
0x1ea: {  	[sflag:s16] =	ssyncset.done $0x0  }
0x1eb: {  	[sflag:s16] =	ssyncadd.s32 $0xFFFFE000  }
0x1ec: {  	[spmem:s2] =	stream.indirect.scatter.add.f32 [tilespmem:s17], [sflag:$0x3], $0x80, s31, s12, $0xb8;
	[tilespmem:$0x1D800] =	vst v63  }
0x1ed: {  	_ =	swait.ge [sflag:s18], $0x2000  }
0x1ee: {  	[sflag:s18] =	ssyncset.done $0x0  }
0x1ef: {  	[sflag:s18] =	ssyncadd.s32 $0xFFFFE000  }
0x1f0: {  	_ =	swait.ge [sflag:s19], $0x2000  }
0x1f1: {  	s31 =	sld [smem:$0x7F1]  }
0x1f2: {  	[sflag:s19] =	ssyncset.done $0x0  }
0x1f3: {  	[sflag:s19] =	ssyncadd.s32 $0xFFFFE000  }
0x1f4: {  	[spmem:s2] =	stream.indirect.scatter.add.f32 [tilespmem:s13], [sflag:$0x4], $0x80, s31, s12, $0xb8;
	[tilespmem:$0x1D800] =	vst v63  }
0x1f5: {  	_ =	swait.ge [sflag:s20], $0x4000  }
0x1f6: {  	s31 =	sld [smem:$0x7F2]  }
0x1f7: {  	[sflag:s20] =	ssyncset.done $0x0  }
0x1f8: {  	s29 =	sld [smem:$0x7F3];
	[sflag:s20] =	ssyncadd.s32 $0xFFFFC000  }
0x1f9: {  	[tilespmem:s17], [sflag:$0x1] =	stream.indirect.gather [hbm4b:s4+s11], $0x80, s31, s11, $0xb8;
	[tilespmem:$0x1D800] =	vst v63  }
0x1fa: {  	_ = 	snop  }
0x1fb: {  	[tilespmem:s21], [sflag:$0x5] =	stream.indirect.gather [hbm4b:s4+s11], $0x80, s29, s11, $0xb8;
	[tilespmem:$0x1D800] =	vst v63  }
0x1fc: {  	_ =	swait.ge [sflag:s22], $0x4000  }
0x1fd: {  	s31 =	sld [smem:$0x7F4]  }
0x1fe: {  	[sflag:s22] =	ssyncset.done $0x0  }
0x1ff: {  	s29 =	sld [smem:$0x7F5];
	[sflag:s22] =	ssyncadd.s32 $0xFFFFC000  }
0x200: {  	[tilespmem:s13], [sflag:$0x2] =	stream.indirect.gather [hbm4b:s4+s11], $0x80, s31, s11, $0xb8;
	[tilespmem:$0x1D800] =	vst v63  }
0x201: {  	_ = 	snop  }
0x202: {  	[tilespmem:s14], [sflag:$0x6] =	stream.indirect.gather [hbm4b:s4+s11], $0x80, s29, s11, $0xb8;
	[tilespmem:$0x1D800] =	vst v63  }
0x203: {  	_ =	swait.ge [sflag:s15], $0x2000  }
0x204: {  	[sflag:s15] =	ssyncset.done $0x0  }
0x205: {  	[sflag:s15] =	ssyncadd.s32 $0xFFFFE000  }
0x206: {  	_ =	swait.ge [sflag:s16], $0x2000  }
0x207: {  	s31 =	sld [smem:$0x7F6]  }
0x208: {  	[sflag:s16] =	ssyncset.done $0x0  }
0x209: {  	[sflag:s16] =	ssyncadd.s32 $0xFFFFE000  }
0x20a: {  	[spmem:s2] =	stream.indirect.scatter.add.f32 [tilespmem:s17], [sflag:$0x3], $0x80, s31, s12, $0xb8;
	[tilespmem:$0x1D800] =	vst v63  }
0x20b: {  	_ =	swait.ge [sflag:s18], $0x2000  }
0x20c: {  	[sflag:s18] =	ssyncset.done $0x0  }
0x20d: {  	[sflag:s18] =	ssyncadd.s32 $0xFFFFE000  }
0x20e: {  	_ =	swait.ge [sflag:s19], $0x2000  }
0x20f: {  	s31 =	sld [smem:$0x7F7]  }
0x210: {  	[sflag:s19] =	ssyncset.done $0x0  }
0x211: {  	[sflag:s19] =	ssyncadd.s32 $0xFFFFE000  }
0x212: {  	[spmem:s2] =	stream.indirect.scatter.add.f32 [tilespmem:s13], [sflag:$0x4], $0x80, s31, s12, $0xb8;
	[tilespmem:$0x1D800] =	vst v63  }
0x213: {  	_ =	swait.ge [sflag:s20], $0x4000  }
0x214: {  	s31 =	sld [smem:$0x7F8]  }
0x215: {  	[sflag:s20] =	ssyncset.done $0x0  }
0x216: {  	s29 =	sld [smem:$0x7F9];
	[sflag:s20] =	ssyncadd.s32 $0xFFFFC000  }
0x217: {  	[tilespmem:s17], [sflag:$0x1] =	stream.indirect.gather [hbm4b:s4+s11], $0x80, s31, s11, $0xb8;
	[tilespmem:$0x1D800] =	vst v63  }
0x218: {  	_ = 	snop  }
0x219: {  	[tilespmem:s21], [sflag:$0x5] =	stream.indirect.gather [hbm4b:s4+s11], $0x80, s29, s11, $0xb8;
	[tilespmem:$0x1D800] =	vst v63  }
0x21a: {  	_ =	swait.ge [sflag:s22], $0x4000  }
0x21b: {  	s31 =	sld [smem:$0x7FA]  }
0x21c: {  	[sflag:s22] =	ssyncset.done $0x0  }
0x21d: {  	s29 =	sld [smem:$0x7FB];
	[sflag:s22] =	ssyncadd.s32 $0xFFFFC000  }
0x21e: {  	[tilespmem:s13], [sflag:$0x2] =	stream.indirect.gather [hbm4b:s4+s11], $0x80, s31, s11, $0xb8;
	[tilespmem:$0x1D800] =	vst v63  }
0x21f: {  	_ = 	snop  }
0x220: {  	[tilespmem:s14], [sflag:$0x6] =	stream.indirect.gather [hbm4b:s4+s11], $0x80, s29, s11, $0xb8;
	[tilespmem:$0x1D800] =	vst v63  }
0x221: {  	_ =	swait.ge [sflag:s15], $0x2000  }
0x222: {  	[sflag:s15] =	ssyncset.done $0x0  }
0x223: {  	[sflag:s15] =	ssyncadd.s32 $0xFFFFE000  }
0x224: {  	_ =	swait.ge [sflag:s16], $0x2000  }
0x225: {  	s31 =	sld [smem:$0x7FC]  }
0x226: {  	[sflag:s16] =	ssyncset.done $0x0  }
0x227: {  	s28 =	sadd.s32 $0x100, s28;
	[sflag:s16] =	ssyncadd.s32 $0xFFFFE000  }
0x228: {  	[spmem:s2] =	stream.indirect.scatter.add.f32 [tilespmem:s17], [sflag:$0x3], $0x80, s31, s12, $0xb8;
	[tilespmem:$0x1D800] =	vst v63  }
0x229: {  	p0 =	sne.s32 s28, $0x500;
	_ =	swait.ge [sflag:s18], $0x2000  }
.Ltmp2:
0x22a: {  	[sflag:s18] =	ssyncset.done $0x0;
	(pc) =	sbr.rel @p0 .LBB2_6-.Ltmp2, $4  }
0x22b: {  	[sflag:s18] =	ssyncadd.s32 $0xFFFFE000  }
0x22c: {  	_ =	swait.ge [sflag:s19], $0x2000  }
0x22d: {  	[sflag:s19] =	ssyncset.done $0x0;
	s29 =	sld [smem:$0x7FD]  }
0x22e: {  	s30 =	rddreg [dreg:$0x8];
	[sflag:s19] =	ssyncadd.s32 $0xFFFFE000  }
0x22f: {  	_ = 	snop  }
0x230: {  	[spmem:s2] =	stream.indirect.scatter.add.f32 [tilespmem:s13], [sflag:$0x4], $0x80, s29, s12, $0xb8;
	[tilespmem:$0x1D800] =	vst v63  }
0x231: {  	s1 =	sadd.s32 s26, s30  }
0x232: {  	[tilespmem:s3], [sflag:$0x7] =	stream.linear.gather [hbm4b:s1+s3], $0x400, $0x38;
	[tilespmem:$0x1D800] =	vst v63  }
0x233: {  	_ =	swait.ge [sflag:s9], $0x400  }
0x234: {  	s28 =	rddreg [dreg:$0x7];
	[sflag:s9] =	ssyncset.done $0x0  }
0x235: {  	[sflag:s9] =	ssyncadd.s32 $0xFFFFFC00;
	s1 =	sadd.s32 s26, s28  }
0x236: {  	[tilespmem:s10], [sflag:$0x7] =	stream.linear.gather [hbm4b:s1+s3], $0x400, $0x38;
	[tilespmem:$0x1D800] =	vst v63  }
0x237: {  	_ =	swait.ge [sflag:s9], $0x400  }
0x238: {  	p0 =	sne.s32 s26, $0x0;
	[sflag:s9] =	ssyncset.done $0x0  }
0x239: {  	s1 =	simm.s32 @p0 $0x3;
	[sflag:s9] =	ssyncadd.s32 $0xFFFFFC00  }
0x23a: {  	_ =	swait.ge @p0 [sflag:s1], $0x4000  }
0x23b: {  	s29 =	simm.s32 @p0 $0x0;
	[sflag:s1] =	ssyncset.done @p0 $0x0  }
0x23c: {  	s28 =	simm.s32 @p0 $0x1000;
	[sflag:s1] =	ssyncadd.s32 @p0 $0xFFFFC000;
	s1 =	simm.s32 @p0 $0x40  }
0x23d: {  	[tilespmem:s28], [sflag:$0x1] =	stream.indirect.gather @p0 [hbm4b:s4+s1], $0x80, s29, s1, $0xb8;
	[tilespmem:$0x1D800] =	vst v63  }
0x23e: {  	s28 =	simm.s32 @p0 $0x3000;
	s29 =	simm.s32 @p0 $0x4  }
0x23f: {  	[tilespmem:s28], [sflag:$0x5] =	stream.indirect.gather @p0 [hbm4b:s4+s1], $0x80, s1, s1, $0xb8;
	[tilespmem:$0x1D800] =	vst v63  }
0x240: {  	_ =	swait.ge @p0 [sflag:s29], $0x4000  }
0x241: {  	s1 =	simm.s32 @!p0 $0x1000;
	[sflag:s29] =	ssyncset.done @p0 $0x0  }
0x242: {  	s28 =	simm.s32 @!p0 $0x40;
	[sflag:s29] =	ssyncadd.s32 @p0 $0xFFFFC000;
	s29 =	simm.s32 @!p0 $0x0  }
0x243: {  	[tilespmem:s1], [sflag:$0x1] =	stream.indirect.gather @!p0 [hbm4b:s4+s28], $0x80, s29, s28, $0xb8;
	[tilespmem:$0x1D800] =	vst v63  }
0x244: {  	s1 =	simm.s32 @!p0 $0x3000  }
0x245: {  	[tilespmem:s1], [sflag:$0x5] =	stream.indirect.gather @!p0 [hbm4b:s4+s28], $0x80, s28, s28, $0xb8;
	[tilespmem:$0x1D800] =	vst v63  }
0x246: {  	_ = 	snop  }
0x247: {  	[tilespmem:s13], [sflag:$0x2] =	stream.indirect.gather [hbm4b:s4+s11], $0x80, s12, s11, $0xb8;
	[tilespmem:$0x1D800] =	vst v63  }
0x248: {  	s29 =	rddreg [dreg:$0x9]  }
0x249: {  	[tilespmem:s14], [sflag:$0x6] =	stream.indirect.gather [hbm4b:s4+s11], $0x80, s29, s11, $0xb8;
	[tilespmem:$0x1D800] =	vst v63  }
0x24a: {  	_ =	swait.ge [sflag:s15], $0x2000  }
0x24b: {  	[sflag:s15] =	ssyncset.done $0x0  }
0x24c: {  	[sflag:s15] =	ssyncadd.s32 $0xFFFFE000  }
0x24d: {  	_ =	swait.ge [sflag:s16], $0x2000  }
0x24e: {  	[sflag:s16] =	ssyncset.done $0x0  }
0x24f: {  	[sflag:s16] =	ssyncadd.s32 $0xFFFFE000  }
0x250: {  	[spmem:s2] =	stream.indirect.scatter.add.f32 [tilespmem:s17], [sflag:$0x3], $0x80, s10, s12, $0xb8;
	[tilespmem:$0x1D800] =	vst v63  }
0x251: {  	_ =	swait.ge [sflag:s18], $0x2000  }
0x252: {  	[sflag:s18] =	ssyncset.done $0x0  }
0x253: {  	[sflag:s18] =	ssyncadd.s32 $0xFFFFE000  }
0x254: {  	_ =	swait.ge [sflag:s19], $0x2000  }
0x255: {  	[sflag:s19] =	ssyncset.done $0x0  }
0x256: {  	s30 =	rddreg [dreg:$0xa];
	[sflag:s19] =	ssyncadd.s32 $0xFFFFE000  }
0x257: {  	[spmem:s2] =	stream.indirect.scatter.add.f32 [tilespmem:s13], [sflag:$0x4], $0x80, s30, s12, $0xb8;
	[tilespmem:$0x1D800] =	vst v63  }
0x258: {  	_ =	swait.ge [sflag:s20], $0x4000  }
0x259: {  	[sflag:s20] =	ssyncset.done $0x0  }
0x25a: {  	s31 =	rddreg [dreg:$0xb];
	[sflag:s20] =	ssyncadd.s32 $0xFFFFC000  }
0x25b: {  	[tilespmem:s17], [sflag:$0x1] =	stream.indirect.gather [hbm4b:s4+s11], $0x80, s31, s11, $0xb8;
	[tilespmem:$0x1D800] =	vst v63  }
0x25c: {  	s29 =	rddreg [dreg:$0xc]  }
0x25d: {  	[tilespmem:s21], [sflag:$0x5] =	stream.indirect.gather [hbm4b:s4+s11], $0x80, s29, s11, $0xb8;
	[tilespmem:$0x1D800] =	vst v63  }
0x25e: {  	_ =	swait.ge [sflag:s22], $0x4000  }
0x25f: {  	[sflag:s22] =	ssyncset.done $0x0  }
0x260: {  	s30 =	rddreg [dreg:$0xd];
	[sflag:s22] =	ssyncadd.s32 $0xFFFFC000  }
0x261: {  	[tilespmem:s13], [sflag:$0x2] =	stream.indirect.gather [hbm4b:s4+s11], $0x80, s30, s11, $0xb8;
	[tilespmem:$0x1D800] =	vst v63  }
0x262: {  	s31 =	rddreg [dreg:$0xe]  }
0x263: {  	[tilespmem:s14], [sflag:$0x6] =	stream.indirect.gather [hbm4b:s4+s11], $0x80, s31, s11, $0xb8;
	[tilespmem:$0x1D800] =	vst v63  }
0x264: {  	_ =	swait.ge [sflag:s15], $0x2000  }
0x265: {  	[sflag:s15] =	ssyncset.done $0x0  }
0x266: {  	[sflag:s15] =	ssyncadd.s32 $0xFFFFE000  }
0x267: {  	_ =	swait.ge [sflag:s16], $0x2000  }
0x268: {  	[sflag:s16] =	ssyncset.done $0x0  }
0x269: {  	s29 =	rddreg [dreg:$0xf];
	[sflag:s16] =	ssyncadd.s32 $0xFFFFE000  }
0x26a: {  	[spmem:s2] =	stream.indirect.scatter.add.f32 [tilespmem:s17], [sflag:$0x3], $0x80, s29, s12, $0xb8;
	[tilespmem:$0x1D800] =	vst v63  }
0x26b: {  	_ =	swait.ge [sflag:s18], $0x2000  }
0x26c: {  	[sflag:s18] =	ssyncset.done $0x0  }
0x26d: {  	[sflag:s18] =	ssyncadd.s32 $0xFFFFE000  }
0x26e: {  	_ =	swait.ge [sflag:s19], $0x2000  }
0x26f: {  	[sflag:s19] =	ssyncset.done $0x0  }
0x270: {  	s30 =	rddreg [dreg:$0x10];
	[sflag:s19] =	ssyncadd.s32 $0xFFFFE000  }
0x271: {  	[spmem:s2] =	stream.indirect.scatter.add.f32 [tilespmem:s13], [sflag:$0x4], $0x80, s30, s12, $0xb8;
	[tilespmem:$0x1D800] =	vst v63  }
0x272: {  	_ =	swait.ge [sflag:s20], $0x4000  }
0x273: {  	[sflag:s20] =	ssyncset.done $0x0  }
0x274: {  	s31 =	rddreg [dreg:$0x11];
	[sflag:s20] =	ssyncadd.s32 $0xFFFFC000  }
0x275: {  	[tilespmem:s17], [sflag:$0x1] =	stream.indirect.gather [hbm4b:s4+s11], $0x80, s31, s11, $0xb8;
	[tilespmem:$0x1D800] =	vst v63  }
0x276: {  	s29 =	rddreg [dreg:$0x12]  }
0x277: {  	[tilespmem:s21], [sflag:$0x5] =	stream.indirect.gather [hbm4b:s4+s11], $0x80, s29, s11, $0xb8;
	[tilespmem:$0x1D800] =	vst v63  }
0x278: {  	_ =	swait.ge [sflag:s22], $0x4000  }
0x279: {  	[sflag:s22] =	ssyncset.done $0x0  }
0x27a: {  	s30 =	rddreg [dreg:$0x13];
	[sflag:s22] =	ssyncadd.s32 $0xFFFFC000  }
0x27b: {  	[tilespmem:s13], [sflag:$0x2] =	stream.indirect.gather [hbm4b:s4+s11], $0x80, s30, s11, $0xb8;
	[tilespmem:$0x1D800] =	vst v63  }
0x27c: {  	s31 =	rddreg [dreg:$0x14]  }
0x27d: {  	[tilespmem:s14], [sflag:$0x6] =	stream.indirect.gather [hbm4b:s4+s11], $0x80, s31, s11, $0xb8;
	[tilespmem:$0x1D800] =	vst v63  }
0x27e: {  	_ =	swait.ge [sflag:s15], $0x2000  }
0x27f: {  	[sflag:s15] =	ssyncset.done $0x0  }
0x280: {  	[sflag:s15] =	ssyncadd.s32 $0xFFFFE000  }
0x281: {  	_ =	swait.ge [sflag:s16], $0x2000  }
0x282: {  	[sflag:s16] =	ssyncset.done $0x0  }
0x283: {  	s29 =	rddreg [dreg:$0x15];
	[sflag:s16] =	ssyncadd.s32 $0xFFFFE000  }
0x284: {  	[spmem:s2] =	stream.indirect.scatter.add.f32 [tilespmem:s17], [sflag:$0x3], $0x80, s29, s12, $0xb8;
	[tilespmem:$0x1D800] =	vst v63  }
0x285: {  	_ =	swait.ge [sflag:s18], $0x2000  }
0x286: {  	[sflag:s18] =	ssyncset.done $0x0  }
0x287: {  	[sflag:s18] =	ssyncadd.s32 $0xFFFFE000  }
0x288: {  	_ =	swait.ge [sflag:s19], $0x2000  }
0x289: {  	[sflag:s19] =	ssyncset.done $0x0  }
0x28a: {  	s30 =	rddreg [dreg:$0x16];
	[sflag:s19] =	ssyncadd.s32 $0xFFFFE000  }
0x28b: {  	[spmem:s2] =	stream.indirect.scatter.add.f32 [tilespmem:s13], [sflag:$0x4], $0x80, s30, s12, $0xb8;
	[tilespmem:$0x1D800] =	vst v63  }
0x28c: {  	_ =	swait.ge [sflag:s20], $0x4000  }
0x28d: {  	[sflag:s20] =	ssyncset.done $0x0  }
0x28e: {  	s31 =	rddreg [dreg:$0x17];
	[sflag:s20] =	ssyncadd.s32 $0xFFFFC000  }
0x28f: {  	[tilespmem:s17], [sflag:$0x1] =	stream.indirect.gather [hbm4b:s4+s11], $0x80, s31, s11, $0xb8;
	[tilespmem:$0x1D800] =	vst v63  }
0x290: {  	s29 =	rddreg [dreg:$0x18]  }
0x291: {  	[tilespmem:s21], [sflag:$0x5] =	stream.indirect.gather [hbm4b:s4+s11], $0x80, s29, s11, $0xb8;
	[tilespmem:$0x1D800] =	vst v63  }
0x292: {  	_ =	swait.ge [sflag:s22], $0x4000  }
0x293: {  	[sflag:s22] =	ssyncset.done $0x0  }
0x294: {  	s30 =	rddreg [dreg:$0x19];
	[sflag:s22] =	ssyncadd.s32 $0xFFFFC000  }
0x295: {  	[tilespmem:s13], [sflag:$0x2] =	stream.indirect.gather [hbm4b:s4+s11], $0x80, s30, s11, $0xb8;
	[tilespmem:$0x1D800] =	vst v63  }
0x296: {  	s31 =	rddreg [dreg:$0x1a]  }
0x297: {  	[tilespmem:s14], [sflag:$0x6] =	stream.indirect.gather [hbm4b:s4+s11], $0x80, s31, s11, $0xb8;
	[tilespmem:$0x1D800] =	vst v63  }
0x298: {  	_ =	swait.ge [sflag:s15], $0x2000  }
0x299: {  	[sflag:s15] =	ssyncset.done $0x0  }
0x29a: {  	[sflag:s15] =	ssyncadd.s32 $0xFFFFE000  }
0x29b: {  	_ =	swait.ge [sflag:s16], $0x2000  }
0x29c: {  	[sflag:s16] =	ssyncset.done $0x0  }
0x29d: {  	s29 =	rddreg [dreg:$0x1b];
	[sflag:s16] =	ssyncadd.s32 $0xFFFFE000  }
0x29e: {  	[spmem:s2] =	stream.indirect.scatter.add.f32 [tilespmem:s17], [sflag:$0x3], $0x80, s29, s12, $0xb8;
	[tilespmem:$0x1D800] =	vst v63  }
0x29f: {  	_ =	swait.ge [sflag:s18], $0x2000  }
0x2a0: {  	[sflag:s18] =	ssyncset.done $0x0  }
0x2a1: {  	[sflag:s18] =	ssyncadd.s32 $0xFFFFE000  }
0x2a2: {  	_ =	swait.ge [sflag:s19], $0x2000  }
0x2a3: {  	s30 =	rddreg [dreg:$0x1c];
	[sflag:s19] =	ssyncset.done $0x0  }
0x2a4: {  	s31 =	rddreg [dreg:$0x6];
	[sflag:s19] =	ssyncadd.s32 $0xFFFFE000  }
0x2a5: {  	[spmem:s2] =	stream.indirect.scatter.add.f32 [tilespmem:s13], [sflag:$0x4], $0x80, s30, s12, $0xb8;
	[tilespmem:$0x1D800] =	vst v63  }
0x2a6: {  	s29 =	sadd.s32 s26, s31  }
0x2a7: {  	[tilespmem:s23], [sflag:$0x7] =	stream.linear.gather [hbm4b:s29+s3], $0x400, $0x38;
	[tilespmem:$0x1D800] =	vst v63  }
0x2a8: {  	_ =	swait.ge [sflag:s9], $0x400  }
0x2a9: {  	s30 =	rddreg [dreg:$0x5];
	[sflag:s9] =	ssyncset.done $0x0  }
0x2aa: {  	[sflag:s9] =	ssyncadd.s32 $0xFFFFFC00;
	s1 =	sadd.s32 s26, s30  }
0x2ab: {  	[tilespmem:s24], [sflag:$0x7] =	stream.linear.gather [hbm4b:s1+s3], $0x400, $0x38;
	[tilespmem:$0x1D800] =	vst v63  }
0x2ac: {  	_ =	swait.ge [sflag:s9], $0x400  }
0x2ad: {  	[sflag:s9] =	ssyncset.done $0x0  }
0x2ae: {  	[sflag:s9] =	ssyncadd.s32 $0xFFFFFC00  }
0x2af: {  	_ =	swait.ge [sflag:s20], $0x4000  }
0x2b0: {  	[sflag:s20] =	ssyncset.done $0x0  }
0x2b1: {  	[sflag:s20] =	ssyncadd.s32 $0xFFFFC000  }
0x2b2: {  	[tilespmem:s17], [sflag:$0x1] =	stream.indirect.gather [hbm4b:s4+s11], $0x80, s23, s11, $0xb8;
	[tilespmem:$0x1D800] =	vst v63  }
0x2b3: {  	s31 =	rddreg [dreg:$0x1d]  }
0x2b4: {  	[tilespmem:s21], [sflag:$0x5] =	stream.indirect.gather [hbm4b:s4+s11], $0x80, s31, s11, $0xb8;
	[tilespmem:$0x1D800] =	vst v63  }
0x2b5: {  	_ =	swait.ge [sflag:s22], $0x4000  }
0x2b6: {  	[sflag:s22] =	ssyncset.done $0x0  }
0x2b7: {  	s26 =	rddreg [dreg:$0x1e];
	[sflag:s22] =	ssyncadd.s32 $0xFFFFC000  }
0x2b8: {  	[tilespmem:s13], [sflag:$0x2] =	stream.indirect.gather [hbm4b:s4+s11], $0x80, s26, s11, $0xb8;
	[tilespmem:$0x1D800] =	vst v63  }
0x2b9: {  	s28 =	rddreg [dreg:$0x1f]  }
0x2ba: {  	[tilespmem:s14], [sflag:$0x6] =	stream.indirect.gather [hbm4b:s4+s11], $0x80, s28, s11, $0xb8;
	[tilespmem:$0x1D800] =	vst v63  }
0x2bb: {  	_ =	swait.ge [sflag:s15], $0x2000  }
0x2bc: {  	[sflag:s15] =	ssyncset.done $0x0  }
0x2bd: {  	[sflag:s15] =	ssyncadd.s32 $0xFFFFE000  }
0x2be: {  	_ =	swait.ge [sflag:s16], $0x2000  }
0x2bf: {  	[sflag:s16] =	ssyncset.done $0x0  }
0x2c0: {  	[sflag:s16] =	ssyncadd.s32 $0xFFFFE000  }
0x2c1: {  	[spmem:s2] =	stream.indirect.scatter.add.f32 [tilespmem:s17], [sflag:$0x3], $0x80, s24, s12, $0xb8;
	[tilespmem:$0x1D800] =	vst v63  }
0x2c2: {  	_ =	swait.ge [sflag:s18], $0x2000  }
0x2c3: {  	[sflag:s18] =	ssyncset.done $0x0  }
0x2c4: {  	[sflag:s18] =	ssyncadd.s32 $0xFFFFE000  }
0x2c5: {  	_ =	swait.ge [sflag:s19], $0x2000  }
0x2c6: {  	s29 =	sld [smem:$0x7EB]  }
0x2c7: {  	[sflag:s19] =	ssyncset.done $0x0  }
0x2c8: {  	[sflag:s19] =	ssyncadd.s32 $0xFFFFE000  }
0x2c9: {  	[spmem:s2] =	stream.indirect.scatter.add.f32 [tilespmem:s13], [sflag:$0x4], $0x80, s29, s12, $0xb8;
	[tilespmem:$0x1D800] =	vst v63  }
0x2ca: {  	_ =	swait.ge [sflag:s20], $0x4000  }
0x2cb: {  	s30 =	sld [smem:$0x7EC]  }
0x2cc: {  	[sflag:s20] =	ssyncset.done $0x0  }
0x2cd: {  	s31 =	sld [smem:$0x7ED];
	[sflag:s20] =	ssyncadd.s32 $0xFFFFC000  }
0x2ce: {  	[tilespmem:s17], [sflag:$0x1] =	stream.indirect.gather [hbm4b:s4+s11], $0x80, s30, s11, $0xb8;
	[tilespmem:$0x1D800] =	vst v63  }
0x2cf: {  	_ = 	snop  }
0x2d0: {  	[tilespmem:s21], [sflag:$0x5] =	stream.indirect.gather [hbm4b:s4+s11], $0x80, s31, s11, $0xb8;
	[tilespmem:$0x1D800] =	vst v63  }
0x2d1: {  	_ =	swait.ge [sflag:s22], $0x4000  }
0x2d2: {  	s28 =	sld [smem:$0x7EE]  }
0x2d3: {  	[sflag:s22] =	ssyncset.done $0x0  }
0x2d4: {  	s29 =	sld [smem:$0x7EF];
	[sflag:s22] =	ssyncadd.s32 $0xFFFFC000  }
0x2d5: {  	[tilespmem:s13], [sflag:$0x2] =	stream.indirect.gather [hbm4b:s4+s11], $0x80, s28, s11, $0xb8;
	[tilespmem:$0x1D800] =	vst v63  }
0x2d6: {  	_ = 	snop  }
0x2d7: {  	[tilespmem:s14], [sflag:$0x6] =	stream.indirect.gather [hbm4b:s4+s11], $0x80, s29, s11, $0xb8;
	[tilespmem:$0x1D800] =	vst v63  }
0x2d8: {  	_ =	swait.ge [sflag:s15], $0x2000  }
0x2d9: {  	[sflag:s15] =	ssyncset.done $0x0  }
0x2da: {  	[sflag:s15] =	ssyncadd.s32 $0xFFFFE000  }
0x2db: {  	_ =	swait.ge [sflag:s16], $0x2000  }
0x2dc: {  	s30 =	sld [smem:$0x7F0]  }
0x2dd: {  	[sflag:s16] =	ssyncset.done $0x0  }
0x2de: {  	[sflag:s16] =	ssyncadd.s32 $0xFFFFE000  }
0x2df: {  	[spmem:s2] =	stream.indirect.scatter.add.f32 [tilespmem:s17], [sflag:$0x3], $0x80, s30, s12, $0xb8;
	[tilespmem:$0x1D800] =	vst v63  }
0x2e0: {  	_ =	swait.ge [sflag:s18], $0x2000  }
0x2e1: {  	[sflag:s18] =	ssyncset.done $0x0  }
0x2e2: {  	[sflag:s18] =	ssyncadd.s32 $0xFFFFE000  }
0x2e3: {  	_ =	swait.ge [sflag:s19], $0x2000  }
0x2e4: {  	s31 =	sld [smem:$0x7F1]  }
0x2e5: {  	[sflag:s19] =	ssyncset.done $0x0  }
0x2e6: {  	[sflag:s19] =	ssyncadd.s32 $0xFFFFE000  }
0x2e7: {  	[spmem:s2] =	stream.indirect.scatter.add.f32 [tilespmem:s13], [sflag:$0x4], $0x80, s31, s12, $0xb8;
	[tilespmem:$0x1D800] =	vst v63  }
0x2e8: {  	_ =	swait.ge [sflag:s20], $0x4000  }
0x2e9: {  	s26 =	sld [smem:$0x7F2]  }
0x2ea: {  	[sflag:s20] =	ssyncset.done $0x0  }
0x2eb: {  	s28 =	sld [smem:$0x7F3];
	[sflag:s20] =	ssyncadd.s32 $0xFFFFC000  }
0x2ec: {  	[tilespmem:s17], [sflag:$0x1] =	stream.indirect.gather [hbm4b:s4+s11], $0x80, s26, s11, $0xb8;
	[tilespmem:$0x1D800] =	vst v63  }
0x2ed: {  	_ = 	snop  }
0x2ee: {  	[tilespmem:s21], [sflag:$0x5] =	stream.indirect.gather [hbm4b:s4+s11], $0x80, s28, s11, $0xb8;
	[tilespmem:$0x1D800] =	vst v63  }
0x2ef: {  	_ =	swait.ge [sflag:s22], $0x4000  }
0x2f0: {  	s29 =	sld [smem:$0x7F4]  }
0x2f1: {  	[sflag:s22] =	ssyncset.done $0x0  }
0x2f2: {  	s30 =	sld [smem:$0x7F5];
	[sflag:s22] =	ssyncadd.s32 $0xFFFFC000  }
0x2f3: {  	[tilespmem:s13], [sflag:$0x2] =	stream.indirect.gather [hbm4b:s4+s11], $0x80, s29, s11, $0xb8;
	[tilespmem:$0x1D800] =	vst v63  }
0x2f4: {  	_ = 	snop  }
0x2f5: {  	[tilespmem:s14], [sflag:$0x6] =	stream.indirect.gather [hbm4b:s4+s11], $0x80, s30, s11, $0xb8;
	[tilespmem:$0x1D800] =	vst v63  }
0x2f6: {  	_ =	swait.ge [sflag:s15], $0x2000  }
0x2f7: {  	[sflag:s15] =	ssyncset.done $0x0  }
0x2f8: {  	[sflag:s15] =	ssyncadd.s32 $0xFFFFE000  }
0x2f9: {  	_ =	swait.ge [sflag:s16], $0x2000  }
0x2fa: {  	s31 =	sld [smem:$0x7F6]  }
0x2fb: {  	[sflag:s16] =	ssyncset.done $0x0  }
0x2fc: {  	[sflag:s16] =	ssyncadd.s32 $0xFFFFE000  }
0x2fd: {  	[spmem:s2] =	stream.indirect.scatter.add.f32 [tilespmem:s17], [sflag:$0x3], $0x80, s31, s12, $0xb8;
	[tilespmem:$0x1D800] =	vst v63  }
0x2fe: {  	_ =	swait.ge [sflag:s18], $0x2000  }
0x2ff: {  	[sflag:s18] =	ssyncset.done $0x0  }
0x300: {  	[sflag:s18] =	ssyncadd.s32 $0xFFFFE000  }
0x301: {  	_ =	swait.ge [sflag:s19], $0x2000  }
0x302: {  	s26 =	sld [smem:$0x7F7]  }
0x303: {  	[sflag:s19] =	ssyncset.done $0x0  }
0x304: {  	[sflag:s19] =	ssyncadd.s32 $0xFFFFE000  }
0x305: {  	[spmem:s2] =	stream.indirect.scatter.add.f32 [tilespmem:s13], [sflag:$0x4], $0x80, s26, s12, $0xb8;
	[tilespmem:$0x1D800] =	vst v63  }
0x306: {  	_ =	swait.ge [sflag:s20], $0x4000  }
0x307: {  	s28 =	sld [smem:$0x7F8]  }
0x308: {  	[sflag:s20] =	ssyncset.done $0x0  }
0x309: {  	s29 =	sld [smem:$0x7F9];
	[sflag:s20] =	ssyncadd.s32 $0xFFFFC000  }
0x30a: {  	[tilespmem:s17], [sflag:$0x1] =	stream.indirect.gather [hbm4b:s4+s11], $0x80, s28, s11, $0xb8;
	[tilespmem:$0x1D800] =	vst v63  }
0x30b: {  	_ = 	snop  }
0x30c: {  	[tilespmem:s21], [sflag:$0x5] =	stream.indirect.gather [hbm4b:s4+s11], $0x80, s29, s11, $0xb8;
	[tilespmem:$0x1D800] =	vst v63  }
0x30d: {  	_ =	swait.ge [sflag:s22], $0x4000  }
0x30e: {  	s30 =	sld [smem:$0x7FA]  }
0x30f: {  	[sflag:s22] =	ssyncset.done $0x0  }
0x310: {  	s31 =	sld [smem:$0x7FB];
	[sflag:s22] =	ssyncadd.s32 $0xFFFFC000  }
0x311: {  	[tilespmem:s13], [sflag:$0x2] =	stream.indirect.gather [hbm4b:s4+s11], $0x80, s30, s11, $0xb8;
	[tilespmem:$0x1D800] =	vst v63  }
0x312: {  	_ = 	snop  }
0x313: {  	[tilespmem:s14], [sflag:$0x6] =	stream.indirect.gather [hbm4b:s4+s11], $0x80, s31, s11, $0xb8;
	[tilespmem:$0x1D800] =	vst v63  }
0x314: {  	_ =	swait.ge [sflag:s15], $0x2000  }
0x315: {  	[sflag:s15] =	ssyncset.done $0x0  }
0x316: {  	[sflag:s15] =	ssyncadd.s32 $0xFFFFE000  }
0x317: {  	_ =	swait.ge [sflag:s16], $0x2000  }
0x318: {  	s28 =	sld [smem:$0x7FC]  }
0x319: {  	[sflag:s16] =	ssyncset.done $0x0  }
0x31a: {  	[sflag:s16] =	ssyncadd.s32 $0xFFFFE000  }
0x31b: {  	[spmem:s2] =	stream.indirect.scatter.add.f32 [tilespmem:s17], [sflag:$0x3], $0x80, s28, s12, $0xb8;
	[tilespmem:$0x1D800] =	vst v63  }
0x31c: {  	_ =	swait.ge [sflag:s18], $0x2000  }
0x31d: {  	[sflag:s18] =	ssyncset.done $0x0  }
0x31e: {  	[sflag:s18] =	ssyncadd.s32 $0xFFFFE000  }
0x31f: {  	_ =	swait.ge [sflag:s19], $0x2000  }
0x320: {  	s29 =	sld [smem:$0x7FD]  }
0x321: {  	[sflag:s19] =	ssyncset.done $0x0  }
0x322: {  	[sflag:s19] =	ssyncadd.s32 $0xFFFFE000  }
0x323: {  	[spmem:s2] =	stream.indirect.scatter.add.f32 [tilespmem:s13], [sflag:$0x4], $0x80, s29, s12, $0xb8;
	[tilespmem:$0x1D800] =	vst v63  }
0x324: {  	_ =	swait.ge [sflag:s20], $0x4000  }
0x325: {  	[sflag:s20] =	ssyncset.done $0x0  }
0x326: {  	[sflag:s20] =	ssyncadd.s32 $0xFFFFC000  }
0x327: {  	_ =	swait.ge [sflag:s22], $0x4000  }
0x328: {  	s25 =	sadd.s32 $0x1, s25;
	s30 =	sshll.u32 s0, $0x6;
	[sflag:s22] =	ssyncset.done $0x0  }
0x329: {  	p0 =	sne.s32 s25, s7;
	s1 =	sor.u32 $0x1C07, s30;
	[sflag:s22] =	ssyncadd.s32 $0xFFFFC000  }
.Ltmp3:
0x32a: {  	s31 =	sshrl.u32 s5, $0x3;
	[bflag:$0x0] =	sbarrier.arrive $0xFFFF;
	(pc) =	sbr.rel @p0 .LBB2_1-.Ltmp3, $4  }
0x32b: {  	[hbm:s6], [sflag:s1] =	dma.local [spmem:s31], $0x2800  }
0x32c: {  	_ =	swait.ge [sflag:s9], $0x2800  }
0x32d: {  	[sflag:s9] =	ssyncset.done $0x0  }
0x32e: {  	[sflag:s9] =	ssyncadd.s32 $0xFFFFD800  }
0x32f: {  	_ =	sfence.sel $0x180000  }
0x330: {  	[bflag:$0x0] =	sbarrier.arrive $0xFFFF  }
0x331: {  	_ =	strace $0x9000004A  }
0x332: {  	[bflag:$0x2] =	sbarrier.arrive $0xFFFF  }
0x333: {  	p0 =	sne.s32 s0, $0x0;
	s0 =	rddreg [dreg:$0x4]  }
0x334: {  	s0 =	sadd.s32 @!p0 $0x100000, s0  }
0x335: {  	[sflag:s0] =	ssyncadd.tile.s32 @!p0 $0x1;
	_ =	shalt  }
.Lfunc_end2:
_tile_overlayer_lowered:
.L_overlay_start_2:
0x336: {  	(tag) =	ssettag $0x2  }
0x337: {  	s0 =	rddreg [dreg:$0x0];
	s2 =	stileid.u32  }
0x338: {  	s1 =	rddreg [dreg:$0x1];
	p0 =	sne.s32 s2, $0x0  }
0x339: {  	s3 =	rddreg [dreg:$0x2];
	[bflag:$0x3] =	sbarrier.arrive $0xFFFF;
	s2 =	simm.s32 @!p0 $0x1C07  }
0x33a: {  	[timem:s3], [sflag:s2] =	dma.local @!p0 [hbm:s0], s1  }
0x33b: {  	s0 =	simm.s32 @!p0 $0x7  }
0x33c: {  	_ =	swait.ge @!p0 [sflag:s0], s1  }
0x33d: {  	s1 =	ssub.s32 @!p0 $0x0, s1;
	[sflag:s0] =	ssyncset.done @!p0 $0x0  }
0x33e: {  	[sflag:s0] =	ssyncadd.s32 @!p0 s1  }
0x33f: {  	[bflag:$0x3] =	sbarrier.arrive $0xFFFF  }
0x340: {  	_ =	shalt  }

// kernel: gcn_degree_sc.3.cloned.1.call-start
scs
__scs_entry_jumppad:
0x0: {  	(pc) =	sbr.rel $0x88, $3  }
0x1: {  	(tag) =	ssettag $0x0;
	lr =	simm.s32 $0x1  }
0x2: {  	[smem:$0x3F9B] =	sst lr;
	_ =	strace $0xD0000000  }
0x3: {  	_ = 	snop  }
0x4: {  	_ = 	snop  }
0x5: {  	_ = 	snop  }
0x6: {  	_ = 	snop  }
0x7: {  	_ = 	snop  }
__scs_overlays_trampoline_lowered:
0x8: {  	[smem:$0x3FAA] =	sst s0  }
0x9: {  	[smem:$0x3FAB] =	sst s1  }
0xa: {  	[smem:$0x3FAC] =	sst s2  }
0xb: {  	[smem:$0x3FAD] =	sst s3  }
0xc: {  	[smem:$0x3FAE] =	sst s4  }
0xd: {  	[smem:$0x3FAF] =	sst s5  }
0xe: {  	[smem:$0x3FB0] =	sst s6  }
0xf: {  	[smem:$0x3FB1] =	sst s7  }
0x10: {  	[smem:$0x3FB2] =	sst s8  }
0x11: {  	[smem:$0x3FB3] =	sst s9;
	s0 =	simm.s32 @!p0 $0x0  }
0x12: {  	s1 =	sld [smem:$0x3F99];
	s0 =	simm.s32 @p0 $0x1  }
0x13: {  	[smem:$0x3FB4] =	sst s0;
	s0 =	simm.s32 @!p1 $0x0  }
0x14: {  	s2 =	sld [smem:$0x3F98];
	s0 =	simm.s32 @p1 $0x1  }
0x15: {  	[smem:$0x3FB5] =	sst s0;
	s0 =	simm.s32 @!p2 $0x0  }
0x16: {  	s3 =	sld [smem:$0x3FDB];
	s0 =	simm.s32 @p2 $0x1  }
0x17: {  	s4 =	simm.s32 $0x1BF5;
	[smem:$0x3FB7] =	sst s0  }
0x18: {  	s0 =	sld [smem:$0x3F9A];
	_ =	swait.ge [sflag:s4], $0x0  }
0x19: {  	s7 =	sld [smem:$0x3F9B]  }
0x1a: {  	s8 =	sadd.s32 $0xFFFFE003, lr  }
0x1b: {  	s9 =	sadd.s32 $0xFFFFFEF7, lr;
	s5 =	simm.s32 $0xFFFFFFFF;
	p2 =	slt.u32 s8, $0xFFFFF086  }
0x1c: {  	p1 =	slt.u32 s9, $0xF7A;
	s5 =	simm.s32 @!p2 $0x0  }
0x1d: {  	s5 =	simm.s32 @p1 $0x1;
	p0 =	seq.s32 s7, s2  }
0x1e: {  	s7 =	smul.u32 @!p0 $0xF7A, s2;
	p2 =	seq.s32 @!p0 s5, $0x0  }
0x1f: {  	s9 =	smul.u32 $0xF7A, s1;
	s8 =	simm.s32 @!p0 $0x1BF5;
	p2 =	por !p2, p0  }
0x20: {  	[sflag:s8] =	ssyncset.s32 @!p0 $0xFFFFF086;
	s6 =	sadd.s32 @!p0 s3, s7;
	s7 =	simm.s32 @!p0 $0x108  }
0x21: {  	s3 =	sadd.s32 s3, s9;
	s6 =	sadd.s32 @!p0 $0x88, s6;
	s7 =	simm.s32 @p2 $0x1082  }
0x22: {  	[simem:s7], [sflag:s8] =	dma.local @!p0 [hbm:s6], $0xF7A  }
0x23: {  	s9 =	sor.u32 $0xD0000000, s2;
	s6 =	simm.s32 $0x108;
	_ =	swait.ge @!p0 [sflag:s8], $0x0  }
0x24: {  	s3 =	sadd.s32 $0x88, s3;
	s6 =	simm.s32 @!p1 $0x1082;
	[sflag:s4] =	ssyncset.s32 $0xFFFFF086  }
0x25: {  	[simem:s6], [sflag:s4] =	dma.local [hbm:s3], $0xF7A  }
0x26: {  	[smem:$0x3F9B] =	sst s1;
	(tag) =	ssettag s2;
	_ =	strace s9  }
0x27: {  	s1 =	sld [smem:$0x3FAB]  }
0x28: {  	s2 =	sld [smem:$0x3FAC]  }
0x29: {  	s4 =	sld [smem:$0x3FAE]  }
0x2a: {  	p0 =	seq.s32 s5, $0x0;
	s5 =	sld [smem:$0x3FAF]  }
0x2b: {  	s6 =	sld [smem:$0x3FB0]  }
0x2c: {  	s7 =	sld [smem:$0x3FB1]  }
0x2d: {  	s3 =	simm.s32 $0x108;
	s8 =	sld [smem:$0x3FB2]  }
0x2e: {  	s3 =	simm.s32 @!p0 $0x1082;
	s9 =	sld [smem:$0x3FB3]  }
0x2f: {  	lr =	sadd.s32 s0, s3;
	s0 =	sld [smem:$0x3FAA]  }
0x30: {  	s3 =	sld [smem:$0x3FAD]  }
0x31: {  	[smem:$0x3FB6] =	sst s10  }
0x32: {  	s10 =	sld [smem:$0x3FB4];
	_ =	sdelay $0x3  }
0x33: {  	p0 =	seq.s32 s10, $0x1;
	s10 =	sld [smem:$0x3FB6];
	_ =	sdelay $0x3  }
0x34: {  	[smem:$0x3FB6] =	sst s10  }
0x35: {  	s10 =	sld [smem:$0x3FB5];
	_ =	sdelay $0x3  }
0x36: {  	p1 =	seq.s32 s10, $0x1;
	s10 =	sld [smem:$0x3FB6];
	_ =	sdelay $0x3  }
0x37: {  	[smem:$0x3FB6] =	sst s10  }
0x38: {  	s10 =	sld [smem:$0x3FB7]  }
0x39: {  	_ = 	snop;
	(pc) =	sbr.ind lr, $3  }
0x3a: {  	_ = 	snop  }
0x3b: {  	_ = 	snop  }
0x3c: {  	p2 =	seq.s32 s10, $0x1;
	s10 =	sld [smem:$0x3FB6]  }
0x3d: {  	_ =	shalt  }
0x3e: {  	_ =	shalt  }
0x3f: {  	_ =	shalt  }
0x40: {  	_ =	shalt  }
0x41: {  	_ =	shalt  }
0x42: {  	_ =	shalt  }
0x43: {  	_ =	shalt  }
0x44: {  	_ =	shalt  }
0x45: {  	_ =	shalt  }
0x46: {  	_ =	shalt  }
0x47: {  	_ =	shalt  }
0x48: {  	_ =	shalt  }
0x49: {  	_ =	shalt  }
0x4a: {  	_ =	shalt  }
0x4b: {  	_ =	shalt  }
0x4c: {  	_ =	shalt  }
0x4d: {  	_ =	shalt  }
0x4e: {  	_ =	shalt  }
0x4f: {  	_ =	shalt  }
0x50: {  	_ =	shalt  }
0x51: {  	_ =	shalt  }
0x52: {  	_ =	shalt  }
0x53: {  	_ =	shalt  }
0x54: {  	_ =	shalt  }
0x55: {  	_ =	shalt  }
0x56: {  	_ =	shalt  }
0x57: {  	_ =	shalt  }
0x58: {  	_ =	shalt  }
0x59: {  	_ =	shalt  }
0x5a: {  	_ =	shalt  }
0x5b: {  	_ =	shalt  }
0x5c: {  	_ =	shalt  }
0x5d: {  	_ =	shalt  }
0x5e: {  	_ =	shalt  }
0x5f: {  	_ =	shalt  }
0x60: {  	_ =	shalt  }
0x61: {  	_ =	shalt  }
0x62: {  	_ =	shalt  }
0x63: {  	_ =	shalt  }
0x64: {  	_ =	shalt  }
0x65: {  	_ =	shalt  }
0x66: {  	_ =	shalt  }
0x67: {  	_ =	shalt  }
0x68: {  	_ =	shalt  }
0x69: {  	_ =	shalt  }
0x6a: {  	_ =	shalt  }
0x6b: {  	_ =	shalt  }
0x6c: {  	_ =	shalt  }
0x6d: {  	_ =	shalt  }
0x6e: {  	_ =	shalt  }
0x6f: {  	_ =	shalt  }
0x70: {  	_ =	shalt  }
0x71: {  	_ =	shalt  }
0x72: {  	_ =	shalt  }
0x73: {  	_ =	shalt  }
0x74: {  	_ =	shalt  }
0x75: {  	_ =	shalt  }
0x76: {  	_ =	shalt  }
0x77: {  	_ =	shalt  }
0x78: {  	_ =	shalt  }
0x79: {  	_ =	shalt  }
0x7a: {  	_ =	shalt  }
0x7b: {  	_ =	shalt  }
0x7c: {  	_ =	shalt  }
0x7d: {  	_ =	shalt  }
0x7e: {  	_ =	shalt  }
0x7f: {  	_ =	shalt  }
0x80: {  	_ =	shalt  }
0x81: {  	_ =	shalt  }
0x82: {  	_ =	shalt  }
0x83: {  	_ =	shalt  }
0x84: {  	_ =	shalt  }
0x85: {  	_ =	shalt  }
0x86: {  	_ =	shalt  }
0x87: {  	_ =	shalt  }
.Lfunc_end0:
.L_simem_size_0:
called_computation_lowered:
.L_overlay_start_0:
0x88: {  	s2 =	sld [smem:$0x3FD9]  }
0x89: {  	s3 =	sld [smem:$0x3FFE];
	_ =	sdelay $0x1  }
0x8a: {  	s1 =	srdreg.scid  }
0x8b: {  	s0 =	sand.u32 $0x1, s1  }
0x8c: {  	s14 =	sshll.u32 s0, $0xA;
	s2 =	sadd.s32 s3, s2  }
0x8d: {  	s2 =	sadd.s32 s2, s14  }
0x8e: {  	[smem:$0x3FC2] =	sst s2  }
0x8f: {  	_ = 	snop  }
0x90: {  	s2 =	sld [smem:$0x3FD0];
	_ =	sdelay $0x2  }
0x91: {  	s15 =	simm.s32 $0xA;
	s4 =	simm.s32 $0x10  }
0x92: {  	[smem:s4], [sflag:s15] =	dma.local [hbm:s2], $0x1  }
0x93: {  	_ =	swait.eq [sflag:s15], $0x1  }
0x94: {  	[sflag:s15] =	ssyncset.done $0x0  }
0x95: {  	[sflag:s15] =	ssyncadd.s32 $0xFFFFFFFF  }
0x96: {  	s16 =	sld [smem:$0x11];
	(tm) =	ssettm $0x1  }
0x97: {  	s17 =	sld [smem:$0x3FFB];
	_ =	sdelay $0x3  }
0x98: {  	_ =	strace s17  }
0x99: {  	s3 =	sld [smem:$0x3FFC];
	_ =	sdelay $0x3  }
0x9a: {  	_ =	strace s3  }
0x9b: {  	s3 =	sld [smem:$0x3FFD];
	_ =	sdelay $0x3  }
0x9c: {  	_ =	strace s3  }
0x9d: {  	_ =	strace $0x8FFFFFFF  }
0x9e: {  	s18 =	sld [smem:$0x3FDB];
	_ =	sdelay $0x1  }
0x9f: {  	s19 =	simm.s32 $_scs_section_size  }
0xa0: {  	s5 =	simm.s32 $_size__tile_overlayer_lowered;
	s6 =	simm.s32 $_tile_overlayer_lowered  }
0xa1: {  	s22 =	simm.s32 $0x1BFF;
	s21 =	sshll.u32 s6, $0x1;
	s3 =	sadd.s32 s19, s18  }
0xa2: {  	s7 =	simm.s32 $0x0;
	s20 =	sshll.u32 s5, $0x1;
	s5 =	sadd.s32 s21, s3  }
0xa3: {  	[timem:s7], [sflag:s22] =	dma.local [hbm:s5], s20  }
0xa4: {  	_ =	swait.ge [sflag:s22], s20  }
0xa5: {  	s4 =	ssub.s32 $0x0, s20;
	[sflag:s22] =	ssyncset.done $0x0  }
0xa6: {  	[sflag:s22] =	ssyncadd.s32 s4;
	_ =	sdelay $0x1  }
0xa7: {  	s23 =	simm.s32 $0x1B8B  }
0xa8: {  	_ =	swait.ge [sflag:s23], $0x1  }
0xa9: {  	[sflag:s23] =	ssyncset.done $0x0  }
0xaa: {  	s25 =	simm.s32 $0x1B8E;
	s24 =	sld [smem:$0x3FFE];
	[sflag:s23] =	ssyncadd.s32 $0xFFFFFFFF  }
0xab: {  	s26 =	simm.s32 $execute0_lowered;
	[smem:$0x3FD2] =	sst s25  }
0xac: {  	s5 =	sshll.u32 s26, $0x1;
	_ =	strace $0x80000046;
	[dreg:$0x1] =	wrdreg $0xFFFFFFFF  }
0xad: {  	s28 =	simm.s32 $_size_execute0_lowered;
	s3 =	sadd.s32 s3, s5;
	[dreg:$0x0] =	wrdreg $0x0  }
0xae: {  	s5 =	sshll.u32 s28, $0x1;
	[dreg:$0x2] =	wrdreg s3  }
0xaf: {  	[dreg:$0x3] =	wrdreg s5  }
0xb0: {  	[dreg:$0x4] =	wrdreg $0xC0  }
0xb1: {  	_ =	task [dreg:s7], $0x5FFFF  }
0xb2: {  	[dreg:$0x1] =	wrdreg $0xFFFFFFFF  }
0xb3: {  	[dreg:$0x0] =	wrdreg $0x60  }
0xb4: {  	[dreg:$0x2] =	wrdreg s16  }
0xb5: {  	[dreg:$0x3] =	wrdreg s24  }
0xb6: {  	[dreg:$0x4] =	wrdreg $0x48800  }
0xb7: {  	[dreg:$0x5] =	wrdreg $0x9  }
0xb8: {  	_ =	task.clear_ibuf [dreg:s7], $0x6FFFF;
	_ =	strace $0x90000046  }
0xb9: {  	s29 =	simm.s32 $0x9;
	_ =	strace $0x80000048  }
0xba: {  	_ =	swait.ge [sflag:s29], $0x1  }
0xbb: {  	[sflag:s29] =	ssyncadd.s32 $0xFFFFFFFF  }
0xbc: {  	_ =	strace $0x90000048  }
0xbd: {  	_ =	sfence  }
0xbe: {  	s30 =	sld [smem:$0x0];
	_ =	sdelay $0x2  }
0xbf: {  	s31 =	sshll.u32 s1, $0xD;
	s1 =	sshrl.u32 s1, $0x2  }
0xc0: {  	s3 =	sand.u32 $0x4000, s31;
	s1 =	sadd.s32 s1, s30  }
0xc1: {  	s0 =	sor.u32 s3, s0;
	s1 =	sshll.u32 s1, $0x11  }
0xc2: {  	s0 =	sor.u32 s1, s0  }
0xc3: {  	s0 =	sadd.s32 $0x8F2B, s0  }
0xc4: {  	[sflag:s0] =	ssyncadd.remote.s32 $0x1  }
0xc5: {  	_ =	sfence.sel $0xFFFF  }
0xc6: {  	[dreg:$0x0] =	wrdreg $0xFFFFFFFF;
	(pc) =	sbr.abs _section_cstart, $3  }
0xc7: {  	[dreg:$0x1] =	wrdreg $0xFFFFFFFF  }
0xc8: {  	_ =	task.clear_ibuf [dreg:s7], $0x2FFFF;
	_ =	strace $0x9FFFFFFF  }
0xc9: {  	(tm) =	ssettm $0x7FFFFFFF  }
tec
execute0_lowered:
.L_overlay_start_1:
0x0: {  	(tag) =	ssettag $0x1  }
0x1: {  	s1 =	rddreg [dreg:$0x0]  }
0x2: {  	s5 =	rddreg [dreg:$0x1]  }
0x3: {  	s3 =	rddreg [dreg:$0x2]  }
0x4: {  	s0 =	srdreg.scid;
	s2 =	rddreg [dreg:$0x3];
	s4 =	simm.s32 $0x0  }
0x5: {  	s10 =	simm.s32 $0x1;
	s6 =	sand.u32 $0x1, s0;
	s0 =	stileid.u32  }
0x6: {  	s11 =	simm.s32 $0x80;
	[smem:$0x7FF] =	sst s4;
	s7 =	smul.u32 $0x140000, s6  }
0x7: {  	s14 =	simm.s32 $0x0;
	s8 =	smul.u32 $0x14000, s0;
	_ =	strace $0x80000047  }
0x8: {  	s30 =	smul.u32 $0x50000, s0;
	s31 =	ssub.s32 $0x2, s6;
	s6 =	sshll.u32 s6, $0x4  }
0x9: {  	s12 =	sshll.u32 s0, $0x6;
	s9 =	sshrl.u32 s31, $0x1;
	s6 =	sor.u32 s0, s6  }
0xa: {  	s12 =	sor.u32 $0x1C01, s12;
	s7 =	sadd.s32 s8, s7;
	s8 =	sshrl.u32 s30, $0x2  }
0xb: {  	s9 =	ssub.s32 s31, s9;
	s6 =	smul.u32 $0x2800, s6;
	s7 =	sshrl.u32 s7, $0x3  }
0xc: {  	s7 =	sadd.s32 s7, s5;
	s5 =	sadd.s32 s8, s3;
	s8 =	smax.u32 s9, $0x1  }
0xd: {  	v0 =	vimm.f32 $0.0e+00;
	v1 =	vimm.f32 $1.000000000e+00;
	s9 =	simm.s32 $0x4080;
	s7 =	sadd.s32 $0x1E00, s7;
	s13 =	sshrl.u32 s5, $0x3  }
.LBB2_1:
0xe: {  	s15 =	sand.u32 $0x1E00, s4  }
0xf: {  	s17 =	sand.u32 $0x70, s4;
	s15 =	sshrl.u32 s15, $0x2  }
0x10: {  	s16 =	simm.s32 $0x40;
	s18 =	sor.u32 s17, s15;
	s17 =	simm.s32 $0x0  }
.LBB2_2:
0x11: {  	p0 =	sne.s32 s16, $0x1FC0  }
0x12: {  	[tilespmem:s18+$0x4080] =	vst v0;
	s17 =	sadd.s32 $0x10, s17;
	s15 =	smov.u32 s16;
	s16 =	sadd.s32 $0x40, s16  }
.Ltmp0:
0x13: {  	(pc) =	sbr.rel @p0 .LBB2_2-.Ltmp0, $4  }
0x14: {  	_ = 	snop  }
0x15: {  	s15 =	sand.u32 $0x1E00, s15  }
0x16: {  	s18 =	sand.u32 $0x70, s17;
	s15 =	sshrl.u32 s15, $0x2  }
0x17: {  	s18 =	sor.u32 s18, s15;
	s15 =	simm.s32 $0x0  }
0x18: {  	s16 =	sand.u32 $0xFE00, s15  }
0x19: {  	s17 =	sand.u32 $0x70, s15;
	s19 =	sshrl.u32 s16, $0x2  }
0x1a: {  	[tilespmem:s18+$0x4080] =	vst v0;
	s16 =	simm.s32 $0x40;
	s17 =	sor.u32 s17, s19  }
.LBB2_4:
0x1b: {  	p0 =	sne.s32 s16, $0xFFC0  }
0x1c: {  	[tilespmem:s17+$0x80] =	vst v1;
	s15 =	sadd.s32 $0x10, s15;
	s17 =	smov.u32 s16;
	s16 =	sadd.s32 $0x40, s16  }
.Ltmp1:
0x1d: {  	(pc) =	sbr.rel @p0 .LBB2_4-.Ltmp1, $4  }
0x1e: {  	_ = 	snop  }
0x1f: {  	s17 =	sand.u32 $0xFE00, s17  }
0x20: {  	s18 =	sand.u32 $0x70, s15;
	s17 =	sshrl.u32 s17, $0x2  }
0x21: {  	s17 =	sor.u32 s18, s17  }
0x22: {  	[tilespmem:s17+$0x80] =	vst v1;
	s15 =	sadd.s32 $0x0, s5  }
0x23: {  	[spmem:s15] =	stream.linear.scatter [tilespmem:s9], [sflag:$0x1], $0x800, $0x38;
	[tilespmem:$0x18880] =	vst v63  }
0x24: {  	s15 =	simm.s32 $0x2000;
	_ =	swait.ge [sflag:s10], $0x800  }
.LBB2_6:
0x25: {  	s16 =	sshra.s32 s15, $0x2;
	[sflag:s10] =	ssyncset.done $0x0;
	p0 =	sne.s32 s15, $0x4E000  }
.Ltmp2:
0x26: {  	s16 =	sadd.s32 s16, s5;
	[sflag:s10] =	ssyncadd.s32 $0xFFFFF800;
	(pc) =	sbr.rel @p0 .LBB2_6-.Ltmp2, $3  }
0x27: {  	[spmem:s16] =	stream.linear.scatter [tilespmem:s9], [sflag:$0x1], $0x800, $0x38;
	[tilespmem:$0x18880] =	vst v63  }
0x28: {  	s15 =	sadd.s32 $0x2000, s15;
	_ =	sdelay $0x1  }
0x29: {  	_ =	swait.ge [sflag:s10], $0x800  }
0x2a: {  	s15 =	simm.s32 $0x0  }
0x2b: {  	s16 =	sand.u32 $0x3C00, s15  }
0x2c: {  	s15 =	sand.u32 $0x380, s15;
	s16 =	sadd.s32 s6, s16  }
0x2d: {  	[sflag:s10] =	ssyncset.done $0x0;
	s15 =	sor.u32 s15, s16  }
0x2e: {  	[sflag:s10] =	ssyncadd.s32 $0xFFFFF800;
	s15 =	sshrl.u32 s15, $0x3  }
0x2f: {  	[bflag:$0x0] =	sbarrier.arrive $0xFFFF;
	s15 =	sadd.s32 s1, s15  }
0x30: {  	[tilespmem:s4], [sflag:$0x1] =	stream.linear.gather [hbm4b:s15+s4], $0x80, $0x38;
	[tilespmem:$0x18880] =	vst v63  }
0x31: {  	_ =	swait.ge [sflag:s10], $0x80  }
0x32: {  	s30 =	simm.s32 $0x80;
	[sflag:s10] =	ssyncset.done $0x0  }
0x33: {  	s31 =	sand.u32 $0x3C00, s30;
	[sflag:s10] =	ssyncadd.s32 $0xFFFFFF80  }
0x34: {  	[spmem:s3] =	stream.indirect.scatter.add.f32 [tilespmem:s11], [sflag:$0x1], $0x80, s4, s11, $0xb8;
	[tilespmem:$0x18880] =	vst v63  }
0x35: {  	s17 =	sand.u32 $0x380, s30;
	s16 =	sadd.s32 s6, s31;
	_ =	swait.ge [sflag:s10], $0x4000  }
0x36: {  	s16 =	sor.u32 s17, s16;
	s15 =	simm.s32 $0x100;
	[sflag:s10] =	ssyncset.done $0x0  }
.LBB2_8:
0x37: {  	s16 =	sshrl.u32 s16, $0x3  }
0x38: {  	[sflag:s10] =	ssyncadd.s32 $0xFFFFC000;
	s17 =	smov.u32 s15;
	s18 =	sadd.s32 $0x80, s15  }
0x39: {  	p0 =	sne.s32 s15, $0x2780;
	s15 =	sadd.s32 s1, s16  }
0x3a: {  	[tilespmem:s4], [sflag:$0x1] =	stream.linear.gather [hbm4b:s15+s4], $0x80, $0x38;
	[tilespmem:$0x18880] =	vst v63  }
0x3b: {  	_ =	swait.ge [sflag:s10], $0x80  }
.Ltmp3:
0x3c: {  	[sflag:s10] =	ssyncset.done $0x0;
	(pc) =	sbr.rel @p0 .LBB2_8-.Ltmp3, $4  }
0x3d: {  	s15 =	sand.u32 $0x3C00, s17;
	[sflag:s10] =	ssyncadd.s32 $0xFFFFFF80  }
0x3e: {  	[spmem:s3] =	stream.indirect.scatter.add.f32 [tilespmem:s11], [sflag:$0x1], $0x80, s4, s11, $0xb8;
	[tilespmem:$0x18880] =	vst v63  }
0x3f: {  	s16 =	sand.u32 $0x380, s17;
	s15 =	sadd.s32 s6, s15;
	_ =	swait.ge [sflag:s10], $0x4000  }
0x40: {  	s16 =	sor.u32 s16, s15;
	s15 =	smov.u32 s18;
	[sflag:s10] =	ssyncset.done $0x0  }
0x41: {  	s15 =	sshrl.u32 s16, $0x3  }
0x42: {  	[sflag:s10] =	ssyncadd.s32 $0xFFFFC000;
	s15 =	sadd.s32 s1, s15  }
0x43: {  	[tilespmem:s4], [sflag:$0x1] =	stream.linear.gather [hbm4b:s15+s4], $0x80, $0x38;
	[tilespmem:$0x18880] =	vst v63  }
0x44: {  	_ =	swait.ge [sflag:s10], $0x80  }
0x45: {  	[sflag:s10] =	ssyncset.done $0x0  }
0x46: {  	[sflag:s10] =	ssyncadd.s32 $0xFFFFFF80  }
0x47: {  	[spmem:s3] =	stream.indirect.scatter.add.f32 [tilespmem:s11], [sflag:$0x1], $0x80, s4, s11, $0xb8;
	[tilespmem:$0x18880] =	vst v63  }
0x48: {  	_ =	swait.ge [sflag:s10], $0x4000  }
0x49: {  	s14 =	sadd.s32 $0x1, s14;
	[sflag:s10] =	ssyncset.done $0x0  }
0x4a: {  	p0 =	sne.s32 s14, s8;
	[sflag:s10] =	ssyncadd.s32 $0xFFFFC000  }
.Ltmp4:
0x4b: {  	[bflag:$0x0] =	sbarrier.arrive $0xFFFF;
	(pc) =	sbr.rel @p0 .LBB2_1-.Ltmp4, $4  }
0x4c: {  	[hbm:s7], [sflag:s12] =	dma.local [spmem:s13], $0x2800  }
0x4d: {  	_ =	swait.ge [sflag:s10], $0x2800  }
0x4e: {  	[sflag:s10] =	ssyncset.done $0x0  }
0x4f: {  	[sflag:s10] =	ssyncadd.s32 $0xFFFFD800  }
0x50: {  	_ =	sfence.sel $0x180000  }
0x51: {  	[bflag:$0x0] =	sbarrier.arrive $0xFFFF  }
0x52: {  	p0 =	sne.s32 s0, $0x0;
	_ =	strace $0x90000047  }
0x53: {  	s0 =	sadd.s32 @!p0 $0x100000, s2;
	[bflag:$0x2] =	sbarrier.arrive $0xFFFF  }
0x54: {  	[sflag:s0] =	ssyncadd.tile.s32 @!p0 $0x1;
	_ =	shalt  }
.Lfunc_end2:
_tile_overlayer_lowered:
.L_overlay_start_2:
0x55: {  	(tag) =	ssettag $0x2  }
0x56: {  	s0 =	rddreg [dreg:$0x0];
	s2 =	stileid.u32  }
0x57: {  	s1 =	rddreg [dreg:$0x1];
	p0 =	sne.s32 s2, $0x0  }
0x58: {  	s3 =	rddreg [dreg:$0x2];
	[bflag:$0x3] =	sbarrier.arrive $0xFFFF;
	s2 =	simm.s32 @!p0 $0x1C01  }
0x59: {  	[timem:s3], [sflag:s2] =	dma.local @!p0 [hbm:s0], s1  }
0x5a: {  	s0 =	simm.s32 @!p0 $0x1  }
0x5b: {  	_ =	swait.ge @!p0 [sflag:s0], s1  }
0x5c: {  	s1 =	ssub.s32 @!p0 $0x0, s1;
	[sflag:s0] =	ssyncset.done @!p0 $0x0  }
0x5d: {  	[sflag:s0] =	ssyncadd.s32 @!p0 s1  }
0x5e: {  	[bflag:$0x3] =	sbarrier.arrive $0xFFFF  }
0x5f: {  	_ =	shalt  }

</sc_bundles>
